<compile_context>
chip_gen: v7x
topology: tpu7x:2x2x1
jax: 0.10.2.dev20260603
libtpu: 0.0.44.dev20260713+nightly
codegen_flags: <defaults>
</compile_context>

<pallas_src>
import jax
import jax.numpy as jnp
from jax import lax
from jax.experimental import pallas as pl
from jax.experimental.pallas import tpu as pltpu
from jax.experimental.pallas import tpu_sc as plsc

DIM = 128
BATCH = 16384

NC = 2
NS = 16
L = 16
NW = NC * NS
BPW = BATCH // NW
CHUNK = 128
NCHUNK = BPW // CHUNK
GROUPS = CHUNK // L


def _gmf_body(user_hbm, item_hbm, utab_hbm, itab_hbm, out_hbm,
              u_idx, i_idx, u_buf, i_buf, o_v, accs, sem_u, sem_i):
    wid = lax.axis_index("s") * NC + lax.axis_index("c")
    base = wid * BPW

    cu = pltpu.async_copy(user_hbm.at[pl.ds(base, BPW)], u_idx, sem_u)
    ci = pltpu.async_copy(item_hbm.at[pl.ds(base, BPW)], i_idx, sem_i)
    cu.wait()
    ci.wait()

    iota = lax.broadcasted_iota(jnp.int32, (L,), 0)

    def issue(c):
        boff = (c % 3) * CHUNK
        pltpu.async_copy(utab_hbm.at[u_idx.at[pl.ds(c * CHUNK, CHUNK)]],
                         u_buf.at[pl.ds(boff, CHUNK)], sem_u)
        pltpu.async_copy(itab_hbm.at[i_idx.at[pl.ds(c * CHUNK, CHUNK)]],
                         i_buf.at[pl.ds(boff, CHUNK)], sem_i)

    issue(0)
    issue(1)
    issue(2)

    def chunk_body(c, _):
        boff = (c % 3) * CHUNK
        pltpu.make_async_copy(utab_hbm.at[u_idx.at[pl.ds(0, CHUNK)]],
                              u_buf.at[pl.ds(boff, CHUNK)], sem_u).wait()
        pltpu.make_async_copy(itab_hbm.at[i_idx.at[pl.ds(0, CHUNK)]],
                              i_buf.at[pl.ds(boff, CHUNK)], sem_i).wait()

        def load_row(r):
            return ([u_buf[r, pl.ds(k * L, L)] for k in range(DIM // L)],
                    [i_buf[r, pl.ds(k * L, L)] for k in range(DIM // L)])

        def rows_phase(g):
            row = boff + g * L
            aoff = (g % 2) * L
            nxt_ld = load_row(row)
            for rr in range(L):
                us, vs = nxt_ld
                if rr + 1 < L:
                    nxt_ld = load_row(row + rr + 1)
                s0 = us[0] * vs[0]
                s1 = us[1] * vs[1]
                s0 = s0 + us[2] * vs[2]
                s1 = s1 + us[3] * vs[3]
                s0 = s0 + us[4] * vs[4]
                s1 = s1 + us[5] * vs[5]
                s0 = s0 + us[6] * vs[6]
                s1 = s1 + us[7] * vs[7]
                accs[aoff + rr, pl.ds(0, L)] = s0 + s1

        def reduce_phase(g):
            rvec = (g % 2) * L + iota
            t0 = plsc.load_gather(accs, [rvec, jnp.zeros((L,), jnp.int32)])
            t1 = plsc.load_gather(accs, [rvec, jnp.zeros((L,), jnp.int32) + 1])
            for j in range(2, L, 2):
                t0 = t0 + plsc.load_gather(
                    accs, [rvec, jnp.zeros((L,), jnp.int32) + j])
                t1 = t1 + plsc.load_gather(
                    accs, [rvec, jnp.zeros((L,), jnp.int32) + j + 1])
            tot = t0 + t1
            o_v[pl.ds(c * CHUNK + g * L, L)] = 1.0 / (1.0 + jnp.exp(-tot))

        rows_phase(0)

        def group_body(t, _):
            reduce_phase(t)
            rows_phase(t + 1)
            return 0

        lax.fori_loop(0, GROUPS - 1, group_body, 0)
        reduce_phase(GROUPS - 1)

        @pl.when(c + 3 < NCHUNK)
        def _():
            pltpu.async_copy(
                utab_hbm.at[u_idx.at[pl.ds((c + 3) * CHUNK, CHUNK)]],
                u_buf.at[pl.ds(boff, CHUNK)], sem_u)
            pltpu.async_copy(
                itab_hbm.at[i_idx.at[pl.ds((c + 3) * CHUNK, CHUNK)]],
                i_buf.at[pl.ds(boff, CHUNK)], sem_i)

        return 0

    lax.fori_loop(0, NCHUNK, chunk_body, 0)

    pltpu.sync_copy(o_v, out_hbm.at[pl.ds(base, BPW)])


@jax.jit
def _gmf(user1d, item1d, user_table, item_table):
    mesh = plsc.VectorSubcoreMesh(core_axis_name="c", subcore_axis_name="s")
    kern = pl.kernel(
        _gmf_body,
        mesh=mesh,
        out_type=jax.ShapeDtypeStruct((BATCH,), jnp.float32),
        compiler_params=pltpu.CompilerParams(needs_layout_passes=False),
        scratch_types=[
            pltpu.VMEM((BPW,), jnp.int32),
            pltpu.VMEM((BPW,), jnp.int32),
            pltpu.VMEM((3 * CHUNK, DIM), jnp.float32),
            pltpu.VMEM((3 * CHUNK, DIM), jnp.float32),
            pltpu.VMEM((BPW,), jnp.float32),
            pltpu.VMEM((2 * L, L + 1), jnp.float32),
            pltpu.SemaphoreType.DMA,
            pltpu.SemaphoreType.DMA,
        ],
    )
    return kern(user1d, item1d, user_table, item_table)


def kernel(user, item, user_table, item_table):
    return _gmf(user.astype(jnp.int32), item.astype(jnp.int32),
                user_table, item_table)

# --- scband reference (transcript-rebuilt; emitter-appended) ---
"""Pipeline reference for scband-gmf-13700945674579 (READ-ONLY COPY).

The authoritative reference and input builder live on the scoring server;
editing this copy changes nothing except your own understanding.
"""

import jax, jax.numpy as jnp
import numpy as np

N_USERS = 100000
N_ITEMS = 100000
DIM = 128
BATCH = 16384

def setup_inputs(seed: int = 0) -> dict:
    key = jax.random.key(seed)
    k1, k2, k3, k4 = jax.random.split(key, 4)
    user = jax.random.randint(k1, (BATCH,), 0, N_USERS, dtype=jnp.int64) if jax.config.jax_enable_x64 else jax.random.randint(k1, (BATCH,), 0, N_USERS, dtype=jnp.int32)
    item = jax.random.randint(k2, (BATCH,), 0, N_ITEMS, dtype=jnp.int32)
    user_table = jax.random.normal(k3, (N_USERS, DIM), dtype=jnp.float32) * 0.05
    item_table = jax.random.normal(k4, (N_ITEMS, DIM), dtype=jnp.float32) * 0.05
    return {"user": user, "item": item, "user_table": user_table, "item_table": item_table}

def reference(user, item, user_table, item_table):
    # GMF forward: embedding lookups, elementwise product, sum over dim, sigmoid
    user_emb = jnp.take(user_table, user, axis=0)   # [B, DIM] gather
    item_emb = jnp.take(item_table, item, axis=0)   # [B, DIM] gather
    mix = user_emb * item_emb
    return jax.nn.sigmoid(mix.sum(-1))              # [B]

if __name__ == "__main__":
    import jax
    _d = setup_inputs()
    print(jax.jit(kernel)(*tuple(_d.values())))

</pallas_src>

<mosaic_0001>
#map = affine_map<(d0, d1) -> (0)>
#map1 = affine_map<(d0, d1) -> (0, 0)>
module attributes {stable_mosaic.version = 14 : i64} {
  func.func @_gmf_body(%arg0: i32, %arg1: i32, %arg2: memref<16384xi32, #tpu.memory_space<hbm>>, %arg3: memref<16384xi32, #tpu.memory_space<hbm>>, %arg4: memref<100000x128xf32, #tpu.memory_space<hbm>>, %arg5: memref<100000x128xf32, #tpu.memory_space<hbm>>, %arg6: memref<16384xf32, #tpu.memory_space<hbm>>, %arg7: memref<512xi32, #tpu.memory_space<vmem>>, %arg8: memref<512xi32, #tpu.memory_space<vmem>>, %arg9: memref<384x128xf32, #tpu.memory_space<vmem>>, %arg10: memref<384x128xf32, #tpu.memory_space<vmem>>, %arg11: memref<512xf32, #tpu.memory_space<vmem>>, %arg12: memref<32x17xf32, #tpu.memory_space<vmem>>, %arg13: memref<!tpu.dma_semaphore, #tpu.memory_space<semaphore_mem>>, %arg14: memref<!tpu.dma_semaphore, #tpu.memory_space<semaphore_mem>>) attributes {dimension_semantics = [#tpu.dimension_semantics<core_parallel>, #tpu.dimension_semantics<subcore_parallel>], iteration_bounds = array<i64: 2, 16>, scalar_prefetch = 0 : i64, scratch_operands = 8 : i64, tpu.core_type = #tpu.core_type<sc_vector_subcore>, window_params = [{transform_indices = #map}, {transform_indices = #map}, {transform_indices = #map1}, {transform_indices = #map1}, {transform_indices = #map}]} {
    %mul3A = arith.constant 2 : i32
    %mul3A_0 = arith.muli %arg1, %mul3A : i32
    %add3A = arith.addi %mul3A_0, %arg0 : i32
    %mul3A_1 = arith.constant 512 : i32
    %mul3A_2 = arith.muli %add3A, %mul3A_1 : i32
    %dma_start3A = tpu.memref_slice %arg2[%mul3A_2] : memref<16384xi32, #tpu.memory_space<hbm>> -> memref<512xi32, #tpu.memory_space<hbm>>
    %dma_start3A_3 = tpu.memref_slice %arg2[%mul3A_2] : memref<16384xi32, #tpu.memory_space<hbm>> -> memref<512xi32, #tpu.memory_space<hbm>>
    tpu.enqueue_dma source(%dma_start3A_3 : memref<512xi32, #tpu.memory_space<hbm>>) target(%arg7 : memref<512xi32, #tpu.memory_space<vmem>>) target_semaphore(%arg13 : memref<!tpu.dma_semaphore, #tpu.memory_space<semaphore_mem>>)
    %dma_start3A_4 = tpu.memref_slice %arg3[%mul3A_2] : memref<16384xi32, #tpu.memory_space<hbm>> -> memref<512xi32, #tpu.memory_space<hbm>>
    %dma_start3A_5 = tpu.memref_slice %arg3[%mul3A_2] : memref<16384xi32, #tpu.memory_space<hbm>> -> memref<512xi32, #tpu.memory_space<hbm>>
    tpu.enqueue_dma source(%dma_start3A_5 : memref<512xi32, #tpu.memory_space<hbm>>) target(%arg8 : memref<512xi32, #tpu.memory_space<vmem>>) target_semaphore(%arg14 : memref<!tpu.dma_semaphore, #tpu.memory_space<semaphore_mem>>)
    %dma_wait3A = tpu.memref_slice %arg2[%mul3A_2] : memref<16384xi32, #tpu.memory_space<hbm>> -> memref<512xi32, #tpu.memory_space<hbm>>
    %dma_wait3A_6 = tpu.memref_slice %arg2[%mul3A_2] : memref<16384xi32, #tpu.memory_space<hbm>> -> memref<512xi32, #tpu.memory_space<hbm>>
    tpu.wait_dma2 semaphore(%arg13 : memref<!tpu.dma_semaphore, #tpu.memory_space<semaphore_mem>>) src(%dma_wait3A_6 : memref<512xi32, #tpu.memory_space<hbm>>) dst(%arg7 : memref<512xi32, #tpu.memory_space<vmem>>)
    %dma_wait3A_7 = tpu.memref_slice %arg3[%mul3A_2] : memref<16384xi32, #tpu.memory_space<hbm>> -> memref<512xi32, #tpu.memory_space<hbm>>
    %dma_wait3A_8 = tpu.memref_slice %arg3[%mul3A_2] : memref<16384xi32, #tpu.memory_space<hbm>> -> memref<512xi32, #tpu.memory_space<hbm>>
    tpu.wait_dma2 semaphore(%arg14 : memref<!tpu.dma_semaphore, #tpu.memory_space<semaphore_mem>>) src(%dma_wait3A_8 : memref<512xi32, #tpu.memory_space<hbm>>) dst(%arg8 : memref<512xi32, #tpu.memory_space<vmem>>)
    %iota3A = tpu.iota {dimensions = array<i32: 0>} : vector<16xi32>
    %dma_start3A_9 = arith.constant 0 : i32
    %dma_start3A_10 = arith.constant 0 : i32
    %dma_start3A_11 = tpu.memref_slice %arg9[%dma_start3A_9, %dma_start3A_10] : memref<384x128xf32, #tpu.memory_space<vmem>> -> memref<128x128xf32, #tpu.memory_space<vmem>>
    %dma_start3A_12 = arith.constant 0 : i32
    %dma_start3A_13 = tpu.memref_slice %arg7[%dma_start3A_12] : memref<512xi32, #tpu.memory_space<vmem>> -> memref<128xi32, #tpu.memory_space<vmem>>
    %dma_start3A_14 = arith.constant 0 : i32
    %dma_start3A_15 = arith.constant 0 : i32
    %dma_start3A_16 = tpu.memref_slice %arg4[%dma_start3A_14, %dma_start3A_15] : memref<100000x128xf32, #tpu.memory_space<hbm>> -> memref<100000x128xf32, #tpu.memory_space<hbm>>
    tpu.enqueue_indirect_dma source(%dma_start3A_16 : memref<100000x128xf32, #tpu.memory_space<hbm>>) target(%dma_start3A_11 : memref<128x128xf32, #tpu.memory_space<vmem>>) offsets(%dma_start3A_13 : memref<128xi32, #tpu.memory_space<vmem>>) semaphore(%arg13 : memref<!tpu.dma_semaphore, #tpu.memory_space<semaphore_mem>>)
    %dma_start3A_17 = arith.constant 0 : i32
    %dma_start3A_18 = arith.constant 0 : i32
    %dma_start3A_19 = tpu.memref_slice %arg10[%dma_start3A_17, %dma_start3A_18] : memref<384x128xf32, #tpu.memory_space<vmem>> -> memref<128x128xf32, #tpu.memory_space<vmem>>
    %dma_start3A_20 = arith.constant 0 : i32
    %dma_start3A_21 = tpu.memref_slice %arg8[%dma_start3A_20] : memref<512xi32, #tpu.memory_space<vmem>> -> memref<128xi32, #tpu.memory_space<vmem>>
    %dma_start3A_22 = arith.constant 0 : i32
    %dma_start3A_23 = arith.constant 0 : i32
    %dma_start3A_24 = tpu.memref_slice %arg5[%dma_start3A_22, %dma_start3A_23] : memref<100000x128xf32, #tpu.memory_space<hbm>> -> memref<100000x128xf32, #tpu.memory_space<hbm>>
    tpu.enqueue_indirect_dma source(%dma_start3A_24 : memref<100000x128xf32, #tpu.memory_space<hbm>>) target(%dma_start3A_19 : memref<128x128xf32, #tpu.memory_space<vmem>>) offsets(%dma_start3A_21 : memref<128xi32, #tpu.memory_space<vmem>>) semaphore(%arg14 : memref<!tpu.dma_semaphore, #tpu.memory_space<semaphore_mem>>)
    %dma_start3A_25 = arith.constant 128 : i32
    %dma_start3A_26 = arith.constant 0 : i32
    %dma_start3A_27 = tpu.memref_slice %arg9[%dma_start3A_25, %dma_start3A_26] : memref<384x128xf32, #tpu.memory_space<vmem>> -> memref<128x128xf32, #tpu.memory_space<vmem>>
    %dma_start3A_28 = arith.constant 128 : i32
    %dma_start3A_29 = tpu.memref_slice %arg7[%dma_start3A_28] : memref<512xi32, #tpu.memory_space<vmem>> -> memref<128xi32, #tpu.memory_space<vmem>>
    %dma_start3A_30 = arith.constant 0 : i32
    %dma_start3A_31 = arith.constant 0 : i32
    %dma_start3A_32 = tpu.memref_slice %arg4[%dma_start3A_30, %dma_start3A_31] : memref<100000x128xf32, #tpu.memory_space<hbm>> -> memref<100000x128xf32, #tpu.memory_space<hbm>>
    tpu.enqueue_indirect_dma source(%dma_start3A_32 : memref<100000x128xf32, #tpu.memory_space<hbm>>) target(%dma_start3A_27 : memref<128x128xf32, #tpu.memory_space<vmem>>) offsets(%dma_start3A_29 : memref<128xi32, #tpu.memory_space<vmem>>) semaphore(%arg13 : memref<!tpu.dma_semaphore, #tpu.memory_space<semaphore_mem>>)
    %dma_start3A_33 = arith.constant 128 : i32
    %dma_start3A_34 = arith.constant 0 : i32
    %dma_start3A_35 = tpu.memref_slice %arg10[%dma_start3A_33, %dma_start3A_34] : memref<384x128xf32, #tpu.memory_space<vmem>> -> memref<128x128xf32, #tpu.memory_space<vmem>>
    %dma_start3A_36 = arith.constant 128 : i32
    %dma_start3A_37 = tpu.memref_slice %arg8[%dma_start3A_36] : memref<512xi32, #tpu.memory_space<vmem>> -> memref<128xi32, #tpu.memory_space<vmem>>
    %dma_start3A_38 = arith.constant 0 : i32
    %dma_start3A_39 = arith.constant 0 : i32
    %dma_start3A_40 = tpu.memref_slice %arg5[%dma_start3A_38, %dma_start3A_39] : memref<100000x128xf32, #tpu.memory_space<hbm>> -> memref<100000x128xf32, #tpu.memory_space<hbm>>
    tpu.enqueue_indirect_dma source(%dma_start3A_40 : memref<100000x128xf32, #tpu.memory_space<hbm>>) target(%dma_start3A_35 : memref<128x128xf32, #tpu.memory_space<vmem>>) offsets(%dma_start3A_37 : memref<128xi32, #tpu.memory_space<vmem>>) semaphore(%arg14 : memref<!tpu.dma_semaphore, #tpu.memory_space<semaphore_mem>>)
    %dma_start3A_41 = arith.constant 256 : i32
    %dma_start3A_42 = arith.constant 0 : i32
    %dma_start3A_43 = tpu.memref_slice %arg9[%dma_start3A_41, %dma_start3A_42] : memref<384x128xf32, #tpu.memory_space<vmem>> -> memref<128x128xf32, #tpu.memory_space<vmem>>
    %dma_start3A_44 = arith.constant 256 : i32
    %dma_start3A_45 = tpu.memref_slice %arg7[%dma_start3A_44] : memref<512xi32, #tpu.memory_space<vmem>> -> memref<128xi32, #tpu.memory_space<vmem>>
    %dma_start3A_46 = arith.constant 0 : i32
    %dma_start3A_47 = arith.constant 0 : i32
    %dma_start3A_48 = tpu.memref_slice %arg4[%dma_start3A_46, %dma_start3A_47] : memref<100000x128xf32, #tpu.memory_space<hbm>> -> memref<100000x128xf32, #tpu.memory_space<hbm>>
    tpu.enqueue_indirect_dma source(%dma_start3A_48 : memref<100000x128xf32, #tpu.memory_space<hbm>>) target(%dma_start3A_43 : memref<128x128xf32, #tpu.memory_space<vmem>>) offsets(%dma_start3A_45 : memref<128xi32, #tpu.memory_space<vmem>>) semaphore(%arg13 : memref<!tpu.dma_semaphore, #tpu.memory_space<semaphore_mem>>)
    %dma_start3A_49 = arith.constant 256 : i32
    %dma_start3A_50 = arith.constant 0 : i32
    %dma_start3A_51 = tpu.memref_slice %arg10[%dma_start3A_49, %dma_start3A_50] : memref<384x128xf32, #tpu.memory_space<vmem>> -> memref<128x128xf32, #tpu.memory_space<vmem>>
    %dma_start3A_52 = arith.constant 256 : i32
    %dma_start3A_53 = tpu.memref_slice %arg8[%dma_start3A_52] : memref<512xi32, #tpu.memory_space<vmem>> -> memref<128xi32, #tpu.memory_space<vmem>>
    %dma_start3A_54 = arith.constant 0 : i32
    %dma_start3A_55 = arith.constant 0 : i32
    %dma_start3A_56 = tpu.memref_slice %arg5[%dma_start3A_54, %dma_start3A_55] : memref<100000x128xf32, #tpu.memory_space<hbm>> -> memref<100000x128xf32, #tpu.memory_space<hbm>>
    tpu.enqueue_indirect_dma source(%dma_start3A_56 : memref<100000x128xf32, #tpu.memory_space<hbm>>) target(%dma_start3A_51 : memref<128x128xf32, #tpu.memory_space<vmem>>) offsets(%dma_start3A_53 : memref<128xi32, #tpu.memory_space<vmem>>) semaphore(%arg14 : memref<!tpu.dma_semaphore, #tpu.memory_space<semaphore_mem>>)
    %scan3A = arith.constant 0 : i32
    %scan3A_57 = arith.constant 0 : i32
    %scan3A_58 = arith.constant 4 : i32
    %scan3A_59 = arith.addi %scan3A_57, %scan3A_58 : i32
    %scan3A_60 = arith.constant 1 : i32
    %scan3A_61 = scf.for %scan3A_63 = %scan3A_57 to %scan3A_59 step %scan3A_60 iter_args(%scan3A_64 = %scan3A) -> (i32)  : i32 {
      %jit3A = arith.constant 3 : i32
      %eq3A = arith.constant 0 : i32
      %eq3A_65 = arith.cmpi eq, %jit3A, %eq3A : i32
      %jit3A_66 = arith.constant 1 : i32
      %select_n3A = arith.select %eq3A_65, %jit3A_66, %jit3A : i32
      %rem3A = arith.remsi %scan3A_63, %select_n3A : i32
      %ne3A = arith.constant 0 : i32
      %ne3A_67 = arith.cmpi ne, %rem3A, %ne3A : i32
      %lt3A = arith.constant 0 : i32
      %lt3A_68 = arith.cmpi slt, %rem3A, %lt3A : i32
      %lt3A_69 = arith.constant 0 : i32
      %lt3A_70 = arith.cmpi slt, %select_n3A, %lt3A_69 : i32
      %ne3A_71 = arith.xori %lt3A_68, %lt3A_70 : i1
      %and3A = arith.andi %ne3A_71, %ne3A_67 : i1
      %add3A_72 = arith.addi %rem3A, %select_n3A : i32
      %select_n3A_73 = arith.select %and3A, %add3A_72, %rem3A : i32
      %mul3A_74 = arith.constant 128 : i32
      %mul3A_75 = arith.muli %select_n3A_73, %mul3A_74 : i32
      %dma_wait3A_76 = arith.constant 0 : i32
      %dma_wait3A_77 = tpu.memref_slice %arg9[%mul3A_75, %dma_wait3A_76] : memref<384x128xf32, #tpu.memory_space<vmem>> -> memref<128x128xf32, #tpu.memory_space<vmem>>
      %dma_wait3A_78 = arith.constant 0 : i32
      %dma_wait3A_79 = tpu.memref_slice %arg7[%dma_wait3A_78] : memref<512xi32, #tpu.memory_space<vmem>> -> memref<128xi32, #tpu.memory_space<vmem>>
      %dma_wait3A_80 = arith.constant 0 : i32
      %dma_wait3A_81 = arith.constant 0 : i32
      %dma_wait3A_82 = tpu.memref_slice %arg4[%dma_wait3A_80, %dma_wait3A_81] : memref<100000x128xf32, #tpu.memory_space<hbm>> -> memref<100000x128xf32, #tpu.memory_space<hbm>>
      tpu.wait_indirect_dma semaphore(%arg13 : memref<!tpu.dma_semaphore, #tpu.memory_space<semaphore_mem>>) src(%dma_wait3A_82 : memref<100000x128xf32, #tpu.memory_space<hbm>>) dst(%dma_wait3A_77 : memref<128x128xf32, #tpu.memory_space<vmem>>)
      %dma_wait3A_83 = arith.constant 0 : i32
      %dma_wait3A_84 = tpu.memref_slice %arg10[%mul3A_75, %dma_wait3A_83] : memref<384x128xf32, #tpu.memory_space<vmem>> -> memref<128x128xf32, #tpu.memory_space<vmem>>
      %dma_wait3A_85 = arith.constant 0 : i32
      %dma_wait3A_86 = tpu.memref_slice %arg8[%dma_wait3A_85] : memref<512xi32, #tpu.memory_space<vmem>> -> memref<128xi32, #tpu.memory_space<vmem>>
      %dma_wait3A_87 = arith.constant 0 : i32
      %dma_wait3A_88 = arith.constant 0 : i32
      %dma_wait3A_89 = tpu.memref_slice %arg5[%dma_wait3A_87, %dma_wait3A_88] : memref<100000x128xf32, #tpu.memory_space<hbm>> -> memref<100000x128xf32, #tpu.memory_space<hbm>>
      tpu.wait_indirect_dma semaphore(%arg14 : memref<!tpu.dma_semaphore, #tpu.memory_space<semaphore_mem>>) src(%dma_wait3A_89 : memref<100000x128xf32, #tpu.memory_space<hbm>>) dst(%dma_wait3A_84 : memref<128x128xf32, #tpu.memory_space<vmem>>)
      %add3A_90 = arith.constant 0 : i32
      %add3A_91 = arith.addi %mul3A_75, %add3A_90 : i32
      %get3A = arith.index_cast %add3A_91 : i32 to index
      %get3A_92 = arith.constant 0 : index
      %get3A_93 = tpu.vector_load %arg9[%get3A, %get3A_92] {strides = array<i32>} : memref<384x128xf32, #tpu.memory_space<vmem>>, vector<16xf32>,
      %get3A_94 = arith.index_cast %add3A_91 : i32 to index
      %get3A_95 = arith.constant 16 : index
      %get3A_96 = tpu.vector_load %arg9[%get3A_94, %get3A_95] {strides = array<i32>} : memref<384x128xf32, #tpu.memory_space<vmem>>, vector<16xf32>,
      %get3A_97 = arith.index_cast %add3A_91 : i32 to index
      %get3A_98 = arith.constant 32 : index
      %get3A_99 = tpu.vector_load %arg9[%get3A_97, %get3A_98] {strides = array<i32>} : memref<384x128xf32, #tpu.memory_space<vmem>>, vector<16xf32>,
      %get3A_100 = arith.index_cast %add3A_91 : i32 to index
      %get3A_101 = arith.constant 48 : index
      %get3A_102 = tpu.vector_load %arg9[%get3A_100, %get3A_101] {strides = array<i32>} : memref<384x128xf32, #tpu.memory_space<vmem>>, vector<16xf32>,
      %get3A_103 = arith.index_cast %add3A_91 : i32 to index
      %get3A_104 = arith.constant 64 : index
      %get3A_105 = tpu.vector_load %arg9[%get3A_103, %get3A_104] {strides = array<i32>} : memref<384x128xf32, #tpu.memory_space<vmem>>, vector<16xf32>,
      %get3A_106 = arith.index_cast %add3A_91 : i32 to index
      %get3A_107 = arith.constant 80 : index
      %get3A_108 = tpu.vector_load %arg9[%get3A_106, %get3A_107] {strides = array<i32>} : memref<384x128xf32, #tpu.memory_space<vmem>>, vector<16xf32>,
      %get3A_109 = arith.index_cast %add3A_91 : i32 to index
      %get3A_110 = arith.constant 96 : index
      %get3A_111 = tpu.vector_load %arg9[%get3A_109, %get3A_110] {strides = array<i32>} : memref<384x128xf32, #tpu.memory_space<vmem>>, vector<16xf32>,
      %get3A_112 = arith.index_cast %add3A_91 : i32 to index
      %get3A_113 = arith.constant 112 : index
      %get3A_114 = tpu.vector_load %arg9[%get3A_112, %get3A_113] {strides = array<i32>} : memref<384x128xf32, #tpu.memory_space<vmem>>, vector<16xf32>,
      %get3A_115 = arith.index_cast %add3A_91 : i32 to index
      %get3A_116 = arith.constant 0 : index
      %get3A_117 = tpu.vector_load %arg10[%get3A_115, %get3A_116] {strides = array<i32>} : memref<384x128xf32, #tpu.memory_space<vmem>>, vector<16xf32>,
      %get3A_118 = arith.index_cast %add3A_91 : i32 to index
      %get3A_119 = arith.constant 16 : index
      %get3A_120 = tpu.vector_load %arg10[%get3A_118, %get3A_119] {strides = array<i32>} : memref<384x128xf32, #tpu.memory_space<vmem>>, vector<16xf32>,
      %get3A_121 = arith.index_cast %add3A_91 : i32 to index
      %get3A_122 = arith.constant 32 : index
      %get3A_123 = tpu.vector_load %arg10[%get3A_121, %get3A_122] {strides = array<i32>} : memref<384x128xf32, #tpu.memory_space<vmem>>, vector<16xf32>,
      %get3A_124 = arith.index_cast %add3A_91 : i32 to index
      %get3A_125 = arith.constant 48 : index
      %get3A_126 = tpu.vector_load %arg10[%get3A_124, %get3A_125] {strides = array<i32>} : memref<384x128xf32, #tpu.memory_space<vmem>>, vector<16xf32>,
      %get3A_127 = arith.index_cast %add3A_91 : i32 to index
      %get3A_128 = arith.constant 64 : index
      %get3A_129 = tpu.vector_load %arg10[%get3A_127, %get3A_128] {strides = array<i32>} : memref<384x128xf32, #tpu.memory_space<vmem>>, vector<16xf32>,
      %get3A_130 = arith.index_cast %add3A_91 : i32 to index
      %get3A_131 = arith.constant 80 : index
      %get3A_132 = tpu.vector_load %arg10[%get3A_130, %get3A_131] {strides = array<i32>} : memref<384x128xf32, #tpu.memory_space<vmem>>, vector<16xf32>,
      %get3A_133 = arith.index_cast %add3A_91 : i32 to index
      %get3A_134 = arith.constant 96 : index
      %get3A_135 = tpu.vector_load %arg10[%get3A_133, %get3A_134] {strides = array<i32>} : memref<384x128xf32, #tpu.memory_space<vmem>>, vector<16xf32>,
      %get3A_136 = arith.index_cast %add3A_91 : i32 to index
      %get3A_137 = arith.constant 112 : index
      %get3A_138 = tpu.vector_load %arg10[%get3A_136, %get3A_137] {strides = array<i32>} : memref<384x128xf32, #tpu.memory_space<vmem>>, vector<16xf32>,
      %add3A_139 = arith.constant 0 : i32
      %add3A_140 = arith.addi %add3A_91, %add3A_139 : i32
      %add3A_141 = arith.constant 1 : i32
      %add3A_142 = arith.addi %add3A_140, %add3A_141 : i32
      %get3A_143 = arith.index_cast %add3A_142 : i32 to index
      %get3A_144 = arith.constant 0 : index
      %get3A_145 = tpu.vector_load %arg9[%get3A_143, %get3A_144] {strides = array<i32>} : memref<384x128xf32, #tpu.memory_space<vmem>>, vector<16xf32>,
      %get3A_146 = arith.index_cast %add3A_142 : i32 to index
      %get3A_147 = arith.constant 16 : index
      %get3A_148 = tpu.vector_load %arg9[%get3A_146, %get3A_147] {strides = array<i32>} : memref<384x128xf32, #tpu.memory_space<vmem>>, vector<16xf32>,
      %get3A_149 = arith.index_cast %add3A_142 : i32 to index
      %get3A_150 = arith.constant 32 : index
      %get3A_151 = tpu.vector_load %arg9[%get3A_149, %get3A_150] {strides = array<i32>} : memref<384x128xf32, #tpu.memory_space<vmem>>, vector<16xf32>,
      %get3A_152 = arith.index_cast %add3A_142 : i32 to index
      %get3A_153 = arith.constant 48 : index
      %get3A_154 = tpu.vector_load %arg9[%get3A_152, %get3A_153] {strides = array<i32>} : memref<384x128xf32, #tpu.memory_space<vmem>>, vector<16xf32>,
      %get3A_155 = arith.index_cast %add3A_142 : i32 to index
      %get3A_156 = arith.constant 64 : index
      %get3A_157 = tpu.vector_load %arg9[%get3A_155, %get3A_156] {strides = array<i32>} : memref<384x128xf32, #tpu.memory_space<vmem>>, vector<16xf32>,
      %get3A_158 = arith.index_cast %add3A_142 : i32 to index
      %get3A_159 = arith.constant 80 : index
      %get3A_160 = tpu.vector_load %arg9[%get3A_158, %get3A_159] {strides = array<i32>} : memref<384x128xf32, #tpu.memory_space<vmem>>, vector<16xf32>,
      %get3A_161 = arith.index_cast %add3A_142 : i32 to index
      %get3A_162 = arith.constant 96 : index
      %get3A_163 = tpu.vector_load %arg9[%get3A_161, %get3A_162] {strides = array<i32>} : memref<384x128xf32, #tpu.memory_space<vmem>>, vector<16xf32>,
      %get3A_164 = arith.index_cast %add3A_142 : i32 to index
      %get3A_165 = arith.constant 112 : index
      %get3A_166 = tpu.vector_load %arg9[%get3A_164, %get3A_165] {strides = array<i32>} : memref<384x128xf32, #tpu.memory_space<vmem>>, vector<16xf32>,
      %get3A_167 = arith.index_cast %add3A_142 : i32 to index
      %get3A_168 = arith.constant 0 : index
      %get3A_169 = tpu.vector_load %arg10[%get3A_167, %get3A_168] {strides = array<i32>} : memref<384x128xf32, #tpu.memory_space<vmem>>, vector<16xf32>,
      %get3A_170 = arith.index_cast %add3A_142 : i32 to index
      %get3A_171 = arith.constant 16 : index
      %get3A_172 = tpu.vector_load %arg10[%get3A_170, %get3A_171] {strides = array<i32>} : memref<384x128xf32, #tpu.memory_space<vmem>>, vector<16xf32>,
      %get3A_173 = arith.index_cast %add3A_142 : i32 to index
      %get3A_174 = arith.constant 32 : index
      %get3A_175 = tpu.vector_load %arg10[%get3A_173, %get3A_174] {strides = array<i32>} : memref<384x128xf32, #tpu.memory_space<vmem>>, vector<16xf32>,
      %get3A_176 = arith.index_cast %add3A_142 : i32 to index
      %get3A_177 = arith.constant 48 : index
      %get3A_178 = tpu.vector_load %arg10[%get3A_176, %get3A_177] {strides = array<i32>} : memref<384x128xf32, #tpu.memory_space<vmem>>, vector<16xf32>,
      %get3A_179 = arith.index_cast %add3A_142 : i32 to index
      %get3A_180 = arith.constant 64 : index
      %get3A_181 = tpu.vector_load %arg10[%get3A_179, %get3A_180] {strides = array<i32>} : memref<384x128xf32, #tpu.memory_space<vmem>>, vector<16xf32>,
      %get3A_182 = arith.index_cast %add3A_142 : i32 to index
      %get3A_183 = arith.constant 80 : index
      %get3A_184 = tpu.vector_load %arg10[%get3A_182, %get3A_183] {strides = array<i32>} : memref<384x128xf32, #tpu.memory_space<vmem>>, vector<16xf32>,
      %get3A_185 = arith.index_cast %add3A_142 : i32 to index
      %get3A_186 = arith.constant 96 : index
      %get3A_187 = tpu.vector_load %arg10[%get3A_185, %get3A_186] {strides = array<i32>} : memref<384x128xf32, #tpu.memory_space<vmem>>, vector<16xf32>,
      %get3A_188 = arith.index_cast %add3A_142 : i32 to index
      %get3A_189 = arith.constant 112 : index
      %get3A_190 = tpu.vector_load %arg10[%get3A_188, %get3A_189] {strides = array<i32>} : memref<384x128xf32, #tpu.memory_space<vmem>>, vector<16xf32>,
      %mul3A_191 = arith.mulf %get3A_93, %get3A_117 : vector<16xf32>
      %mul3A_192 = arith.mulf %get3A_96, %get3A_120 : vector<16xf32>
      %mul3A_193 = arith.mulf %get3A_99, %get3A_123 : vector<16xf32>
      %add3A_194 = arith.addf %mul3A_191, %mul3A_193 : vector<16xf32>
      %mul3A_195 = arith.mulf %get3A_102, %get3A_126 : vector<16xf32>
      %add3A_196 = arith.addf %mul3A_192, %mul3A_195 : vector<16xf32>
      %mul3A_197 = arith.mulf %get3A_105, %get3A_129 : vector<16xf32>
      %add3A_198 = arith.addf %add3A_194, %mul3A_197 : vector<16xf32>
      %mul3A_199 = arith.mulf %get3A_108, %get3A_132 : vector<16xf32>
      %add3A_200 = arith.addf %add3A_196, %mul3A_199 : vector<16xf32>
      %mul3A_201 = arith.mulf %get3A_111, %get3A_135 : vector<16xf32>
      %add3A_202 = arith.addf %add3A_198, %mul3A_201 : vector<16xf32>
      %mul3A_203 = arith.mulf %get3A_114, %get3A_138 : vector<16xf32>
      %add3A_204 = arith.addf %add3A_200, %mul3A_203 : vector<16xf32>
      %add3A_205 = arith.addf %add3A_202, %add3A_204 : vector<16xf32>
      %swap3A = arith.constant 0 : i32
      %swap3A_206 = arith.index_cast %swap3A : i32 to index
      %swap3A_207 = arith.constant 0 : index
      %swap3A_208 = tpu.vector_load %arg12[%swap3A_206, %swap3A_207] {strides = array<i32>} : memref<32x17xf32, #tpu.memory_space<vmem>>, vector<16xf32>,
      tpu.vector_store %arg12[%swap3A_206, %swap3A_207], %add3A_205 {strides = array<i32>} : memref<32x17xf32, #tpu.memory_space<vmem>>, vector<16xf32>,
      %add3A_209 = arith.constant 1 : i32
      %add3A_210 = arith.addi %add3A_91, %add3A_209 : i32
      %add3A_211 = arith.constant 1 : i32
      %add3A_212 = arith.addi %add3A_210, %add3A_211 : i32
      %get3A_213 = arith.index_cast %add3A_212 : i32 to index
      %get3A_214 = arith.constant 0 : index
      %get3A_215 = tpu.vector_load %arg9[%get3A_213, %get3A_214] {strides = array<i32>} : memref<384x128xf32, #tpu.memory_space<vmem>>, vector<16xf32>,
      %get3A_216 = arith.index_cast %add3A_212 : i32 to index
      %get3A_217 = arith.constant 16 : index
      %get3A_218 = tpu.vector_load %arg9[%get3A_216, %get3A_217] {strides = array<i32>} : memref<384x128xf32, #tpu.memory_space<vmem>>, vector<16xf32>,
      %get3A_219 = arith.index_cast %add3A_212 : i32 to index
      %get3A_220 = arith.constant 32 : index
      %get3A_221 = tpu.vector_load %arg9[%get3A_219, %get3A_220] {strides = array<i32>} : memref<384x128xf32, #tpu.memory_space<vmem>>, vector<16xf32>,
      %get3A_222 = arith.index_cast %add3A_212 : i32 to index
      %get3A_223 = arith.constant 48 : index
      %get3A_224 = tpu.vector_load %arg9[%get3A_222, %get3A_223] {strides = array<i32>} : memref<384x128xf32, #tpu.memory_space<vmem>>, vector<16xf32>,
      %get3A_225 = arith.index_cast %add3A_212 : i32 to index
      %get3A_226 = arith.constant 64 : index
      %get3A_227 = tpu.vector_load %arg9[%get3A_225, %get3A_226] {strides = array<i32>} : memref<384x128xf32, #tpu.memory_space<vmem>>, vector<16xf32>,
      %get3A_228 = arith.index_cast %add3A_212 : i32 to index
      %get3A_229 = arith.constant 80 : index
      %get3A_230 = tpu.vector_load %arg9[%get3A_228, %get3A_229] {strides = array<i32>} : memref<384x128xf32, #tpu.memory_space<vmem>>, vector<16xf32>,
      %get3A_231 = arith.index_cast %add3A_212 : i32 to index
      %get3A_232 = arith.constant 96 : index
      %get3A_233 = tpu.vector_load %arg9[%get3A_231, %get3A_232] {strides = array<i32>} : memref<384x128xf32, #tpu.memory_space<vmem>>, vector<16xf32>,
      %get3A_234 = arith.index_cast %add3A_212 : i32 to index
      %get3A_235 = arith.constant 112 : index
      %get3A_236 = tpu.vector_load %arg9[%get3A_234, %get3A_235] {strides = array<i32>} : memref<384x128xf32, #tpu.memory_space<vmem>>, vector<16xf32>,
      %get3A_237 = arith.index_cast %add3A_212 : i32 to index
      %get3A_238 = arith.constant 0 : index
      %get3A_239 = tpu.vector_load %arg10[%get3A_237, %get3A_238] {strides = array<i32>} : memref<384x128xf32, #tpu.memory_space<vmem>>, vector<16xf32>,
      %get3A_240 = arith.index_cast %add3A_212 : i32 to index
      %get3A_241 = arith.constant 16 : index
      %get3A_242 = tpu.vector_load %arg10[%get3A_240, %get3A_241] {strides = array<i32>} : memref<384x128xf32, #tpu.memory_space<vmem>>, vector<16xf32>,
      %get3A_243 = arith.index_cast %add3A_212 : i32 to index
      %get3A_244 = arith.constant 32 : index
      %get3A_245 = tpu.vector_load %arg10[%get3A_243, %get3A_244] {strides = array<i32>} : memref<384x128xf32, #tpu.memory_space<vmem>>, vector<16xf32>,
      %get3A_246 = arith.index_cast %add3A_212 : i32 to index
      %get3A_247 = arith.constant 48 : index
      %get3A_248 = tpu.vector_load %arg10[%get3A_246, %get3A_247] {strides = array<i32>} : memref<384x128xf32, #tpu.memory_space<vmem>>, vector<16xf32>,
      %get3A_249 = arith.index_cast %add3A_212 : i32 to index
      %get3A_250 = arith.constant 64 : index
      %get3A_251 = tpu.vector_load %arg10[%get3A_249, %get3A_250] {strides = array<i32>} : memref<384x128xf32, #tpu.memory_space<vmem>>, vector<16xf32>,
      %get3A_252 = arith.index_cast %add3A_212 : i32 to index
      %get3A_253 = arith.constant 80 : index
      %get3A_254 = tpu.vector_load %arg10[%get3A_252, %get3A_253] {strides = array<i32>} : memref<384x128xf32, #tpu.memory_space<vmem>>, vector<16xf32>,
      %get3A_255 = arith.index_cast %add3A_212 : i32 to index
      %get3A_256 = arith.constant 96 : index
      %get3A_257 = tpu.vector_load %arg10[%get3A_255, %get3A_256] {strides = array<i32>} : memref<384x128xf32, #tpu.memory_space<vmem>>, vector<16xf32>,
      %get3A_258 = arith.index_cast %add3A_212 : i32 to index
      %get3A_259 = arith.constant 112 : index
      %get3A_260 = tpu.vector_load %arg10[%get3A_258, %get3A_259] {strides = array<i32>} : memref<384x128xf32, #tpu.memory_space<vmem>>, vector<16xf32>,
      %mul3A_261 = arith.mulf %get3A_145, %get3A_169 : vector<16xf32>
      %mul3A_262 = arith.mulf %get3A_148, %get3A_172 : vector<16xf32>
      %mul3A_263 = arith.mulf %get3A_151, %get3A_175 : vector<16xf32>
      %add3A_264 = arith.addf %mul3A_261, %mul3A_263 : vector<16xf32>
      %mul3A_265 = arith.mulf %get3A_154, %get3A_178 : vector<16xf32>
      %add3A_266 = arith.addf %mul3A_262, %mul3A_265 : vector<16xf32>
      %mul3A_267 = arith.mulf %get3A_157, %get3A_181 : vector<16xf32>
      %add3A_268 = arith.addf %add3A_264, %mul3A_267 : vector<16xf32>
      %mul3A_269 = arith.mulf %get3A_160, %get3A_184 : vector<16xf32>
      %add3A_270 = arith.addf %add3A_266, %mul3A_269 : vector<16xf32>
      %mul3A_271 = arith.mulf %get3A_163, %get3A_187 : vector<16xf32>
      %add3A_272 = arith.addf %add3A_268, %mul3A_271 : vector<16xf32>
      %mul3A_273 = arith.mulf %get3A_166, %get3A_190 : vector<16xf32>
      %add3A_274 = arith.addf %add3A_270, %mul3A_273 : vector<16xf32>
      %add3A_275 = arith.addf %add3A_272, %add3A_274 : vector<16xf32>
      %swap3A_276 = arith.constant 1 : i32
      %swap3A_277 = arith.index_cast %swap3A_276 : i32 to index
      %swap3A_278 = arith.constant 0 : index
      %swap3A_279 = tpu.vector_load %arg12[%swap3A_277, %swap3A_278] {strides = array<i32>} : memref<32x17xf32, #tpu.memory_space<vmem>>, vector<16xf32>,
      tpu.vector_store %arg12[%swap3A_277, %swap3A_278], %add3A_275 {strides = array<i32>} : memref<32x17xf32, #tpu.memory_space<vmem>>, vector<16xf32>,
      %add3A_280 = arith.constant 2 : i32
      %add3A_281 = arith.addi %add3A_91, %add3A_280 : i32
      %add3A_282 = arith.constant 1 : i32
      %add3A_283 = arith.addi %add3A_281, %add3A_282 : i32
      %get3A_284 = arith.index_cast %add3A_283 : i32 to index
      %get3A_285 = arith.constant 0 : index
      %get3A_286 = tpu.vector_load %arg9[%get3A_284, %get3A_285] {strides = array<i32>} : memref<384x128xf32, #tpu.memory_space<vmem>>, vector<16xf32>,
      %get3A_287 = arith.index_cast %add3A_283 : i32 to index
      %get3A_288 = arith.constant 16 : index
      %get3A_289 = tpu.vector_load %arg9[%get3A_287, %get3A_288] {strides = array<i32>} : memref<384x128xf32, #tpu.memory_space<vmem>>, vector<16xf32>,
      %get3A_290 = arith.index_cast %add3A_283 : i32 to index
      %get3A_291 = arith.constant 32 : index
      %get3A_292 = tpu.vector_load %arg9[%get3A_290, %get3A_291] {strides = array<i32>} : memref<384x128xf32, #tpu.memory_space<vmem>>, vector<16xf32>,
      %get3A_293 = arith.index_cast %add3A_283 : i32 to index
      %get3A_294 = arith.constant 48 : index
      %get3A_295 = tpu.vector_load %arg9[%get3A_293, %get3A_294] {strides = array<i32>} : memref<384x128xf32, #tpu.memory_space<vmem>>, vector<16xf32>,
      %get3A_296 = arith.index_cast %add3A_283 : i32 to index
      %get3A_297 = arith.constant 64 : index
      %get3A_298 = tpu.vector_load %arg9[%get3A_296, %get3A_297] {strides = array<i32>} : memref<384x128xf32, #tpu.memory_space<vmem>>, vector<16xf32>,
      %get3A_299 = arith.index_cast %add3A_283 : i32 to index
      %get3A_300 = arith.constant 80 : index
      %get3A_301 = tpu.vector_load %arg9[%get3A_299, %get3A_300] {strides = array<i32>} : memref<384x128xf32, #tpu.memory_space<vmem>>, vector<16xf32>,
      %get3A_302 = arith.index_cast %add3A_283 : i32 to index
      %get3A_303 = arith.constant 96 : index
      %get3A_304 = tpu.vector_load %arg9[%get3A_302, %get3A_303] {strides = array<i32>} : memref<384x128xf32, #tpu.memory_space<vmem>>, vector<16xf32>,
      %get3A_305 = arith.index_cast %add3A_283 : i32 to index
      %get3A_306 = arith.constant 112 : index
      %get3A_307 = tpu.vector_load %arg9[%get3A_305, %get3A_306] {strides = array<i32>} : memref<384x128xf32, #tpu.memory_space<vmem>>, vector<16xf32>,
      %get3A_308 = arith.index_cast %add3A_283 : i32 to index
      %get3A_309 = arith.constant 0 : index
      %get3A_310 = tpu.vector_load %arg10[%get3A_308, %get3A_309] {strides = array<i32>} : memref<384x128xf32, #tpu.memory_space<vmem>>, vector<16xf32>,
      %get3A_311 = arith.index_cast %add3A_283 : i32 to index
      %get3A_312 = arith.constant 16 : index
      %get3A_313 = tpu.vector_load %arg10[%get3A_311, %get3A_312] {strides = array<i32>} : memref<384x128xf32, #tpu.memory_space<vmem>>, vector<16xf32>,
      %get3A_314 = arith.index_cast %add3A_283 : i32 to index
      %get3A_315 = arith.constant 32 : index
      %get3A_316 = tpu.vector_load %arg10[%get3A_314, %get3A_315] {strides = array<i32>} : memref<384x128xf32, #tpu.memory_space<vmem>>, vector<16xf32>,
      %get3A_317 = arith.index_cast %add3A_283 : i32 to index
      %get3A_318 = arith.constant 48 : index
      %get3A_319 = tpu.vector_load %arg10[%get3A_317, %get3A_318] {strides = array<i32>} : memref<384x128xf32, #tpu.memory_space<vmem>>, vector<16xf32>,
      %get3A_320 = arith.index_cast %add3A_283 : i32 to index
      %get3A_321 = arith.constant 64 : index
      %get3A_322 = tpu.vector_load %arg10[%get3A_320, %get3A_321] {strides = array<i32>} : memref<384x128xf32, #tpu.memory_space<vmem>>, vector<16xf32>,
      %get3A_323 = arith.index_cast %add3A_283 : i32 to index
      %get3A_324 = arith.constant 80 : index
      %get3A_325 = tpu.vector_load %arg10[%get3A_323, %get3A_324] {strides = array<i32>} : memref<384x128xf32, #tpu.memory_space<vmem>>, vector<16xf32>,
      %get3A_326 = arith.index_cast %add3A_283 : i32 to index
      %get3A_327 = arith.constant 96 : index
      %get3A_328 = tpu.vector_load %arg10[%get3A_326, %get3A_327] {strides = array<i32>} : memref<384x128xf32, #tpu.memory_space<vmem>>, vector<16xf32>,
      %get3A_329 = arith.index_cast %add3A_283 : i32 to index
      %get3A_330 = arith.constant 112 : index
      %get3A_331 = tpu.vector_load %arg10[%get3A_329, %get3A_330] {strides = array<i32>} : memref<384x128xf32, #tpu.memory_space<vmem>>, vector<16xf32>,
      %mul3A_332 = arith.mulf %get3A_215, %get3A_239 : vector<16xf32>
      %mul3A_333 = arith.mulf %get3A_218, %get3A_242 : vector<16xf32>
      %mul3A_334 = arith.mulf %get3A_221, %get3A_245 : vector<16xf32>
      %add3A_335 = arith.addf %mul3A_332, %mul3A_334 : vector<16xf32>
      %mul3A_336 = arith.mulf %get3A_224, %get3A_248 : vector<16xf32>
      %add3A_337 = arith.addf %mul3A_333, %mul3A_336 : vector<16xf32>
      %mul3A_338 = arith.mulf %get3A_227, %get3A_251 : vector<16xf32>
      %add3A_339 = arith.addf %add3A_335, %mul3A_338 : vector<16xf32>
      %mul3A_340 = arith.mulf %get3A_230, %get3A_254 : vector<16xf32>
      %add3A_341 = arith.addf %add3A_337, %mul3A_340 : vector<16xf32>
      %mul3A_342 = arith.mulf %get3A_233, %get3A_257 : vector<16xf32>
      %add3A_343 = arith.addf %add3A_339, %mul3A_342 : vector<16xf32>
      %mul3A_344 = arith.mulf %get3A_236, %get3A_260 : vector<16xf32>
      %add3A_345 = arith.addf %add3A_341, %mul3A_344 : vector<16xf32>
      %add3A_346 = arith.addf %add3A_343, %add3A_345 : vector<16xf32>
      %swap3A_347 = arith.constant 2 : i32
      %swap3A_348 = arith.index_cast %swap3A_347 : i32 to index
      %swap3A_349 = arith.constant 0 : index
      %swap3A_350 = tpu.vector_load %arg12[%swap3A_348, %swap3A_349] {strides = array<i32>} : memref<32x17xf32, #tpu.memory_space<vmem>>, vector<16xf32>,
      tpu.vector_store %arg12[%swap3A_348, %swap3A_349], %add3A_346 {strides = array<i32>} : memref<32x17xf32, #tpu.memory_space<vmem>>, vector<16xf32>,
      %add3A_351 = arith.constant 3 : i32
      %add3A_352 = arith.addi %add3A_91, %add3A_351 : i32
      %add3A_353 = arith.constant 1 : i32
      %add3A_354 = arith.addi %add3A_352, %add3A_353 : i32
      %get3A_355 = arith.index_cast %add3A_354 : i32 to index
      %get3A_356 = arith.constant 0 : index
      %get3A_357 = tpu.vector_load %arg9[%get3A_355, %get3A_356] {strides = array<i32>} : memref<384x128xf32, #tpu.memory_space<vmem>>, vector<16xf32>,
      %get3A_358 = arith.index_cast %add3A_354 : i32 to index
      %get3A_359 = arith.constant 16 : index
      %get3A_360 = tpu.vector_load %arg9[%get3A_358, %get3A_359] {strides = array<i32>} : memref<384x128xf32, #tpu.memory_space<vmem>>, vector<16xf32>,
      %get3A_361 = arith.index_cast %add3A_354 : i32 to index
      %get3A_362 = arith.constant 32 : index
      %get3A_363 = tpu.vector_load %arg9[%get3A_361, %get3A_362] {strides = array<i32>} : memref<384x128xf32, #tpu.memory_space<vmem>>, vector<16xf32>,
      %get3A_364 = arith.index_cast %add3A_354 : i32 to index
      %get3A_365 = arith.constant 48 : index
      %get3A_366 = tpu.vector_load %arg9[%get3A_364, %get3A_365] {strides = array<i32>} : memref<384x128xf32, #tpu.memory_space<vmem>>, vector<16xf32>,
      %get3A_367 = arith.index_cast %add3A_354 : i32 to index
      %get3A_368 = arith.constant 64 : index
      %get3A_369 = tpu.vector_load %arg9[%get3A_367, %get3A_368] {strides = array<i32>} : memref<384x128xf32, #tpu.memory_space<vmem>>, vector<16xf32>,
      %get3A_370 = arith.index_cast %add3A_354 : i32 to index
      %get3A_371 = arith.constant 80 : index
      %get3A_372 = tpu.vector_load %arg9[%get3A_370, %get3A_371] {strides = array<i32>} : memref<384x128xf32, #tpu.memory_space<vmem>>, vector<16xf32>,
      %get3A_373 = arith.index_cast %add3A_354 : i32 to index
      %get3A_374 = arith.constant 96 : index
      %get3A_375 = tpu.vector_load %arg9[%get3A_373, %get3A_374] {strides = array<i32>} : memref<384x128xf32, #tpu.memory_space<vmem>>, vector<16xf32>,
      %get3A_376 = arith.index_cast %add3A_354 : i32 to index
      %get3A_377 = arith.constant 112 : index
      %get3A_378 = tpu.vector_load %arg9[%get3A_376, %get3A_377] {strides = array<i32>} : memref<384x128xf32, #tpu.memory_space<vmem>>, vector<16xf32>,
      %get3A_379 = arith.index_cast %add3A_354 : i32 to index
      %get3A_380 = arith.constant 0 : index
      %get3A_381 = tpu.vector_load %arg10[%get3A_379, %get3A_380] {strides = array<i32>} : memref<384x128xf32, #tpu.memory_space<vmem>>, vector<16xf32>,
      %get3A_382 = arith.index_cast %add3A_354 : i32 to index
      %get3A_383 = arith.constant 16 : index
      %get3A_384 = tpu.vector_load %arg10[%get3A_382, %get3A_383] {strides = array<i32>} : memref<384x128xf32, #tpu.memory_space<vmem>>, vector<16xf32>,
      %get3A_385 = arith.index_cast %add3A_354 : i32 to index
      %get3A_386 = arith.constant 32 : index
      %get3A_387 = tpu.vector_load %arg10[%get3A_385, %get3A_386] {strides = array<i32>} : memref<384x128xf32, #tpu.memory_space<vmem>>, vector<16xf32>,
      %get3A_388 = arith.index_cast %add3A_354 : i32 to index
      %get3A_389 = arith.constant 48 : index
      %get3A_390 = tpu.vector_load %arg10[%get3A_388, %get3A_389] {strides = array<i32>} : memref<384x128xf32, #tpu.memory_space<vmem>>, vector<16xf32>,
      %get3A_391 = arith.index_cast %add3A_354 : i32 to index
      %get3A_392 = arith.constant 64 : index
      %get3A_393 = tpu.vector_load %arg10[%get3A_391, %get3A_392] {strides = array<i32>} : memref<384x128xf32, #tpu.memory_space<vmem>>, vector<16xf32>,
      %get3A_394 = arith.index_cast %add3A_354 : i32 to index
      %get3A_395 = arith.constant 80 : index
      %get3A_396 = tpu.vector_load %arg10[%get3A_394, %get3A_395] {strides = array<i32>} : memref<384x128xf32, #tpu.memory_space<vmem>>, vector<16xf32>,
      %get3A_397 = arith.index_cast %add3A_354 : i32 to index
      %get3A_398 = arith.constant 96 : index
      %get3A_399 = tpu.vector_load %arg10[%get3A_397, %get3A_398] {strides = array<i32>} : memref<384x128xf32, #tpu.memory_space<vmem>>, vector<16xf32>,
      %get3A_400 = arith.index_cast %add3A_354 : i32 to index
      %get3A_401 = arith.constant 112 : index
      %get3A_402 = tpu.vector_load %arg10[%get3A_400, %get3A_401] {strides = array<i32>} : memref<384x128xf32, #tpu.memory_space<vmem>>, vector<16xf32>,
      %mul3A_403 = arith.mulf %get3A_286, %get3A_310 : vector<16xf32>
      %mul3A_404 = arith.mulf %get3A_289, %get3A_313 : vector<16xf32>
      %mul3A_405 = arith.mulf %get3A_292, %get3A_316 : vector<16xf32>
      %add3A_406 = arith.addf %mul3A_403, %mul3A_405 : vector<16xf32>
      %mul3A_407 = arith.mulf %get3A_295, %get3A_319 : vector<16xf32>
      %add3A_408 = arith.addf %mul3A_404, %mul3A_407 : vector<16xf32>
      %mul3A_409 = arith.mulf %get3A_298, %get3A_322 : vector<16xf32>
      %add3A_410 = arith.addf %add3A_406, %mul3A_409 : vector<16xf32>
      %mul3A_411 = arith.mulf %get3A_301, %get3A_325 : vector<16xf32>
      %add3A_412 = arith.addf %add3A_408, %mul3A_411 : vector<16xf32>
      %mul3A_413 = arith.mulf %get3A_304, %get3A_328 : vector<16xf32>
      %add3A_414 = arith.addf %add3A_410, %mul3A_413 : vector<16xf32>
      %mul3A_415 = arith.mulf %get3A_307, %get3A_331 : vector<16xf32>
      %add3A_416 = arith.addf %add3A_412, %mul3A_415 : vector<16xf32>
      %add3A_417 = arith.addf %add3A_414, %add3A_416 : vector<16xf32>
      %swap3A_418 = arith.constant 3 : i32
      %swap3A_419 = arith.index_cast %swap3A_418 : i32 to index
      %swap3A_420 = arith.constant 0 : index
      %swap3A_421 = tpu.vector_load %arg12[%swap3A_419, %swap3A_420] {strides = array<i32>} : memref<32x17xf32, #tpu.memory_space<vmem>>, vector<16xf32>,
      tpu.vector_store %arg12[%swap3A_419, %swap3A_420], %add3A_417 {strides = array<i32>} : memref<32x17xf32, #tpu.memory_space<vmem>>, vector<16xf32>,
      %add3A_422 = arith.constant 4 : i32
      %add3A_423 = arith.addi %add3A_91, %add3A_422 : i32
      %add3A_424 = arith.constant 1 : i32
      %add3A_425 = arith.addi %add3A_423, %add3A_424 : i32
      %get3A_426 = arith.index_cast %add3A_425 : i32 to index
      %get3A_427 = arith.constant 0 : index
      %get3A_428 = tpu.vector_load %arg9[%get3A_426, %get3A_427] {strides = array<i32>} : memref<384x128xf32, #tpu.memory_space<vmem>>, vector<16xf32>,
      %get3A_429 = arith.index_cast %add3A_425 : i32 to index
      %get3A_430 = arith.constant 16 : index
      %get3A_431 = tpu.vector_load %arg9[%get3A_429, %get3A_430] {strides = array<i32>} : memref<384x128xf32, #tpu.memory_space<vmem>>, vector<16xf32>,
      %get3A_432 = arith.index_cast %add3A_425 : i32 to index
      %get3A_433 = arith.constant 32 : index
      %get3A_434 = tpu.vector_load %arg9[%get3A_432, %get3A_433] {strides = array<i32>} : memref<384x128xf32, #tpu.memory_space<vmem>>, vector<16xf32>,
      %get3A_435 = arith.index_cast %add3A_425 : i32 to index
      %get3A_436 = arith.constant 48 : index
      %get3A_437 = tpu.vector_load %arg9[%get3A_435, %get3A_436] {strides = array<i32>} : memref<384x128xf32, #tpu.memory_space<vmem>>, vector<16xf32>,
      %get3A_438 = arith.index_cast %add3A_425 : i32 to index
      %get3A_439 = arith.constant 64 : index
      %get3A_440 = tpu.vector_load %arg9[%get3A_438, %get3A_439] {strides = array<i32>} : memref<384x128xf32, #tpu.memory_space<vmem>>, vector<16xf32>,
      %get3A_441 = arith.index_cast %add3A_425 : i32 to index
      %get3A_442 = arith.constant 80 : index
      %get3A_443 = tpu.vector_load %arg9[%get3A_441, %get3A_442] {strides = array<i32>} : memref<384x128xf32, #tpu.memory_space<vmem>>, vector<16xf32>,
      %get3A_444 = arith.index_cast %add3A_425 : i32 to index
      %get3A_445 = arith.constant 96 : index
      %get3A_446 = tpu.vector_load %arg9[%get3A_444, %get3A_445] {strides = array<i32>} : memref<384x128xf32, #tpu.memory_space<vmem>>, vector<16xf32>,
      %get3A_447 = arith.index_cast %add3A_425 : i32 to index
      %get3A_448 = arith.constant 112 : index
      %get3A_449 = tpu.vector_load %arg9[%get3A_447, %get3A_448] {strides = array<i32>} : memref<384x128xf32, #tpu.memory_space<vmem>>, vector<16xf32>,
      %get3A_450 = arith.index_cast %add3A_425 : i32 to index
      %get3A_451 = arith.constant 0 : index
      %get3A_452 = tpu.vector_load %arg10[%get3A_450, %get3A_451] {strides = array<i32>} : memref<384x128xf32, #tpu.memory_space<vmem>>, vector<16xf32>,
      %get3A_453 = arith.index_cast %add3A_425 : i32 to index
      %get3A_454 = arith.constant 16 : index
      %get3A_455 = tpu.vector_load %arg10[%get3A_453, %get3A_454] {strides = array<i32>} : memref<384x128xf32, #tpu.memory_space<vmem>>, vector<16xf32>,
      %get3A_456 = arith.index_cast %add3A_425 : i32 to index
      %get3A_457 = arith.constant 32 : index
      %get3A_458 = tpu.vector_load %arg10[%get3A_456, %get3A_457] {strides = array<i32>} : memref<384x128xf32, #tpu.memory_space<vmem>>, vector<16xf32>,
      %get3A_459 = arith.index_cast %add3A_425 : i32 to index
      %get3A_460 = arith.constant 48 : index
      %get3A_461 = tpu.vector_load %arg10[%get3A_459, %get3A_460] {strides = array<i32>} : memref<384x128xf32, #tpu.memory_space<vmem>>, vector<16xf32>,
      %get3A_462 = arith.index_cast %add3A_425 : i32 to index
      %get3A_463 = arith.constant 64 : index
      %get3A_464 = tpu.vector_load %arg10[%get3A_462, %get3A_463] {strides = array<i32>} : memref<384x128xf32, #tpu.memory_space<vmem>>, vector<16xf32>,
      %get3A_465 = arith.index_cast %add3A_425 : i32 to index
      %get3A_466 = arith.constant 80 : index
      %get3A_467 = tpu.vector_load %arg10[%get3A_465, %get3A_466] {strides = array<i32>} : memref<384x128xf32, #tpu.memory_space<vmem>>, vector<16xf32>,
      %get3A_468 = arith.index_cast %add3A_425 : i32 to index
      %get3A_469 = arith.constant 96 : index
      %get3A_470 = tpu.vector_load %arg10[%get3A_468, %get3A_469] {strides = array<i32>} : memref<384x128xf32, #tpu.memory_space<vmem>>, vector<16xf32>,
      %get3A_471 = arith.index_cast %add3A_425 : i32 to index
      %get3A_472 = arith.constant 112 : index
      %get3A_473 = tpu.vector_load %arg10[%get3A_471, %get3A_472] {strides = array<i32>} : memref<384x128xf32, #tpu.memory_space<vmem>>, vector<16xf32>,
      %mul3A_474 = arith.mulf %get3A_357, %get3A_381 : vector<16xf32>
      %mul3A_475 = arith.mulf %get3A_360, %get3A_384 : vector<16xf32>
      %mul3A_476 = arith.mulf %get3A_363, %get3A_387 : vector<16xf32>
      %add3A_477 = arith.addf %mul3A_474, %mul3A_476 : vector<16xf32>
      %mul3A_478 = arith.mulf %get3A_366, %get3A_390 : vector<16xf32>
      %add3A_479 = arith.addf %mul3A_475, %mul3A_478 : vector<16xf32>
      %mul3A_480 = arith.mulf %get3A_369, %get3A_393 : vector<16xf32>
      %add3A_481 = arith.addf %add3A_477, %mul3A_480 : vector<16xf32>
      %mul3A_482 = arith.mulf %get3A_372, %get3A_396 : vector<16xf32>
      %add3A_483 = arith.addf %add3A_479, %mul3A_482 : vector<16xf32>
      %mul3A_484 = arith.mulf %get3A_375, %get3A_399 : vector<16xf32>
      %add3A_485 = arith.addf %add3A_481, %mul3A_484 : vector<16xf32>
      %mul3A_486 = arith.mulf %get3A_378, %get3A_402 : vector<16xf32>
      %add3A_487 = arith.addf %add3A_483, %mul3A_486 : vector<16xf32>
      %add3A_488 = arith.addf %add3A_485, %add3A_487 : vector<16xf32>
      %swap3A_489 = arith.constant 4 : i32
      %swap3A_490 = arith.index_cast %swap3A_489 : i32 to index
      %swap3A_491 = arith.constant 0 : index
      %swap3A_492 = tpu.vector_load %arg12[%swap3A_490, %swap3A_491] {strides = array<i32>} : memref<32x17xf32, #tpu.memory_space<vmem>>, vector<16xf32>,
      tpu.vector_store %arg12[%swap3A_490, %swap3A_491], %add3A_488 {strides = array<i32>} : memref<32x17xf32, #tpu.memory_space<vmem>>, vector<16xf32>,
      %add3A_493 = arith.constant 5 : i32
      %add3A_494 = arith.addi %add3A_91, %add3A_493 : i32
      %add3A_495 = arith.constant 1 : i32
      %add3A_496 = arith.addi %add3A_494, %add3A_495 : i32
      %get3A_497 = arith.index_cast %add3A_496 : i32 to index
      %get3A_498 = arith.constant 0 : index
      %get3A_499 = tpu.vector_load %arg9[%get3A_497, %get3A_498] {strides = array<i32>} : memref<384x128xf32, #tpu.memory_space<vmem>>, vector<16xf32>,
      %get3A_500 = arith.index_cast %add3A_496 : i32 to index
      %get3A_501 = arith.constant 16 : index
      %get3A_502 = tpu.vector_load %arg9[%get3A_500, %get3A_501] {strides = array<i32>} : memref<384x128xf32, #tpu.memory_space<vmem>>, vector<16xf32>,
      %get3A_503 = arith.index_cast %add3A_496 : i32 to index
      %get3A_504 = arith.constant 32 : index
      %get3A_505 = tpu.vector_load %arg9[%get3A_503, %get3A_504] {strides = array<i32>} : memref<384x128xf32, #tpu.memory_space<vmem>>, vector<16xf32>,
      %get3A_506 = arith.index_cast %add3A_496 : i32 to index
      %get3A_507 = arith.constant 48 : index
      %get3A_508 = tpu.vector_load %arg9[%get3A_506, %get3A_507] {strides = array<i32>} : memref<384x128xf32, #tpu.memory_space<vmem>>, vector<16xf32>,
      %get3A_509 = arith.index_cast %add3A_496 : i32 to index
      %get3A_510 = arith.constant 64 : index
      %get3A_511 = tpu.vector_load %arg9[%get3A_509, %get3A_510] {strides = array<i32>} : memref<384x128xf32, #tpu.memory_space<vmem>>, vector<16xf32>,
      %get3A_512 = arith.index_cast %add3A_496 : i32 to index
      %get3A_513 = arith.constant 80 : index
      %get3A_514 = tpu.vector_load %arg9[%get3A_512, %get3A_513] {strides = array<i32>} : memref<384x128xf32, #tpu.memory_space<vmem>>, vector<16xf32>,
      %get3A_515 = arith.index_cast %add3A_496 : i32 to index
      %get3A_516 = arith.constant 96 : index
      %get3A_517 = tpu.vector_load %arg9[%get3A_515, %get3A_516] {strides = array<i32>} : memref<384x128xf32, #tpu.memory_space<vmem>>, vector<16xf32>,
      %get3A_518 = arith.index_cast %add3A_496 : i32 to index
      %get3A_519 = arith.constant 112 : index
      %get3A_520 = tpu.vector_load %arg9[%get3A_518, %get3A_519] {strides = array<i32>} : memref<384x128xf32, #tpu.memory_space<vmem>>, vector<16xf32>,
      %get3A_521 = arith.index_cast %add3A_496 : i32 to index
      %get3A_522 = arith.constant 0 : index
      %get3A_523 = tpu.vector_load %arg10[%get3A_521, %get3A_522] {strides = array<i32>} : memref<384x128xf32, #tpu.memory_space<vmem>>, vector<16xf32>,
      %get3A_524 = arith.index_cast %add3A_496 : i32 to index
      %get3A_525 = arith.constant 16 : index
      %get3A_526 = tpu.vector_load %arg10[%get3A_524, %get3A_525] {strides = array<i32>} : memref<384x128xf32, #tpu.memory_space<vmem>>, vector<16xf32>,
      %get3A_527 = arith.index_cast %add3A_496 : i32 to index
      %get3A_528 = arith.constant 32 : index
      %get3A_529 = tpu.vector_load %arg10[%get3A_527, %get3A_528] {strides = array<i32>} : memref<384x128xf32, #tpu.memory_space<vmem>>, vector<16xf32>,
      %get3A_530 = arith.index_cast %add3A_496 : i32 to index
      %get3A_531 = arith.constant 48 : index
      %get3A_532 = tpu.vector_load %arg10[%get3A_530, %get3A_531] {strides = array<i32>} : memref<384x128xf32, #tpu.memory_space<vmem>>, vector<16xf32>,
      %get3A_533 = arith.index_cast %add3A_496 : i32 to index
      %get3A_534 = arith.constant 64 : index
      %get3A_535 = tpu.vector_load %arg10[%get3A_533, %get3A_534] {strides = array<i32>} : memref<384x128xf32, #tpu.memory_space<vmem>>, vector<16xf32>,
      %get3A_536 = arith.index_cast %add3A_496 : i32 to index
      %get3A_537 = arith.constant 80 : index
      %get3A_538 = tpu.vector_load %arg10[%get3A_536, %get3A_537] {strides = array<i32>} : memref<384x128xf32, #tpu.memory_space<vmem>>, vector<16xf32>,
      %get3A_539 = arith.index_cast %add3A_496 : i32 to index
      %get3A_540 = arith.constant 96 : index
      %get3A_541 = tpu.vector_load %arg10[%get3A_539, %get3A_540] {strides = array<i32>} : memref<384x128xf32, #tpu.memory_space<vmem>>, vector<16xf32>,
      %get3A_542 = arith.index_cast %add3A_496 : i32 to index
      %get3A_543 = arith.constant 112 : index
      %get3A_544 = tpu.vector_load %arg10[%get3A_542, %get3A_543] {strides = array<i32>} : memref<384x128xf32, #tpu.memory_space<vmem>>, vector<16xf32>,
      %mul3A_545 = arith.mulf %get3A_428, %get3A_452 : vector<16xf32>
      %mul3A_546 = arith.mulf %get3A_431, %get3A_455 : vector<16xf32>
      %mul3A_547 = arith.mulf %get3A_434, %get3A_458 : vector<16xf32>
      %add3A_548 = arith.addf %mul3A_545, %mul3A_547 : vector<16xf32>
      %mul3A_549 = arith.mulf %get3A_437, %get3A_461 : vector<16xf32>
      %add3A_550 = arith.addf %mul3A_546, %mul3A_549 : vector<16xf32>
      %mul3A_551 = arith.mulf %get3A_440, %get3A_464 : vector<16xf32>
      %add3A_552 = arith.addf %add3A_548, %mul3A_551 : vector<16xf32>
      %mul3A_553 = arith.mulf %get3A_443, %get3A_467 : vector<16xf32>
      %add3A_554 = arith.addf %add3A_550, %mul3A_553 : vector<16xf32>
      %mul3A_555 = arith.mulf %get3A_446, %get3A_470 : vector<16xf32>
      %add3A_556 = arith.addf %add3A_552, %mul3A_555 : vector<16xf32>
      %mul3A_557 = arith.mulf %get3A_449, %get3A_473 : vector<16xf32>
      %add3A_558 = arith.addf %add3A_554, %mul3A_557 : vector<16xf32>
      %add3A_559 = arith.addf %add3A_556, %add3A_558 : vector<16xf32>
      %swap3A_560 = arith.constant 5 : i32
      %swap3A_561 = arith.index_cast %swap3A_560 : i32 to index
      %swap3A_562 = arith.constant 0 : index
      %swap3A_563 = tpu.vector_load %arg12[%swap3A_561, %swap3A_562] {strides = array<i32>} : memref<32x17xf32, #tpu.memory_space<vmem>>, vector<16xf32>,
      tpu.vector_store %arg12[%swap3A_561, %swap3A_562], %add3A_559 {strides = array<i32>} : memref<32x17xf32, #tpu.memory_space<vmem>>, vector<16xf32>,
      %add3A_564 = arith.constant 6 : i32
      %add3A_565 = arith.addi %add3A_91, %add3A_564 : i32
      %add3A_566 = arith.constant 1 : i32
      %add3A_567 = arith.addi %add3A_565, %add3A_566 : i32
      %get3A_568 = arith.index_cast %add3A_567 : i32 to index
      %get3A_569 = arith.constant 0 : index
      %get3A_570 = tpu.vector_load %arg9[%get3A_568, %get3A_569] {strides = array<i32>} : memref<384x128xf32, #tpu.memory_space<vmem>>, vector<16xf32>,
      %get3A_571 = arith.index_cast %add3A_567 : i32 to index
      %get3A_572 = arith.constant 16 : index
      %get3A_573 = tpu.vector_load %arg9[%get3A_571, %get3A_572] {strides = array<i32>} : memref<384x128xf32, #tpu.memory_space<vmem>>, vector<16xf32>,
      %get3A_574 = arith.index_cast %add3A_567 : i32 to index
      %get3A_575 = arith.constant 32 : index
      %get3A_576 = tpu.vector_load %arg9[%get3A_574, %get3A_575] {strides = array<i32>} : memref<384x128xf32, #tpu.memory_space<vmem>>, vector<16xf32>,
      %get3A_577 = arith.index_cast %add3A_567 : i32 to index
      %get3A_578 = arith.constant 48 : index
      %get3A_579 = tpu.vector_load %arg9[%get3A_577, %get3A_578] {strides = array<i32>} : memref<384x128xf32, #tpu.memory_space<vmem>>, vector<16xf32>,
      %get3A_580 = arith.index_cast %add3A_567 : i32 to index
      %get3A_581 = arith.constant 64 : index
      %get3A_582 = tpu.vector_load %arg9[%get3A_580, %get3A_581] {strides = array<i32>} : memref<384x128xf32, #tpu.memory_space<vmem>>, vector<16xf32>,
      %get3A_583 = arith.index_cast %add3A_567 : i32 to index
      %get3A_584 = arith.constant 80 : index
      %get3A_585 = tpu.vector_load %arg9[%get3A_583, %get3A_584] {strides = array<i32>} : memref<384x128xf32, #tpu.memory_space<vmem>>, vector<16xf32>,
      %get3A_586 = arith.index_cast %add3A_567 : i32 to index
      %get3A_587 = arith.constant 96 : index
      %get3A_588 = tpu.vector_load %arg9[%get3A_586, %get3A_587] {strides = array<i32>} : memref<384x128xf32, #tpu.memory_space<vmem>>, vector<16xf32>,
      %get3A_589 = arith.index_cast %add3A_567 : i32 to index
      %get3A_590 = arith.constant 112 : index
      %get3A_591 = tpu.vector_load %arg9[%get3A_589, %get3A_590] {strides = array<i32>} : memref<384x128xf32, #tpu.memory_space<vmem>>, vector<16xf32>,
      %get3A_592 = arith.index_cast %add3A_567 : i32 to index
      %get3A_593 = arith.constant 0 : index
      %get3A_594 = tpu.vector_load %arg10[%get3A_592, %get3A_593] {strides = array<i32>} : memref<384x128xf32, #tpu.memory_space<vmem>>, vector<16xf32>,
      %get3A_595 = arith.index_cast %add3A_567 : i32 to index
      %get3A_596 = arith.constant 16 : index
      %get3A_597 = tpu.vector_load %arg10[%get3A_595, %get3A_596] {strides = array<i32>} : memref<384x128xf32, #tpu.memory_space<vmem>>, vector<16xf32>,
      %get3A_598 = arith.index_cast %add3A_567 : i32 to index
      %get3A_599 = arith.constant 32 : index
      %get3A_600 = tpu.vector_load %arg10[%get3A_598, %get3A_599] {strides = array<i32>} : memref<384x128xf32, #tpu.memory_space<vmem>>, vector<16xf32>,
      %get3A_601 = arith.index_cast %add3A_567 : i32 to index
      %get3A_602 = arith.constant 48 : index
      %get3A_603 = tpu.vector_load %arg10[%get3A_601, %get3A_602] {strides = array<i32>} : memref<384x128xf32, #tpu.memory_space<vmem>>, vector<16xf32>,
      %get3A_604 = arith.index_cast %add3A_567 : i32 to index
      %get3A_605 = arith.constant 64 : index
      %get3A_606 = tpu.vector_load %arg10[%get3A_604, %get3A_605] {strides = array<i32>} : memref<384x128xf32, #tpu.memory_space<vmem>>, vector<16xf32>,
      %get3A_607 = arith.index_cast %add3A_567 : i32 to index
      %get3A_608 = arith.constant 80 : index
      %get3A_609 = tpu.vector_load %arg10[%get3A_607, %get3A_608] {strides = array<i32>} : memref<384x128xf32, #tpu.memory_space<vmem>>, vector<16xf32>,
      %get3A_610 = arith.index_cast %add3A_567 : i32 to index
      %get3A_611 = arith.constant 96 : index
      %get3A_612 = tpu.vector_load %arg10[%get3A_610, %get3A_611] {strides = array<i32>} : memref<384x128xf32, #tpu.memory_space<vmem>>, vector<16xf32>,
      %get3A_613 = arith.index_cast %add3A_567 : i32 to index
      %get3A_614 = arith.constant 112 : index
      %get3A_615 = tpu.vector_load %arg10[%get3A_613, %get3A_614] {strides = array<i32>} : memref<384x128xf32, #tpu.memory_space<vmem>>, vector<16xf32>,
      %mul3A_616 = arith.mulf %get3A_499, %get3A_523 : vector<16xf32>
      %mul3A_617 = arith.mulf %get3A_502, %get3A_526 : vector<16xf32>
      %mul3A_618 = arith.mulf %get3A_505, %get3A_529 : vector<16xf32>
      %add3A_619 = arith.addf %mul3A_616, %mul3A_618 : vector<16xf32>
      %mul3A_620 = arith.mulf %get3A_508, %get3A_532 : vector<16xf32>
      %add3A_621 = arith.addf %mul3A_617, %mul3A_620 : vector<16xf32>
      %mul3A_622 = arith.mulf %get3A_511, %get3A_535 : vector<16xf32>
      %add3A_623 = arith.addf %add3A_619, %mul3A_622 : vector<16xf32>
      %mul3A_624 = arith.mulf %get3A_514, %get3A_538 : vector<16xf32>
      %add3A_625 = arith.addf %add3A_621, %mul3A_624 : vector<16xf32>
      %mul3A_626 = arith.mulf %get3A_517, %get3A_541 : vector<16xf32>
      %add3A_627 = arith.addf %add3A_623, %mul3A_626 : vector<16xf32>
      %mul3A_628 = arith.mulf %get3A_520, %get3A_544 : vector<16xf32>
      %add3A_629 = arith.addf %add3A_625, %mul3A_628 : vector<16xf32>
      %add3A_630 = arith.addf %add3A_627, %add3A_629 : vector<16xf32>
      %swap3A_631 = arith.constant 6 : i32
      %swap3A_632 = arith.index_cast %swap3A_631 : i32 to index
      %swap3A_633 = arith.constant 0 : index
      %swap3A_634 = tpu.vector_load %arg12[%swap3A_632, %swap3A_633] {strides = array<i32>} : memref<32x17xf32, #tpu.memory_space<vmem>>, vector<16xf32>,
      tpu.vector_store %arg12[%swap3A_632, %swap3A_633], %add3A_630 {strides = array<i32>} : memref<32x17xf32, #tpu.memory_space<vmem>>, vector<16xf32>,
      %add3A_635 = arith.constant 7 : i32
      %add3A_636 = arith.addi %add3A_91, %add3A_635 : i32
      %add3A_637 = arith.constant 1 : i32
      %add3A_638 = arith.addi %add3A_636, %add3A_637 : i32
      %get3A_639 = arith.index_cast %add3A_638 : i32 to index
      %get3A_640 = arith.constant 0 : index
      %get3A_641 = tpu.vector_load %arg9[%get3A_639, %get3A_640] {strides = array<i32>} : memref<384x128xf32, #tpu.memory_space<vmem>>, vector<16xf32>,
      %get3A_642 = arith.index_cast %add3A_638 : i32 to index
      %get3A_643 = arith.constant 16 : index
      %get3A_644 = tpu.vector_load %arg9[%get3A_642, %get3A_643] {strides = array<i32>} : memref<384x128xf32, #tpu.memory_space<vmem>>, vector<16xf32>,
      %get3A_645 = arith.index_cast %add3A_638 : i32 to index
      %get3A_646 = arith.constant 32 : index
      %get3A_647 = tpu.vector_load %arg9[%get3A_645, %get3A_646] {strides = array<i32>} : memref<384x128xf32, #tpu.memory_space<vmem>>, vector<16xf32>,
      %get3A_648 = arith.index_cast %add3A_638 : i32 to index
      %get3A_649 = arith.constant 48 : index
      %get3A_650 = tpu.vector_load %arg9[%get3A_648, %get3A_649] {strides = array<i32>} : memref<384x128xf32, #tpu.memory_space<vmem>>, vector<16xf32>,
      %get3A_651 = arith.index_cast %add3A_638 : i32 to index
      %get3A_652 = arith.constant 64 : index
      %get3A_653 = tpu.vector_load %arg9[%get3A_651, %get3A_652] {strides = array<i32>} : memref<384x128xf32, #tpu.memory_space<vmem>>, vector<16xf32>,
      %get3A_654 = arith.index_cast %add3A_638 : i32 to index
      %get3A_655 = arith.constant 80 : index
      %get3A_656 = tpu.vector_load %arg9[%get3A_654, %get3A_655] {strides = array<i32>} : memref<384x128xf32, #tpu.memory_space<vmem>>, vector<16xf32>,
      %get3A_657 = arith.index_cast %add3A_638 : i32 to index
      %get3A_658 = arith.constant 96 : index
      %get3A_659 = tpu.vector_load %arg9[%get3A_657, %get3A_658] {strides = array<i32>} : memref<384x128xf32, #tpu.memory_space<vmem>>, vector<16xf32>,
      %get3A_660 = arith.index_cast %add3A_638 : i32 to index
      %get3A_661 = arith.constant 112 : index
      %get3A_662 = tpu.vector_load %arg9[%get3A_660, %get3A_661] {strides = array<i32>} : memref<384x128xf32, #tpu.memory_space<vmem>>, vector<16xf32>,
      %get3A_663 = arith.index_cast %add3A_638 : i32 to index
      %get3A_664 = arith.constant 0 : index
      %get3A_665 = tpu.vector_load %arg10[%get3A_663, %get3A_664] {strides = array<i32>} : memref<384x128xf32, #tpu.memory_space<vmem>>, vector<16xf32>,
      %get3A_666 = arith.index_cast %add3A_638 : i32 to index
      %get3A_667 = arith.constant 16 : index
      %get3A_668 = tpu.vector_load %arg10[%get3A_666, %get3A_667] {strides = array<i32>} : memref<384x128xf32, #tpu.memory_space<vmem>>, vector<16xf32>,
      %get3A_669 = arith.index_cast %add3A_638 : i32 to index
      %get3A_670 = arith.constant 32 : index
      %get3A_671 = tpu.vector_load %arg10[%get3A_669, %get3A_670] {strides = array<i32>} : memref<384x128xf32, #tpu.memory_space<vmem>>, vector<16xf32>,
      %get3A_672 = arith.index_cast %add3A_638 : i32 to index
      %get3A_673 = arith.constant 48 : index
      %get3A_674 = tpu.vector_load %arg10[%get3A_672, %get3A_673] {strides = array<i32>} : memref<384x128xf32, #tpu.memory_space<vmem>>, vector<16xf32>,
      %get3A_675 = arith.index_cast %add3A_638 : i32 to index
      %get3A_676 = arith.constant 64 : index
      %get3A_677 = tpu.vector_load %arg10[%get3A_675, %get3A_676] {strides = array<i32>} : memref<384x128xf32, #tpu.memory_space<vmem>>, vector<16xf32>,
      %get3A_678 = arith.index_cast %add3A_638 : i32 to index
      %get3A_679 = arith.constant 80 : index
      %get3A_680 = tpu.vector_load %arg10[%get3A_678, %get3A_679] {strides = array<i32>} : memref<384x128xf32, #tpu.memory_space<vmem>>, vector<16xf32>,
      %get3A_681 = arith.index_cast %add3A_638 : i32 to index
      %get3A_682 = arith.constant 96 : index
      %get3A_683 = tpu.vector_load %arg10[%get3A_681, %get3A_682] {strides = array<i32>} : memref<384x128xf32, #tpu.memory_space<vmem>>, vector<16xf32>,
      %get3A_684 = arith.index_cast %add3A_638 : i32 to index
      %get3A_685 = arith.constant 112 : index
      %get3A_686 = tpu.vector_load %arg10[%get3A_684, %get3A_685] {strides = array<i32>} : memref<384x128xf32, #tpu.memory_space<vmem>>, vector<16xf32>,
      %mul3A_687 = arith.mulf %get3A_570, %get3A_594 : vector<16xf32>
      %mul3A_688 = arith.mulf %get3A_573, %get3A_597 : vector<16xf32>
      %mul3A_689 = arith.mulf %get3A_576, %get3A_600 : vector<16xf32>
      %add3A_690 = arith.addf %mul3A_687, %mul3A_689 : vector<16xf32>
      %mul3A_691 = arith.mulf %get3A_579, %get3A_603 : vector<16xf32>
      %add3A_692 = arith.addf %mul3A_688, %mul3A_691 : vector<16xf32>
      %mul3A_693 = arith.mulf %get3A_582, %get3A_606 : vector<16xf32>
      %add3A_694 = arith.addf %add3A_690, %mul3A_693 : vector<16xf32>
      %mul3A_695 = arith.mulf %get3A_585, %get3A_609 : vector<16xf32>
      %add3A_696 = arith.addf %add3A_692, %mul3A_695 : vector<16xf32>
      %mul3A_697 = arith.mulf %get3A_588, %get3A_612 : vector<16xf32>
      %add3A_698 = arith.addf %add3A_694, %mul3A_697 : vector<16xf32>
      %mul3A_699 = arith.mulf %get3A_591, %get3A_615 : vector<16xf32>
      %add3A_700 = arith.addf %add3A_696, %mul3A_699 : vector<16xf32>
      %add3A_701 = arith.addf %add3A_698, %add3A_700 : vector<16xf32>
      %swap3A_702 = arith.constant 7 : i32
      %swap3A_703 = arith.index_cast %swap3A_702 : i32 to index
      %swap3A_704 = arith.constant 0 : index
      %swap3A_705 = tpu.vector_load %arg12[%swap3A_703, %swap3A_704] {strides = array<i32>} : memref<32x17xf32, #tpu.memory_space<vmem>>, vector<16xf32>,
      tpu.vector_store %arg12[%swap3A_703, %swap3A_704], %add3A_701 {strides = array<i32>} : memref<32x17xf32, #tpu.memory_space<vmem>>, vector<16xf32>,
      %add3A_706 = arith.constant 8 : i32
      %add3A_707 = arith.addi %add3A_91, %add3A_706 : i32
      %add3A_708 = arith.constant 1 : i32
      %add3A_709 = arith.addi %add3A_707, %add3A_708 : i32
      %get3A_710 = arith.index_cast %add3A_709 : i32 to index
      %get3A_711 = arith.constant 0 : index
      %get3A_712 = tpu.vector_load %arg9[%get3A_710, %get3A_711] {strides = array<i32>} : memref<384x128xf32, #tpu.memory_space<vmem>>, vector<16xf32>,
      %get3A_713 = arith.index_cast %add3A_709 : i32 to index
      %get3A_714 = arith.constant 16 : index
      %get3A_715 = tpu.vector_load %arg9[%get3A_713, %get3A_714] {strides = array<i32>} : memref<384x128xf32, #tpu.memory_space<vmem>>, vector<16xf32>,
      %get3A_716 = arith.index_cast %add3A_709 : i32 to index
      %get3A_717 = arith.constant 32 : index
      %get3A_718 = tpu.vector_load %arg9[%get3A_716, %get3A_717] {strides = array<i32>} : memref<384x128xf32, #tpu.memory_space<vmem>>, vector<16xf32>,
      %get3A_719 = arith.index_cast %add3A_709 : i32 to index
      %get3A_720 = arith.constant 48 : index
      %get3A_721 = tpu.vector_load %arg9[%get3A_719, %get3A_720] {strides = array<i32>} : memref<384x128xf32, #tpu.memory_space<vmem>>, vector<16xf32>,
      %get3A_722 = arith.index_cast %add3A_709 : i32 to index
      %get3A_723 = arith.constant 64 : index
      %get3A_724 = tpu.vector_load %arg9[%get3A_722, %get3A_723] {strides = array<i32>} : memref<384x128xf32, #tpu.memory_space<vmem>>, vector<16xf32>,
      %get3A_725 = arith.index_cast %add3A_709 : i32 to index
      %get3A_726 = arith.constant 80 : index
      %get3A_727 = tpu.vector_load %arg9[%get3A_725, %get3A_726] {strides = array<i32>} : memref<384x128xf32, #tpu.memory_space<vmem>>, vector<16xf32>,
      %get3A_728 = arith.index_cast %add3A_709 : i32 to index
      %get3A_729 = arith.constant 96 : index
      %get3A_730 = tpu.vector_load %arg9[%get3A_728, %get3A_729] {strides = array<i32>} : memref<384x128xf32, #tpu.memory_space<vmem>>, vector<16xf32>,
      %get3A_731 = arith.index_cast %add3A_709 : i32 to index
      %get3A_732 = arith.constant 112 : index
      %get3A_733 = tpu.vector_load %arg9[%get3A_731, %get3A_732] {strides = array<i32>} : memref<384x128xf32, #tpu.memory_space<vmem>>, vector<16xf32>,
      %get3A_734 = arith.index_cast %add3A_709 : i32 to index
      %get3A_735 = arith.constant 0 : index
      %get3A_736 = tpu.vector_load %arg10[%get3A_734, %get3A_735] {strides = array<i32>} : memref<384x128xf32, #tpu.memory_space<vmem>>, vector<16xf32>,
      %get3A_737 = arith.index_cast %add3A_709 : i32 to index
      %get3A_738 = arith.constant 16 : index
      %get3A_739 = tpu.vector_load %arg10[%get3A_737, %get3A_738] {strides = array<i32>} : memref<384x128xf32, #tpu.memory_space<vmem>>, vector<16xf32>,
      %get3A_740 = arith.index_cast %add3A_709 : i32 to index
      %get3A_741 = arith.constant 32 : index
      %get3A_742 = tpu.vector_load %arg10[%get3A_740, %get3A_741] {strides = array<i32>} : memref<384x128xf32, #tpu.memory_space<vmem>>, vector<16xf32>,
      %get3A_743 = arith.index_cast %add3A_709 : i32 to index
      %get3A_744 = arith.constant 48 : index
      %get3A_745 = tpu.vector_load %arg10[%get3A_743, %get3A_744] {strides = array<i32>} : memref<384x128xf32, #tpu.memory_space<vmem>>, vector<16xf32>,
      %get3A_746 = arith.index_cast %add3A_709 : i32 to index
      %get3A_747 = arith.constant 64 : index
      %get3A_748 = tpu.vector_load %arg10[%get3A_746, %get3A_747] {strides = array<i32>} : memref<384x128xf32, #tpu.memory_space<vmem>>, vector<16xf32>,
      %get3A_749 = arith.index_cast %add3A_709 : i32 to index
      %get3A_750 = arith.constant 80 : index
      %get3A_751 = tpu.vector_load %arg10[%get3A_749, %get3A_750] {strides = array<i32>} : memref<384x128xf32, #tpu.memory_space<vmem>>, vector<16xf32>,
      %get3A_752 = arith.index_cast %add3A_709 : i32 to index
      %get3A_753 = arith.constant 96 : index
      %get3A_754 = tpu.vector_load %arg10[%get3A_752, %get3A_753] {strides = array<i32>} : memref<384x128xf32, #tpu.memory_space<vmem>>, vector<16xf32>,
      %get3A_755 = arith.index_cast %add3A_709 : i32 to index
      %get3A_756 = arith.constant 112 : index
      %get3A_757 = tpu.vector_load %arg10[%get3A_755, %get3A_756] {strides = array<i32>} : memref<384x128xf32, #tpu.memory_space<vmem>>, vector<16xf32>,
      %mul3A_758 = arith.mulf %get3A_641, %get3A_665 : vector<16xf32>
      %mul3A_759 = arith.mulf %get3A_644, %get3A_668 : vector<16xf32>
      %mul3A_760 = arith.mulf %get3A_647, %get3A_671 : vector<16xf32>
      %add3A_761 = arith.addf %mul3A_758, %mul3A_760 : vector<16xf32>
      %mul3A_762 = arith.mulf %get3A_650, %get3A_674 : vector<16xf32>
      %add3A_763 = arith.addf %mul3A_759, %mul3A_762 : vector<16xf32>
      %mul3A_764 = arith.mulf %get3A_653, %get3A_677 : vector<16xf32>
      %add3A_765 = arith.addf %add3A_761, %mul3A_764 : vector<16xf32>
      %mul3A_766 = arith.mulf %get3A_656, %get3A_680 : vector<16xf32>
      %add3A_767 = arith.addf %add3A_763, %mul3A_766 : vector<16xf32>
      %mul3A_768 = arith.mulf %get3A_659, %get3A_683 : vector<16xf32>
      %add3A_769 = arith.addf %add3A_765, %mul3A_768 : vector<16xf32>
      %mul3A_770 = arith.mulf %get3A_662, %get3A_686 : vector<16xf32>
      %add3A_771 = arith.addf %add3A_767, %mul3A_770 : vector<16xf32>
      %add3A_772 = arith.addf %add3A_769, %add3A_771 : vector<16xf32>
      %swap3A_773 = arith.constant 8 : i32
      %swap3A_774 = arith.index_cast %swap3A_773 : i32 to index
      %swap3A_775 = arith.constant 0 : index
      %swap3A_776 = tpu.vector_load %arg12[%swap3A_774, %swap3A_775] {strides = array<i32>} : memref<32x17xf32, #tpu.memory_space<vmem>>, vector<16xf32>,
      tpu.vector_store %arg12[%swap3A_774, %swap3A_775], %add3A_772 {strides = array<i32>} : memref<32x17xf32, #tpu.memory_space<vmem>>, vector<16xf32>,
      %add3A_777 = arith.constant 9 : i32
      %add3A_778 = arith.addi %add3A_91, %add3A_777 : i32
      %add3A_779 = arith.constant 1 : i32
      %add3A_780 = arith.addi %add3A_778, %add3A_779 : i32
      %get3A_781 = arith.index_cast %add3A_780 : i32 to index
      %get3A_782 = arith.constant 0 : index
      %get3A_783 = tpu.vector_load %arg9[%get3A_781, %get3A_782] {strides = array<i32>} : memref<384x128xf32, #tpu.memory_space<vmem>>, vector<16xf32>,
      %get3A_784 = arith.index_cast %add3A_780 : i32 to index
      %get3A_785 = arith.constant 16 : index
      %get3A_786 = tpu.vector_load %arg9[%get3A_784, %get3A_785] {strides = array<i32>} : memref<384x128xf32, #tpu.memory_space<vmem>>, vector<16xf32>,
      %get3A_787 = arith.index_cast %add3A_780 : i32 to index
      %get3A_788 = arith.constant 32 : index
      %get3A_789 = tpu.vector_load %arg9[%get3A_787, %get3A_788] {strides = array<i32>} : memref<384x128xf32, #tpu.memory_space<vmem>>, vector<16xf32>,
      %get3A_790 = arith.index_cast %add3A_780 : i32 to index
      %get3A_791 = arith.constant 48 : index
      %get3A_792 = tpu.vector_load %arg9[%get3A_790, %get3A_791] {strides = array<i32>} : memref<384x128xf32, #tpu.memory_space<vmem>>, vector<16xf32>,
      %get3A_793 = arith.index_cast %add3A_780 : i32 to index
      %get3A_794 = arith.constant 64 : index
      %get3A_795 = tpu.vector_load %arg9[%get3A_793, %get3A_794] {strides = array<i32>} : memref<384x128xf32, #tpu.memory_space<vmem>>, vector<16xf32>,
      %get3A_796 = arith.index_cast %add3A_780 : i32 to index
      %get3A_797 = arith.constant 80 : index
      %get3A_798 = tpu.vector_load %arg9[%get3A_796, %get3A_797] {strides = array<i32>} : memref<384x128xf32, #tpu.memory_space<vmem>>, vector<16xf32>,
      %get3A_799 = arith.index_cast %add3A_780 : i32 to index
      %get3A_800 = arith.constant 96 : index
      %get3A_801 = tpu.vector_load %arg9[%get3A_799, %get3A_800] {strides = array<i32>} : memref<384x128xf32, #tpu.memory_space<vmem>>, vector<16xf32>,
      %get3A_802 = arith.index_cast %add3A_780 : i32 to index
      %get3A_803 = arith.constant 112 : index
      %get3A_804 = tpu.vector_load %arg9[%get3A_802, %get3A_803] {strides = array<i32>} : memref<384x128xf32, #tpu.memory_space<vmem>>, vector<16xf32>,
      %get3A_805 = arith.index_cast %add3A_780 : i32 to index
      %get3A_806 = arith.constant 0 : index
      %get3A_807 = tpu.vector_load %arg10[%get3A_805, %get3A_806] {strides = array<i32>} : memref<384x128xf32, #tpu.memory_space<vmem>>, vector<16xf32>,
      %get3A_808 = arith.index_cast %add3A_780 : i32 to index
      %get3A_809 = arith.constant 16 : index
      %get3A_810 = tpu.vector_load %arg10[%get3A_808, %get3A_809] {strides = array<i32>} : memref<384x128xf32, #tpu.memory_space<vmem>>, vector<16xf32>,
      %get3A_811 = arith.index_cast %add3A_780 : i32 to index
      %get3A_812 = arith.constant 32 : index
      %get3A_813 = tpu.vector_load %arg10[%get3A_811, %get3A_812] {strides = array<i32>} : memref<384x128xf32, #tpu.memory_space<vmem>>, vector<16xf32>,
      %get3A_814 = arith.index_cast %add3A_780 : i32 to index
      %get3A_815 = arith.constant 48 : index
      %get3A_816 = tpu.vector_load %arg10[%get3A_814, %get3A_815] {strides = array<i32>} : memref<384x128xf32, #tpu.memory_space<vmem>>, vector<16xf32>,
      %get3A_817 = arith.index_cast %add3A_780 : i32 to index
      %get3A_818 = arith.constant 64 : index
      %get3A_819 = tpu.vector_load %arg10[%get3A_817, %get3A_818] {strides = array<i32>} : memref<384x128xf32, #tpu.memory_space<vmem>>, vector<16xf32>,
      %get3A_820 = arith.index_cast %add3A_780 : i32 to index
      %get3A_821 = arith.constant 80 : index
      %get3A_822 = tpu.vector_load %arg10[%get3A_820, %get3A_821] {strides = array<i32>} : memref<384x128xf32, #tpu.memory_space<vmem>>, vector<16xf32>,
      %get3A_823 = arith.index_cast %add3A_780 : i32 to index
      %get3A_824 = arith.constant 96 : index
      %get3A_825 = tpu.vector_load %arg10[%get3A_823, %get3A_824] {strides = array<i32>} : memref<384x128xf32, #tpu.memory_space<vmem>>, vector<16xf32>,
      %get3A_826 = arith.index_cast %add3A_780 : i32 to index
      %get3A_827 = arith.constant 112 : index
      %get3A_828 = tpu.vector_load %arg10[%get3A_826, %get3A_827] {strides = array<i32>} : memref<384x128xf32, #tpu.memory_space<vmem>>, vector<16xf32>,
      %mul3A_829 = arith.mulf %get3A_712, %get3A_736 : vector<16xf32>
      %mul3A_830 = arith.mulf %get3A_715, %get3A_739 : vector<16xf32>
      %mul3A_831 = arith.mulf %get3A_718, %get3A_742 : vector<16xf32>
      %add3A_832 = arith.addf %mul3A_829, %mul3A_831 : vector<16xf32>
      %mul3A_833 = arith.mulf %get3A_721, %get3A_745 : vector<16xf32>
      %add3A_834 = arith.addf %mul3A_830, %mul3A_833 : vector<16xf32>
      %mul3A_835 = arith.mulf %get3A_724, %get3A_748 : vector<16xf32>
      %add3A_836 = arith.addf %add3A_832, %mul3A_835 : vector<16xf32>
      %mul3A_837 = arith.mulf %get3A_727, %get3A_751 : vector<16xf32>
      %add3A_838 = arith.addf %add3A_834, %mul3A_837 : vector<16xf32>
      %mul3A_839 = arith.mulf %get3A_730, %get3A_754 : vector<16xf32>
      %add3A_840 = arith.addf %add3A_836, %mul3A_839 : vector<16xf32>
      %mul3A_841 = arith.mulf %get3A_733, %get3A_757 : vector<16xf32>
      %add3A_842 = arith.addf %add3A_838, %mul3A_841 : vector<16xf32>
      %add3A_843 = arith.addf %add3A_840, %add3A_842 : vector<16xf32>
      %swap3A_844 = arith.constant 9 : i32
      %swap3A_845 = arith.index_cast %swap3A_844 : i32 to index
      %swap3A_846 = arith.constant 0 : index
      %swap3A_847 = tpu.vector_load %arg12[%swap3A_845, %swap3A_846] {strides = array<i32>} : memref<32x17xf32, #tpu.memory_space<vmem>>, vector<16xf32>,
      tpu.vector_store %arg12[%swap3A_845, %swap3A_846], %add3A_843 {strides = array<i32>} : memref<32x17xf32, #tpu.memory_space<vmem>>, vector<16xf32>,
      %add3A_848 = arith.constant 10 : i32
      %add3A_849 = arith.addi %add3A_91, %add3A_848 : i32
      %add3A_850 = arith.constant 1 : i32
      %add3A_851 = arith.addi %add3A_849, %add3A_850 : i32
      %get3A_852 = arith.index_cast %add3A_851 : i32 to index
      %get3A_853 = arith.constant 0 : index
      %get3A_854 = tpu.vector_load %arg9[%get3A_852, %get3A_853] {strides = array<i32>} : memref<384x128xf32, #tpu.memory_space<vmem>>, vector<16xf32>,
      %get3A_855 = arith.index_cast %add3A_851 : i32 to index
      %get3A_856 = arith.constant 16 : index
      %get3A_857 = tpu.vector_load %arg9[%get3A_855, %get3A_856] {strides = array<i32>} : memref<384x128xf32, #tpu.memory_space<vmem>>, vector<16xf32>,
      %get3A_858 = arith.index_cast %add3A_851 : i32 to index
      %get3A_859 = arith.constant 32 : index
      %get3A_860 = tpu.vector_load %arg9[%get3A_858, %get3A_859] {strides = array<i32>} : memref<384x128xf32, #tpu.memory_space<vmem>>, vector<16xf32>,
      %get3A_861 = arith.index_cast %add3A_851 : i32 to index
      %get3A_862 = arith.constant 48 : index
      %get3A_863 = tpu.vector_load %arg9[%get3A_861, %get3A_862] {strides = array<i32>} : memref<384x128xf32, #tpu.memory_space<vmem>>, vector<16xf32>,
      %get3A_864 = arith.index_cast %add3A_851 : i32 to index
      %get3A_865 = arith.constant 64 : index
      %get3A_866 = tpu.vector_load %arg9[%get3A_864, %get3A_865] {strides = array<i32>} : memref<384x128xf32, #tpu.memory_space<vmem>>, vector<16xf32>,
      %get3A_867 = arith.index_cast %add3A_851 : i32 to index
      %get3A_868 = arith.constant 80 : index
      %get3A_869 = tpu.vector_load %arg9[%get3A_867, %get3A_868] {strides = array<i32>} : memref<384x128xf32, #tpu.memory_space<vmem>>, vector<16xf32>,
      %get3A_870 = arith.index_cast %add3A_851 : i32 to index
      %get3A_871 = arith.constant 96 : index
      %get3A_872 = tpu.vector_load %arg9[%get3A_870, %get3A_871] {strides = array<i32>} : memref<384x128xf32, #tpu.memory_space<vmem>>, vector<16xf32>,
      %get3A_873 = arith.index_cast %add3A_851 : i32 to index
      %get3A_874 = arith.constant 112 : index
      %get3A_875 = tpu.vector_load %arg9[%get3A_873, %get3A_874] {strides = array<i32>} : memref<384x128xf32, #tpu.memory_space<vmem>>, vector<16xf32>,
      %get3A_876 = arith.index_cast %add3A_851 : i32 to index
      %get3A_877 = arith.constant 0 : index
      %get3A_878 = tpu.vector_load %arg10[%get3A_876, %get3A_877] {strides = array<i32>} : memref<384x128xf32, #tpu.memory_space<vmem>>, vector<16xf32>,
      %get3A_879 = arith.index_cast %add3A_851 : i32 to index
      %get3A_880 = arith.constant 16 : index
      %get3A_881 = tpu.vector_load %arg10[%get3A_879, %get3A_880] {strides = array<i32>} : memref<384x128xf32, #tpu.memory_space<vmem>>, vector<16xf32>,
      %get3A_882 = arith.index_cast %add3A_851 : i32 to index
      %get3A_883 = arith.constant 32 : index
      %get3A_884 = tpu.vector_load %arg10[%get3A_882, %get3A_883] {strides = array<i32>} : memref<384x128xf32, #tpu.memory_space<vmem>>, vector<16xf32>,
      %get3A_885 = arith.index_cast %add3A_851 : i32 to index
      %get3A_886 = arith.constant 48 : index
      %get3A_887 = tpu.vector_load %arg10[%get3A_885, %get3A_886] {strides = array<i32>} : memref<384x128xf32, #tpu.memory_space<vmem>>, vector<16xf32>,
      %get3A_888 = arith.index_cast %add3A_851 : i32 to index
      %get3A_889 = arith.constant 64 : index
      %get3A_890 = tpu.vector_load %arg10[%get3A_888, %get3A_889] {strides = array<i32>} : memref<384x128xf32, #tpu.memory_space<vmem>>, vector<16xf32>,
      %get3A_891 = arith.index_cast %add3A_851 : i32 to index
      %get3A_892 = arith.constant 80 : index
      %get3A_893 = tpu.vector_load %arg10[%get3A_891, %get3A_892] {strides = array<i32>} : memref<384x128xf32, #tpu.memory_space<vmem>>, vector<16xf32>,
      %get3A_894 = arith.index_cast %add3A_851 : i32 to index
      %get3A_895 = arith.constant 96 : index
      %get3A_896 = tpu.vector_load %arg10[%get3A_894, %get3A_895] {strides = array<i32>} : memref<384x128xf32, #tpu.memory_space<vmem>>, vector<16xf32>,
      %get3A_897 = arith.index_cast %add3A_851 : i32 to index
      %get3A_898 = arith.constant 112 : index
      %get3A_899 = tpu.vector_load %arg10[%get3A_897, %get3A_898] {strides = array<i32>} : memref<384x128xf32, #tpu.memory_space<vmem>>, vector<16xf32>,
      %mul3A_900 = arith.mulf %get3A_783, %get3A_807 : vector<16xf32>
      %mul3A_901 = arith.mulf %get3A_786, %get3A_810 : vector<16xf32>
      %mul3A_902 = arith.mulf %get3A_789, %get3A_813 : vector<16xf32>
      %add3A_903 = arith.addf %mul3A_900, %mul3A_902 : vector<16xf32>
      %mul3A_904 = arith.mulf %get3A_792, %get3A_816 : vector<16xf32>
      %add3A_905 = arith.addf %mul3A_901, %mul3A_904 : vector<16xf32>
      %mul3A_906 = arith.mulf %get3A_795, %get3A_819 : vector<16xf32>
      %add3A_907 = arith.addf %add3A_903, %mul3A_906 : vector<16xf32>
      %mul3A_908 = arith.mulf %get3A_798, %get3A_822 : vector<16xf32>
      %add3A_909 = arith.addf %add3A_905, %mul3A_908 : vector<16xf32>
      %mul3A_910 = arith.mulf %get3A_801, %get3A_825 : vector<16xf32>
      %add3A_911 = arith.addf %add3A_907, %mul3A_910 : vector<16xf32>
      %mul3A_912 = arith.mulf %get3A_804, %get3A_828 : vector<16xf32>
      %add3A_913 = arith.addf %add3A_909, %mul3A_912 : vector<16xf32>
      %add3A_914 = arith.addf %add3A_911, %add3A_913 : vector<16xf32>
      %swap3A_915 = arith.constant 10 : i32
      %swap3A_916 = arith.index_cast %swap3A_915 : i32 to index
      %swap3A_917 = arith.constant 0 : index
      %swap3A_918 = tpu.vector_load %arg12[%swap3A_916, %swap3A_917] {strides = array<i32>} : memref<32x17xf32, #tpu.memory_space<vmem>>, vector<16xf32>,
      tpu.vector_store %arg12[%swap3A_916, %swap3A_917], %add3A_914 {strides = array<i32>} : memref<32x17xf32, #tpu.memory_space<vmem>>, vector<16xf32>,
      %add3A_919 = arith.constant 11 : i32
      %add3A_920 = arith.addi %add3A_91, %add3A_919 : i32
      %add3A_921 = arith.constant 1 : i32
      %add3A_922 = arith.addi %add3A_920, %add3A_921 : i32
      %get3A_923 = arith.index_cast %add3A_922 : i32 to index
      %get3A_924 = arith.constant 0 : index
      %get3A_925 = tpu.vector_load %arg9[%get3A_923, %get3A_924] {strides = array<i32>} : memref<384x128xf32, #tpu.memory_space<vmem>>, vector<16xf32>,
      %get3A_926 = arith.index_cast %add3A_922 : i32 to index
      %get3A_927 = arith.constant 16 : index
      %get3A_928 = tpu.vector_load %arg9[%get3A_926, %get3A_927] {strides = array<i32>} : memref<384x128xf32, #tpu.memory_space<vmem>>, vector<16xf32>,
      %get3A_929 = arith.index_cast %add3A_922 : i32 to index
      %get3A_930 = arith.constant 32 : index
      %get3A_931 = tpu.vector_load %arg9[%get3A_929, %get3A_930] {strides = array<i32>} : memref<384x128xf32, #tpu.memory_space<vmem>>, vector<16xf32>,
      %get3A_932 = arith.index_cast %add3A_922 : i32 to index
      %get3A_933 = arith.constant 48 : index
      %get3A_934 = tpu.vector_load %arg9[%get3A_932, %get3A_933] {strides = array<i32>} : memref<384x128xf32, #tpu.memory_space<vmem>>, vector<16xf32>,
      %get3A_935 = arith.index_cast %add3A_922 : i32 to index
      %get3A_936 = arith.constant 64 : index
      %get3A_937 = tpu.vector_load %arg9[%get3A_935, %get3A_936] {strides = array<i32>} : memref<384x128xf32, #tpu.memory_space<vmem>>, vector<16xf32>,
      %get3A_938 = arith.index_cast %add3A_922 : i32 to index
      %get3A_939 = arith.constant 80 : index
      %get3A_940 = tpu.vector_load %arg9[%get3A_938, %get3A_939] {strides = array<i32>} : memref<384x128xf32, #tpu.memory_space<vmem>>, vector<16xf32>,
      %get3A_941 = arith.index_cast %add3A_922 : i32 to index
      %get3A_942 = arith.constant 96 : index
      %get3A_943 = tpu.vector_load %arg9[%get3A_941, %get3A_942] {strides = array<i32>} : memref<384x128xf32, #tpu.memory_space<vmem>>, vector<16xf32>,
      %get3A_944 = arith.index_cast %add3A_922 : i32 to index
      %get3A_945 = arith.constant 112 : index
      %get3A_946 = tpu.vector_load %arg9[%get3A_944, %get3A_945] {strides = array<i32>} : memref<384x128xf32, #tpu.memory_space<vmem>>, vector<16xf32>,
      %get3A_947 = arith.index_cast %add3A_922 : i32 to index
      %get3A_948 = arith.constant 0 : index
      %get3A_949 = tpu.vector_load %arg10[%get3A_947, %get3A_948] {strides = array<i32>} : memref<384x128xf32, #tpu.memory_space<vmem>>, vector<16xf32>,
      %get3A_950 = arith.index_cast %add3A_922 : i32 to index
      %get3A_951 = arith.constant 16 : index
      %get3A_952 = tpu.vector_load %arg10[%get3A_950, %get3A_951] {strides = array<i32>} : memref<384x128xf32, #tpu.memory_space<vmem>>, vector<16xf32>,
      %get3A_953 = arith.index_cast %add3A_922 : i32 to index
      %get3A_954 = arith.constant 32 : index
      %get3A_955 = tpu.vector_load %arg10[%get3A_953, %get3A_954] {strides = array<i32>} : memref<384x128xf32, #tpu.memory_space<vmem>>, vector<16xf32>,
      %get3A_956 = arith.index_cast %add3A_922 : i32 to index
      %get3A_957 = arith.constant 48 : index
      %get3A_958 = tpu.vector_load %arg10[%get3A_956, %get3A_957] {strides = array<i32>} : memref<384x128xf32, #tpu.memory_space<vmem>>, vector<16xf32>,
      %get3A_959 = arith.index_cast %add3A_922 : i32 to index
      %get3A_960 = arith.constant 64 : index
      %get3A_961 = tpu.vector_load %arg10[%get3A_959, %get3A_960] {strides = array<i32>} : memref<384x128xf32, #tpu.memory_space<vmem>>, vector<16xf32>,
      %get3A_962 = arith.index_cast %add3A_922 : i32 to index
      %get3A_963 = arith.constant 80 : index
      %get3A_964 = tpu.vector_load %arg10[%get3A_962, %get3A_963] {strides = array<i32>} : memref<384x128xf32, #tpu.memory_space<vmem>>, vector<16xf32>,
      %get3A_965 = arith.index_cast %add3A_922 : i32 to index
      %get3A_966 = arith.constant 96 : index
      %get3A_967 = tpu.vector_load %arg10[%get3A_965, %get3A_966] {strides = array<i32>} : memref<384x128xf32, #tpu.memory_space<vmem>>, vector<16xf32>,
      %get3A_968 = arith.index_cast %add3A_922 : i32 to index
      %get3A_969 = arith.constant 112 : index
      %get3A_970 = tpu.vector_load %arg10[%get3A_968, %get3A_969] {strides = array<i32>} : memref<384x128xf32, #tpu.memory_space<vmem>>, vector<16xf32>,
      %mul3A_971 = arith.mulf %get3A_854, %get3A_878 : vector<16xf32>
      %mul3A_972 = arith.mulf %get3A_857, %get3A_881 : vector<16xf32>
      %mul3A_973 = arith.mulf %get3A_860, %get3A_884 : vector<16xf32>
      %add3A_974 = arith.addf %mul3A_971, %mul3A_973 : vector<16xf32>
      %mul3A_975 = arith.mulf %get3A_863, %get3A_887 : vector<16xf32>
      %add3A_976 = arith.addf %mul3A_972, %mul3A_975 : vector<16xf32>
      %mul3A_977 = arith.mulf %get3A_866, %get3A_890 : vector<16xf32>
      %add3A_978 = arith.addf %add3A_974, %mul3A_977 : vector<16xf32>
      %mul3A_979 = arith.mulf %get3A_869, %get3A_893 : vector<16xf32>
      %add3A_980 = arith.addf %add3A_976, %mul3A_979 : vector<16xf32>
      %mul3A_981 = arith.mulf %get3A_872, %get3A_896 : vector<16xf32>
      %add3A_982 = arith.addf %add3A_978, %mul3A_981 : vector<16xf32>
      %mul3A_983 = arith.mulf %get3A_875, %get3A_899 : vector<16xf32>
      %add3A_984 = arith.addf %add3A_980, %mul3A_983 : vector<16xf32>
      %add3A_985 = arith.addf %add3A_982, %add3A_984 : vector<16xf32>
      %swap3A_986 = arith.constant 11 : i32
      %swap3A_987 = arith.index_cast %swap3A_986 : i32 to index
      %swap3A_988 = arith.constant 0 : index
      %swap3A_989 = tpu.vector_load %arg12[%swap3A_987, %swap3A_988] {strides = array<i32>} : memref<32x17xf32, #tpu.memory_space<vmem>>, vector<16xf32>,
      tpu.vector_store %arg12[%swap3A_987, %swap3A_988], %add3A_985 {strides = array<i32>} : memref<32x17xf32, #tpu.memory_space<vmem>>, vector<16xf32>,
      %add3A_990 = arith.constant 12 : i32
      %add3A_991 = arith.addi %add3A_91, %add3A_990 : i32
      %add3A_992 = arith.constant 1 : i32
      %add3A_993 = arith.addi %add3A_991, %add3A_992 : i32
      %get3A_994 = arith.index_cast %add3A_993 : i32 to index
      %get3A_995 = arith.constant 0 : index
      %get3A_996 = tpu.vector_load %arg9[%get3A_994, %get3A_995] {strides = array<i32>} : memref<384x128xf32, #tpu.memory_space<vmem>>, vector<16xf32>,
      %get3A_997 = arith.index_cast %add3A_993 : i32 to index
      %get3A_998 = arith.constant 16 : index
      %get3A_999 = tpu.vector_load %arg9[%get3A_997, %get3A_998] {strides = array<i32>} : memref<384x128xf32, #tpu.memory_space<vmem>>, vector<16xf32>,
      %get3A_1000 = arith.index_cast %add3A_993 : i32 to index
      %get3A_1001 = arith.constant 32 : index
      %get3A_1002 = tpu.vector_load %arg9[%get3A_1000, %get3A_1001] {strides = array<i32>} : memref<384x128xf32, #tpu.memory_space<vmem>>, vector<16xf32>,
      %get3A_1003 = arith.index_cast %add3A_993 : i32 to index
      %get3A_1004 = arith.constant 48 : index
      %get3A_1005 = tpu.vector_load %arg9[%get3A_1003, %get3A_1004] {strides = array<i32>} : memref<384x128xf32, #tpu.memory_space<vmem>>, vector<16xf32>,
      %get3A_1006 = arith.index_cast %add3A_993 : i32 to index
      %get3A_1007 = arith.constant 64 : index
      %get3A_1008 = tpu.vector_load %arg9[%get3A_1006, %get3A_1007] {strides = array<i32>} : memref<384x128xf32, #tpu.memory_space<vmem>>, vector<16xf32>,
      %get3A_1009 = arith.index_cast %add3A_993 : i32 to index
      %get3A_1010 = arith.constant 80 : index
      %get3A_1011 = tpu.vector_load %arg9[%get3A_1009, %get3A_1010] {strides = array<i32>} : memref<384x128xf32, #tpu.memory_space<vmem>>, vector<16xf32>,
      %get3A_1012 = arith.index_cast %add3A_993 : i32 to index
      %get3A_1013 = arith.constant 96 : index
      %get3A_1014 = tpu.vector_load %arg9[%get3A_1012, %get3A_1013] {strides = array<i32>} : memref<384x128xf32, #tpu.memory_space<vmem>>, vector<16xf32>,
      %get3A_1015 = arith.index_cast %add3A_993 : i32 to index
      %get3A_1016 = arith.constant 112 : index
      %get3A_1017 = tpu.vector_load %arg9[%get3A_1015, %get3A_1016] {strides = array<i32>} : memref<384x128xf32, #tpu.memory_space<vmem>>, vector<16xf32>,
      %get3A_1018 = arith.index_cast %add3A_993 : i32 to index
      %get3A_1019 = arith.constant 0 : index
      %get3A_1020 = tpu.vector_load %arg10[%get3A_1018, %get3A_1019] {strides = array<i32>} : memref<384x128xf32, #tpu.memory_space<vmem>>, vector<16xf32>,
      %get3A_1021 = arith.index_cast %add3A_993 : i32 to index
      %get3A_1022 = arith.constant 16 : index
      %get3A_1023 = tpu.vector_load %arg10[%get3A_1021, %get3A_1022] {strides = array<i32>} : memref<384x128xf32, #tpu.memory_space<vmem>>, vector<16xf32>,
      %get3A_1024 = arith.index_cast %add3A_993 : i32 to index
      %get3A_1025 = arith.constant 32 : index
      %get3A_1026 = tpu.vector_load %arg10[%get3A_1024, %get3A_1025] {strides = array<i32>} : memref<384x128xf32, #tpu.memory_space<vmem>>, vector<16xf32>,
      %get3A_1027 = arith.index_cast %add3A_993 : i32 to index
      %get3A_1028 = arith.constant 48 : index
      %get3A_1029 = tpu.vector_load %arg10[%get3A_1027, %get3A_1028] {strides = array<i32>} : memref<384x128xf32, #tpu.memory_space<vmem>>, vector<16xf32>,
      %get3A_1030 = arith.index_cast %add3A_993 : i32 to index
      %get3A_1031 = arith.constant 64 : index
      %get3A_1032 = tpu.vector_load %arg10[%get3A_1030, %get3A_1031] {strides = array<i32>} : memref<384x128xf32, #tpu.memory_space<vmem>>, vector<16xf32>,
      %get3A_1033 = arith.index_cast %add3A_993 : i32 to index
      %get3A_1034 = arith.constant 80 : index
      %get3A_1035 = tpu.vector_load %arg10[%get3A_1033, %get3A_1034] {strides = array<i32>} : memref<384x128xf32, #tpu.memory_space<vmem>>, vector<16xf32>,
      %get3A_1036 = arith.index_cast %add3A_993 : i32 to index
      %get3A_1037 = arith.constant 96 : index
      %get3A_1038 = tpu.vector_load %arg10[%get3A_1036, %get3A_1037] {strides = array<i32>} : memref<384x128xf32, #tpu.memory_space<vmem>>, vector<16xf32>,
      %get3A_1039 = arith.index_cast %add3A_993 : i32 to index
      %get3A_1040 = arith.constant 112 : index
      %get3A_1041 = tpu.vector_load %arg10[%get3A_1039, %get3A_1040] {strides = array<i32>} : memref<384x128xf32, #tpu.memory_space<vmem>>, vector<16xf32>,
      %mul3A_1042 = arith.mulf %get3A_925, %get3A_949 : vector<16xf32>
      %mul3A_1043 = arith.mulf %get3A_928, %get3A_952 : vector<16xf32>
      %mul3A_1044 = arith.mulf %get3A_931, %get3A_955 : vector<16xf32>
      %add3A_1045 = arith.addf %mul3A_1042, %mul3A_1044 : vector<16xf32>
      %mul3A_1046 = arith.mulf %get3A_934, %get3A_958 : vector<16xf32>
      %add3A_1047 = arith.addf %mul3A_1043, %mul3A_1046 : vector<16xf32>
      %mul3A_1048 = arith.mulf %get3A_937, %get3A_961 : vector<16xf32>
      %add3A_1049 = arith.addf %add3A_1045, %mul3A_1048 : vector<16xf32>
      %mul3A_1050 = arith.mulf %get3A_940, %get3A_964 : vector<16xf32>
      %add3A_1051 = arith.addf %add3A_1047, %mul3A_1050 : vector<16xf32>
      %mul3A_1052 = arith.mulf %get3A_943, %get3A_967 : vector<16xf32>
      %add3A_1053 = arith.addf %add3A_1049, %mul3A_1052 : vector<16xf32>
      %mul3A_1054 = arith.mulf %get3A_946, %get3A_970 : vector<16xf32>
      %add3A_1055 = arith.addf %add3A_1051, %mul3A_1054 : vector<16xf32>
      %add3A_1056 = arith.addf %add3A_1053, %add3A_1055 : vector<16xf32>
      %swap3A_1057 = arith.constant 12 : i32
      %swap3A_1058 = arith.index_cast %swap3A_1057 : i32 to index
      %swap3A_1059 = arith.constant 0 : index
      %swap3A_1060 = tpu.vector_load %arg12[%swap3A_1058, %swap3A_1059] {strides = array<i32>} : memref<32x17xf32, #tpu.memory_space<vmem>>, vector<16xf32>,
      tpu.vector_store %arg12[%swap3A_1058, %swap3A_1059], %add3A_1056 {strides = array<i32>} : memref<32x17xf32, #tpu.memory_space<vmem>>, vector<16xf32>,
      %add3A_1061 = arith.constant 13 : i32
      %add3A_1062 = arith.addi %add3A_91, %add3A_1061 : i32
      %add3A_1063 = arith.constant 1 : i32
      %add3A_1064 = arith.addi %add3A_1062, %add3A_1063 : i32
      %get3A_1065 = arith.index_cast %add3A_1064 : i32 to index
      %get3A_1066 = arith.constant 0 : index
      %get3A_1067 = tpu.vector_load %arg9[%get3A_1065, %get3A_1066] {strides = array<i32>} : memref<384x128xf32, #tpu.memory_space<vmem>>, vector<16xf32>,
      %get3A_1068 = arith.index_cast %add3A_1064 : i32 to index
      %get3A_1069 = arith.constant 16 : index
      %get3A_1070 = tpu.vector_load %arg9[%get3A_1068, %get3A_1069] {strides = array<i32>} : memref<384x128xf32, #tpu.memory_space<vmem>>, vector<16xf32>,
      %get3A_1071 = arith.index_cast %add3A_1064 : i32 to index
      %get3A_1072 = arith.constant 32 : index
      %get3A_1073 = tpu.vector_load %arg9[%get3A_1071, %get3A_1072] {strides = array<i32>} : memref<384x128xf32, #tpu.memory_space<vmem>>, vector<16xf32>,
      %get3A_1074 = arith.index_cast %add3A_1064 : i32 to index
      %get3A_1075 = arith.constant 48 : index
      %get3A_1076 = tpu.vector_load %arg9[%get3A_1074, %get3A_1075] {strides = array<i32>} : memref<384x128xf32, #tpu.memory_space<vmem>>, vector<16xf32>,
      %get3A_1077 = arith.index_cast %add3A_1064 : i32 to index
      %get3A_1078 = arith.constant 64 : index
      %get3A_1079 = tpu.vector_load %arg9[%get3A_1077, %get3A_1078] {strides = array<i32>} : memref<384x128xf32, #tpu.memory_space<vmem>>, vector<16xf32>,
      %get3A_1080 = arith.index_cast %add3A_1064 : i32 to index
      %get3A_1081 = arith.constant 80 : index
      %get3A_1082 = tpu.vector_load %arg9[%get3A_1080, %get3A_1081] {strides = array<i32>} : memref<384x128xf32, #tpu.memory_space<vmem>>, vector<16xf32>,
      %get3A_1083 = arith.index_cast %add3A_1064 : i32 to index
      %get3A_1084 = arith.constant 96 : index
      %get3A_1085 = tpu.vector_load %arg9[%get3A_1083, %get3A_1084] {strides = array<i32>} : memref<384x128xf32, #tpu.memory_space<vmem>>, vector<16xf32>,
      %get3A_1086 = arith.index_cast %add3A_1064 : i32 to index
      %get3A_1087 = arith.constant 112 : index
      %get3A_1088 = tpu.vector_load %arg9[%get3A_1086, %get3A_1087] {strides = array<i32>} : memref<384x128xf32, #tpu.memory_space<vmem>>, vector<16xf32>,
      %get3A_1089 = arith.index_cast %add3A_1064 : i32 to index
      %get3A_1090 = arith.constant 0 : index
      %get3A_1091 = tpu.vector_load %arg10[%get3A_1089, %get3A_1090] {strides = array<i32>} : memref<384x128xf32, #tpu.memory_space<vmem>>, vector<16xf32>,
      %get3A_1092 = arith.index_cast %add3A_1064 : i32 to index
      %get3A_1093 = arith.constant 16 : index
      %get3A_1094 = tpu.vector_load %arg10[%get3A_1092, %get3A_1093] {strides = array<i32>} : memref<384x128xf32, #tpu.memory_space<vmem>>, vector<16xf32>,
      %get3A_1095 = arith.index_cast %add3A_1064 : i32 to index
      %get3A_1096 = arith.constant 32 : index
      %get3A_1097 = tpu.vector_load %arg10[%get3A_1095, %get3A_1096] {strides = array<i32>} : memref<384x128xf32, #tpu.memory_space<vmem>>, vector<16xf32>,
      %get3A_1098 = arith.index_cast %add3A_1064 : i32 to index
      %get3A_1099 = arith.constant 48 : index
      %get3A_1100 = tpu.vector_load %arg10[%get3A_1098, %get3A_1099] {strides = array<i32>} : memref<384x128xf32, #tpu.memory_space<vmem>>, vector<16xf32>,
      %get3A_1101 = arith.index_cast %add3A_1064 : i32 to index
      %get3A_1102 = arith.constant 64 : index
      %get3A_1103 = tpu.vector_load %arg10[%get3A_1101, %get3A_1102] {strides = array<i32>} : memref<384x128xf32, #tpu.memory_space<vmem>>, vector<16xf32>,
      %get3A_1104 = arith.index_cast %add3A_1064 : i32 to index
      %get3A_1105 = arith.constant 80 : index
      %get3A_1106 = tpu.vector_load %arg10[%get3A_1104, %get3A_1105] {strides = array<i32>} : memref<384x128xf32, #tpu.memory_space<vmem>>, vector<16xf32>,
      %get3A_1107 = arith.index_cast %add3A_1064 : i32 to index
      %get3A_1108 = arith.constant 96 : index
      %get3A_1109 = tpu.vector_load %arg10[%get3A_1107, %get3A_1108] {strides = array<i32>} : memref<384x128xf32, #tpu.memory_space<vmem>>, vector<16xf32>,
      %get3A_1110 = arith.index_cast %add3A_1064 : i32 to index
      %get3A_1111 = arith.constant 112 : index
      %get3A_1112 = tpu.vector_load %arg10[%get3A_1110, %get3A_1111] {strides = array<i32>} : memref<384x128xf32, #tpu.memory_space<vmem>>, vector<16xf32>,
      %mul3A_1113 = arith.mulf %get3A_996, %get3A_1020 : vector<16xf32>
      %mul3A_1114 = arith.mulf %get3A_999, %get3A_1023 : vector<16xf32>
      %mul3A_1115 = arith.mulf %get3A_1002, %get3A_1026 : vector<16xf32>
      %add3A_1116 = arith.addf %mul3A_1113, %mul3A_1115 : vector<16xf32>
      %mul3A_1117 = arith.mulf %get3A_1005, %get3A_1029 : vector<16xf32>
      %add3A_1118 = arith.addf %mul3A_1114, %mul3A_1117 : vector<16xf32>
      %mul3A_1119 = arith.mulf %get3A_1008, %get3A_1032 : vector<16xf32>
      %add3A_1120 = arith.addf %add3A_1116, %mul3A_1119 : vector<16xf32>
      %mul3A_1121 = arith.mulf %get3A_1011, %get3A_1035 : vector<16xf32>
      %add3A_1122 = arith.addf %add3A_1118, %mul3A_1121 : vector<16xf32>
      %mul3A_1123 = arith.mulf %get3A_1014, %get3A_1038 : vector<16xf32>
      %add3A_1124 = arith.addf %add3A_1120, %mul3A_1123 : vector<16xf32>
      %mul3A_1125 = arith.mulf %get3A_1017, %get3A_1041 : vector<16xf32>
      %add3A_1126 = arith.addf %add3A_1122, %mul3A_1125 : vector<16xf32>
      %add3A_1127 = arith.addf %add3A_1124, %add3A_1126 : vector<16xf32>
      %swap3A_1128 = arith.constant 13 : i32
      %swap3A_1129 = arith.index_cast %swap3A_1128 : i32 to index
      %swap3A_1130 = arith.constant 0 : index
      %swap3A_1131 = tpu.vector_load %arg12[%swap3A_1129, %swap3A_1130] {strides = array<i32>} : memref<32x17xf32, #tpu.memory_space<vmem>>, vector<16xf32>,
      tpu.vector_store %arg12[%swap3A_1129, %swap3A_1130], %add3A_1127 {strides = array<i32>} : memref<32x17xf32, #tpu.memory_space<vmem>>, vector<16xf32>,
      %add3A_1132 = arith.constant 14 : i32
      %add3A_1133 = arith.addi %add3A_91, %add3A_1132 : i32
      %add3A_1134 = arith.constant 1 : i32
      %add3A_1135 = arith.addi %add3A_1133, %add3A_1134 : i32
      %get3A_1136 = arith.index_cast %add3A_1135 : i32 to index
      %get3A_1137 = arith.constant 0 : index
      %get3A_1138 = tpu.vector_load %arg9[%get3A_1136, %get3A_1137] {strides = array<i32>} : memref<384x128xf32, #tpu.memory_space<vmem>>, vector<16xf32>,
      %get3A_1139 = arith.index_cast %add3A_1135 : i32 to index
      %get3A_1140 = arith.constant 16 : index
      %get3A_1141 = tpu.vector_load %arg9[%get3A_1139, %get3A_1140] {strides = array<i32>} : memref<384x128xf32, #tpu.memory_space<vmem>>, vector<16xf32>,
      %get3A_1142 = arith.index_cast %add3A_1135 : i32 to index
      %get3A_1143 = arith.constant 32 : index
      %get3A_1144 = tpu.vector_load %arg9[%get3A_1142, %get3A_1143] {strides = array<i32>} : memref<384x128xf32, #tpu.memory_space<vmem>>, vector<16xf32>,
      %get3A_1145 = arith.index_cast %add3A_1135 : i32 to index
      %get3A_1146 = arith.constant 48 : index
      %get3A_1147 = tpu.vector_load %arg9[%get3A_1145, %get3A_1146] {strides = array<i32>} : memref<384x128xf32, #tpu.memory_space<vmem>>, vector<16xf32>,
      %get3A_1148 = arith.index_cast %add3A_1135 : i32 to index
      %get3A_1149 = arith.constant 64 : index
      %get3A_1150 = tpu.vector_load %arg9[%get3A_1148, %get3A_1149] {strides = array<i32>} : memref<384x128xf32, #tpu.memory_space<vmem>>, vector<16xf32>,
      %get3A_1151 = arith.index_cast %add3A_1135 : i32 to index
      %get3A_1152 = arith.constant 80 : index
      %get3A_1153 = tpu.vector_load %arg9[%get3A_1151, %get3A_1152] {strides = array<i32>} : memref<384x128xf32, #tpu.memory_space<vmem>>, vector<16xf32>,
      %get3A_1154 = arith.index_cast %add3A_1135 : i32 to index
      %get3A_1155 = arith.constant 96 : index
      %get3A_1156 = tpu.vector_load %arg9[%get3A_1154, %get3A_1155] {strides = array<i32>} : memref<384x128xf32, #tpu.memory_space<vmem>>, vector<16xf32>,
      %get3A_1157 = arith.index_cast %add3A_1135 : i32 to index
      %get3A_1158 = arith.constant 112 : index
      %get3A_1159 = tpu.vector_load %arg9[%get3A_1157, %get3A_1158] {strides = array<i32>} : memref<384x128xf32, #tpu.memory_space<vmem>>, vector<16xf32>,
      %get3A_1160 = arith.index_cast %add3A_1135 : i32 to index
      %get3A_1161 = arith.constant 0 : index
      %get3A_1162 = tpu.vector_load %arg10[%get3A_1160, %get3A_1161] {strides = array<i32>} : memref<384x128xf32, #tpu.memory_space<vmem>>, vector<16xf32>,
      %get3A_1163 = arith.index_cast %add3A_1135 : i32 to index
      %get3A_1164 = arith.constant 16 : index
      %get3A_1165 = tpu.vector_load %arg10[%get3A_1163, %get3A_1164] {strides = array<i32>} : memref<384x128xf32, #tpu.memory_space<vmem>>, vector<16xf32>,
      %get3A_1166 = arith.index_cast %add3A_1135 : i32 to index
      %get3A_1167 = arith.constant 32 : index
      %get3A_1168 = tpu.vector_load %arg10[%get3A_1166, %get3A_1167] {strides = array<i32>} : memref<384x128xf32, #tpu.memory_space<vmem>>, vector<16xf32>,
      %get3A_1169 = arith.index_cast %add3A_1135 : i32 to index
      %get3A_1170 = arith.constant 48 : index
      %get3A_1171 = tpu.vector_load %arg10[%get3A_1169, %get3A_1170] {strides = array<i32>} : memref<384x128xf32, #tpu.memory_space<vmem>>, vector<16xf32>,
      %get3A_1172 = arith.index_cast %add3A_1135 : i32 to index
      %get3A_1173 = arith.constant 64 : index
      %get3A_1174 = tpu.vector_load %arg10[%get3A_1172, %get3A_1173] {strides = array<i32>} : memref<384x128xf32, #tpu.memory_space<vmem>>, vector<16xf32>,
      %get3A_1175 = arith.index_cast %add3A_1135 : i32 to index
      %get3A_1176 = arith.constant 80 : index
      %get3A_1177 = tpu.vector_load %arg10[%get3A_1175, %get3A_1176] {strides = array<i32>} : memref<384x128xf32, #tpu.memory_space<vmem>>, vector<16xf32>,
      %get3A_1178 = arith.index_cast %add3A_1135 : i32 to index
      %get3A_1179 = arith.constant 96 : index
      %get3A_1180 = tpu.vector_load %arg10[%get3A_1178, %get3A_1179] {strides = array<i32>} : memref<384x128xf32, #tpu.memory_space<vmem>>, vector<16xf32>,
      %get3A_1181 = arith.index_cast %add3A_1135 : i32 to index
      %get3A_1182 = arith.constant 112 : index
      %get3A_1183 = tpu.vector_load %arg10[%get3A_1181, %get3A_1182] {strides = array<i32>} : memref<384x128xf32, #tpu.memory_space<vmem>>, vector<16xf32>,
      %mul3A_1184 = arith.mulf %get3A_1067, %get3A_1091 : vector<16xf32>
      %mul3A_1185 = arith.mulf %get3A_1070, %get3A_1094 : vector<16xf32>
      %mul3A_1186 = arith.mulf %get3A_1073, %get3A_1097 : vector<16xf32>
      %add3A_1187 = arith.addf %mul3A_1184, %mul3A_1186 : vector<16xf32>
      %mul3A_1188 = arith.mulf %get3A_1076, %get3A_1100 : vector<16xf32>
      %add3A_1189 = arith.addf %mul3A_1185, %mul3A_1188 : vector<16xf32>
      %mul3A_1190 = arith.mulf %get3A_1079, %get3A_1103 : vector<16xf32>
      %add3A_1191 = arith.addf %add3A_1187, %mul3A_1190 : vector<16xf32>
      %mul3A_1192 = arith.mulf %get3A_1082, %get3A_1106 : vector<16xf32>
      %add3A_1193 = arith.addf %add3A_1189, %mul3A_1192 : vector<16xf32>
      %mul3A_1194 = arith.mulf %get3A_1085, %get3A_1109 : vector<16xf32>
      %add3A_1195 = arith.addf %add3A_1191, %mul3A_1194 : vector<16xf32>
      %mul3A_1196 = arith.mulf %get3A_1088, %get3A_1112 : vector<16xf32>
      %add3A_1197 = arith.addf %add3A_1193, %mul3A_1196 : vector<16xf32>
      %add3A_1198 = arith.addf %add3A_1195, %add3A_1197 : vector<16xf32>
      %swap3A_1199 = arith.constant 14 : i32
      %swap3A_1200 = arith.index_cast %swap3A_1199 : i32 to index
      %swap3A_1201 = arith.constant 0 : index
      %swap3A_1202 = tpu.vector_load %arg12[%swap3A_1200, %swap3A_1201] {strides = array<i32>} : memref<32x17xf32, #tpu.memory_space<vmem>>, vector<16xf32>,
      tpu.vector_store %arg12[%swap3A_1200, %swap3A_1201], %add3A_1198 {strides = array<i32>} : memref<32x17xf32, #tpu.memory_space<vmem>>, vector<16xf32>,
      %mul3A_1203 = arith.mulf %get3A_1138, %get3A_1162 : vector<16xf32>
      %mul3A_1204 = arith.mulf %get3A_1141, %get3A_1165 : vector<16xf32>
      %mul3A_1205 = arith.mulf %get3A_1144, %get3A_1168 : vector<16xf32>
      %add3A_1206 = arith.addf %mul3A_1203, %mul3A_1205 : vector<16xf32>
      %mul3A_1207 = arith.mulf %get3A_1147, %get3A_1171 : vector<16xf32>
      %add3A_1208 = arith.addf %mul3A_1204, %mul3A_1207 : vector<16xf32>
      %mul3A_1209 = arith.mulf %get3A_1150, %get3A_1174 : vector<16xf32>
      %add3A_1210 = arith.addf %add3A_1206, %mul3A_1209 : vector<16xf32>
      %mul3A_1211 = arith.mulf %get3A_1153, %get3A_1177 : vector<16xf32>
      %add3A_1212 = arith.addf %add3A_1208, %mul3A_1211 : vector<16xf32>
      %mul3A_1213 = arith.mulf %get3A_1156, %get3A_1180 : vector<16xf32>
      %add3A_1214 = arith.addf %add3A_1210, %mul3A_1213 : vector<16xf32>
      %mul3A_1215 = arith.mulf %get3A_1159, %get3A_1183 : vector<16xf32>
      %add3A_1216 = arith.addf %add3A_1212, %mul3A_1215 : vector<16xf32>
      %add3A_1217 = arith.addf %add3A_1214, %add3A_1216 : vector<16xf32>
      %swap3A_1218 = arith.constant 15 : i32
      %swap3A_1219 = arith.index_cast %swap3A_1218 : i32 to index
      %swap3A_1220 = arith.constant 0 : index
      %swap3A_1221 = tpu.vector_load %arg12[%swap3A_1219, %swap3A_1220] {strides = array<i32>} : memref<32x17xf32, #tpu.memory_space<vmem>>, vector<16xf32>,
      tpu.vector_store %arg12[%swap3A_1219, %swap3A_1220], %add3A_1217 {strides = array<i32>} : memref<32x17xf32, #tpu.memory_space<vmem>>, vector<16xf32>,
      %scan3A_1222 = arith.constant 0 : i32
      %scan3A_1223 = arith.constant 0 : i32
      %scan3A_1224 = arith.constant 7 : i32
      %scan3A_1225 = arith.addi %scan3A_1223, %scan3A_1224 : i32
      %scan3A_1226 = arith.constant 1 : i32
      %scan3A_1227 = scf.for %scan3A_1378 = %scan3A_1223 to %scan3A_1225 step %scan3A_1226 iter_args(%scan3A_1379 = %scan3A_1222) -> (i32)  : i32 {
        %jit3A_1380 = arith.constant 2 : i32
        %eq3A_1381 = arith.constant 0 : i32
        %eq3A_1382 = arith.cmpi eq, %jit3A_1380, %eq3A_1381 : i32
        %jit3A_1383 = arith.constant 1 : i32
        %select_n3A_1384 = arith.select %eq3A_1382, %jit3A_1383, %jit3A_1380 : i32
        %rem3A_1385 = arith.remsi %scan3A_1378, %select_n3A_1384 : i32
        %ne3A_1386 = arith.constant 0 : i32
        %ne3A_1387 = arith.cmpi ne, %rem3A_1385, %ne3A_1386 : i32
        %lt3A_1388 = arith.constant 0 : i32
        %lt3A_1389 = arith.cmpi slt, %rem3A_1385, %lt3A_1388 : i32
        %lt3A_1390 = arith.constant 0 : i32
        %lt3A_1391 = arith.cmpi slt, %select_n3A_1384, %lt3A_1390 : i32
        %ne3A_1392 = arith.xori %lt3A_1389, %lt3A_1391 : i1
        %and3A_1393 = arith.andi %ne3A_1392, %ne3A_1387 : i1
        %add3A_1394 = arith.addi %rem3A_1385, %select_n3A_1384 : i32
        %select_n3A_1395 = arith.select %and3A_1393, %add3A_1394, %rem3A_1385 : i32
        %mul3A_1396 = arith.constant 16 : i32
        %mul3A_1397 = arith.muli %select_n3A_1395, %mul3A_1396 : i32
        %add3A_1398 = vector.broadcast %mul3A_1397 : i32 to vector<16xi32>
        %add3A_1399 = arith.addi %add3A_1398, %iota3A : vector<16xi32>
        %broadcast_in_dim3A_1400 = arith.constant 0 : i32
        %broadcast_in_dim3A_1401 = vector.broadcast %broadcast_in_dim3A_1400 : i32 to vector<16xi32>
        %gather3A_1402 = tpu.vector_load_idx %arg12[%add3A_1399, %broadcast_in_dim3A_1401] : memref<32x17xf32, #tpu.memory_space<vmem>>[vector<16xi32>, vector<16xi32>], vector<16xf32>,
        %broadcast_in_dim3A_1403 = arith.constant 0 : i32
        %broadcast_in_dim3A_1404 = vector.broadcast %broadcast_in_dim3A_1403 : i32 to vector<16xi32>
        %add3A_1405 = arith.constant 1 : i32
        %add3A_1406 = vector.broadcast %add3A_1405 : i32 to vector<16xi32>
        %add3A_1407 = arith.addi %broadcast_in_dim3A_1404, %add3A_1406 : vector<16xi32>
        %gather3A_1408 = tpu.vector_load_idx %arg12[%add3A_1399, %add3A_1407] : memref<32x17xf32, #tpu.memory_space<vmem>>[vector<16xi32>, vector<16xi32>], vector<16xf32>,
        %broadcast_in_dim3A_1409 = arith.constant 0 : i32
        %broadcast_in_dim3A_1410 = vector.broadcast %broadcast_in_dim3A_1409 : i32 to vector<16xi32>
        %add3A_1411 = arith.constant 2 : i32
        %add3A_1412 = vector.broadcast %add3A_1411 : i32 to vector<16xi32>
        %add3A_1413 = arith.addi %broadcast_in_dim3A_1410, %add3A_1412 : vector<16xi32>
        %gather3A_1414 = tpu.vector_load_idx %arg12[%add3A_1399, %add3A_1413] : memref<32x17xf32, #tpu.memory_space<vmem>>[vector<16xi32>, vector<16xi32>], vector<16xf32>,
        %add3A_1415 = arith.addf %gather3A_1402, %gather3A_1414 : vector<16xf32>
        %broadcast_in_dim3A_1416 = arith.constant 0 : i32
        %broadcast_in_dim3A_1417 = vector.broadcast %broadcast_in_dim3A_1416 : i32 to vector<16xi32>
        %add3A_1418 = arith.constant 2 : i32
        %add3A_1419 = vector.broadcast %add3A_1418 : i32 to vector<16xi32>
        %add3A_1420 = arith.addi %broadcast_in_dim3A_1417, %add3A_1419 : vector<16xi32>
        %add3A_1421 = arith.constant 1 : i32
        %add3A_1422 = vector.broadcast %add3A_1421 : i32 to vector<16xi32>
        %add3A_1423 = arith.addi %add3A_1420, %add3A_1422 : vector<16xi32>
        %gather3A_1424 = tpu.vector_load_idx %arg12[%add3A_1399, %add3A_1423] : memref<32x17xf32, #tpu.memory_space<vmem>>[vector<16xi32>, vector<16xi32>], vector<16xf32>,
        %add3A_1425 = arith.addf %gather3A_1408, %gather3A_1424 : vector<16xf32>
        %broadcast_in_dim3A_1426 = arith.constant 0 : i32
        %broadcast_in_dim3A_1427 = vector.broadcast %broadcast_in_dim3A_1426 : i32 to vector<16xi32>
        %add3A_1428 = arith.constant 4 : i32
        %add3A_1429 = vector.broadcast %add3A_1428 : i32 to vector<16xi32>
        %add3A_1430 = arith.addi %broadcast_in_dim3A_1427, %add3A_1429 : vector<16xi32>
        %gather3A_1431 = tpu.vector_load_idx %arg12[%add3A_1399, %add3A_1430] : memref<32x17xf32, #tpu.memory_space<vmem>>[vector<16xi32>, vector<16xi32>], vector<16xf32>,
        %add3A_1432 = arith.addf %add3A_1415, %gather3A_1431 : vector<16xf32>
        %broadcast_in_dim3A_1433 = arith.constant 0 : i32
        %broadcast_in_dim3A_1434 = vector.broadcast %broadcast_in_dim3A_1433 : i32 to vector<16xi32>
        %add3A_1435 = arith.constant 4 : i32
        %add3A_1436 = vector.broadcast %add3A_1435 : i32 to vector<16xi32>
        %add3A_1437 = arith.addi %broadcast_in_dim3A_1434, %add3A_1436 : vector<16xi32>
        %add3A_1438 = arith.constant 1 : i32
        %add3A_1439 = vector.broadcast %add3A_1438 : i32 to vector<16xi32>
        %add3A_1440 = arith.addi %add3A_1437, %add3A_1439 : vector<16xi32>
        %gather3A_1441 = tpu.vector_load_idx %arg12[%add3A_1399, %add3A_1440] : memref<32x17xf32, #tpu.memory_space<vmem>>[vector<16xi32>, vector<16xi32>], vector<16xf32>,
        %add3A_1442 = arith.addf %add3A_1425, %gather3A_1441 : vector<16xf32>
        %broadcast_in_dim3A_1443 = arith.constant 0 : i32
        %broadcast_in_dim3A_1444 = vector.broadcast %broadcast_in_dim3A_1443 : i32 to vector<16xi32>
        %add3A_1445 = arith.constant 6 : i32
        %add3A_1446 = vector.broadcast %add3A_1445 : i32 to vector<16xi32>
        %add3A_1447 = arith.addi %broadcast_in_dim3A_1444, %add3A_1446 : vector<16xi32>
        %gather3A_1448 = tpu.vector_load_idx %arg12[%add3A_1399, %add3A_1447] : memref<32x17xf32, #tpu.memory_space<vmem>>[vector<16xi32>, vector<16xi32>], vector<16xf32>,
        %add3A_1449 = arith.addf %add3A_1432, %gather3A_1448 : vector<16xf32>
        %broadcast_in_dim3A_1450 = arith.constant 0 : i32
        %broadcast_in_dim3A_1451 = vector.broadcast %broadcast_in_dim3A_1450 : i32 to vector<16xi32>
        %add3A_1452 = arith.constant 6 : i32
        %add3A_1453 = vector.broadcast %add3A_1452 : i32 to vector<16xi32>
        %add3A_1454 = arith.addi %broadcast_in_dim3A_1451, %add3A_1453 : vector<16xi32>
        %add3A_1455 = arith.constant 1 : i32
        %add3A_1456 = vector.broadcast %add3A_1455 : i32 to vector<16xi32>
        %add3A_1457 = arith.addi %add3A_1454, %add3A_1456 : vector<16xi32>
        %gather3A_1458 = tpu.vector_load_idx %arg12[%add3A_1399, %add3A_1457] : memref<32x17xf32, #tpu.memory_space<vmem>>[vector<16xi32>, vector<16xi32>], vector<16xf32>,
        %add3A_1459 = arith.addf %add3A_1442, %gather3A_1458 : vector<16xf32>
        %broadcast_in_dim3A_1460 = arith.constant 0 : i32
        %broadcast_in_dim3A_1461 = vector.broadcast %broadcast_in_dim3A_1460 : i32 to vector<16xi32>
        %add3A_1462 = arith.constant 8 : i32
        %add3A_1463 = vector.broadcast %add3A_1462 : i32 to vector<16xi32>
        %add3A_1464 = arith.addi %broadcast_in_dim3A_1461, %add3A_1463 : vector<16xi32>
        %gather3A_1465 = tpu.vector_load_idx %arg12[%add3A_1399, %add3A_1464] : memref<32x17xf32, #tpu.memory_space<vmem>>[vector<16xi32>, vector<16xi32>], vector<16xf32>,
        %add3A_1466 = arith.addf %add3A_1449, %gather3A_1465 : vector<16xf32>
        %broadcast_in_dim3A_1467 = arith.constant 0 : i32
        %broadcast_in_dim3A_1468 = vector.broadcast %broadcast_in_dim3A_1467 : i32 to vector<16xi32>
        %add3A_1469 = arith.constant 8 : i32
        %add3A_1470 = vector.broadcast %add3A_1469 : i32 to vector<16xi32>
        %add3A_1471 = arith.addi %broadcast_in_dim3A_1468, %add3A_1470 : vector<16xi32>
        %add3A_1472 = arith.constant 1 : i32
        %add3A_1473 = vector.broadcast %add3A_1472 : i32 to vector<16xi32>
        %add3A_1474 = arith.addi %add3A_1471, %add3A_1473 : vector<16xi32>
        %gather3A_1475 = tpu.vector_load_idx %arg12[%add3A_1399, %add3A_1474] : memref<32x17xf32, #tpu.memory_space<vmem>>[vector<16xi32>, vector<16xi32>], vector<16xf32>,
        %add3A_1476 = arith.addf %add3A_1459, %gather3A_1475 : vector<16xf32>
        %broadcast_in_dim3A_1477 = arith.constant 0 : i32
        %broadcast_in_dim3A_1478 = vector.broadcast %broadcast_in_dim3A_1477 : i32 to vector<16xi32>
        %add3A_1479 = arith.constant 10 : i32
        %add3A_1480 = vector.broadcast %add3A_1479 : i32 to vector<16xi32>
        %add3A_1481 = arith.addi %broadcast_in_dim3A_1478, %add3A_1480 : vector<16xi32>
        %gather3A_1482 = tpu.vector_load_idx %arg12[%add3A_1399, %add3A_1481] : memref<32x17xf32, #tpu.memory_space<vmem>>[vector<16xi32>, vector<16xi32>], vector<16xf32>,
        %add3A_1483 = arith.addf %add3A_1466, %gather3A_1482 : vector<16xf32>
        %broadcast_in_dim3A_1484 = arith.constant 0 : i32
        %broadcast_in_dim3A_1485 = vector.broadcast %broadcast_in_dim3A_1484 : i32 to vector<16xi32>
        %add3A_1486 = arith.constant 10 : i32
        %add3A_1487 = vector.broadcast %add3A_1486 : i32 to vector<16xi32>
        %add3A_1488 = arith.addi %broadcast_in_dim3A_1485, %add3A_1487 : vector<16xi32>
        %add3A_1489 = arith.constant 1 : i32
        %add3A_1490 = vector.broadcast %add3A_1489 : i32 to vector<16xi32>
        %add3A_1491 = arith.addi %add3A_1488, %add3A_1490 : vector<16xi32>
        %gather3A_1492 = tpu.vector_load_idx %arg12[%add3A_1399, %add3A_1491] : memref<32x17xf32, #tpu.memory_space<vmem>>[vector<16xi32>, vector<16xi32>], vector<16xf32>,
        %add3A_1493 = arith.addf %add3A_1476, %gather3A_1492 : vector<16xf32>
        %broadcast_in_dim3A_1494 = arith.constant 0 : i32
        %broadcast_in_dim3A_1495 = vector.broadcast %broadcast_in_dim3A_1494 : i32 to vector<16xi32>
        %add3A_1496 = arith.constant 12 : i32
        %add3A_1497 = vector.broadcast %add3A_1496 : i32 to vector<16xi32>
        %add3A_1498 = arith.addi %broadcast_in_dim3A_1495, %add3A_1497 : vector<16xi32>
        %gather3A_1499 = tpu.vector_load_idx %arg12[%add3A_1399, %add3A_1498] : memref<32x17xf32, #tpu.memory_space<vmem>>[vector<16xi32>, vector<16xi32>], vector<16xf32>,
        %add3A_1500 = arith.addf %add3A_1483, %gather3A_1499 : vector<16xf32>
        %broadcast_in_dim3A_1501 = arith.constant 0 : i32
        %broadcast_in_dim3A_1502 = vector.broadcast %broadcast_in_dim3A_1501 : i32 to vector<16xi32>
        %add3A_1503 = arith.constant 12 : i32
        %add3A_1504 = vector.broadcast %add3A_1503 : i32 to vector<16xi32>
        %add3A_1505 = arith.addi %broadcast_in_dim3A_1502, %add3A_1504 : vector<16xi32>
        %add3A_1506 = arith.constant 1 : i32
        %add3A_1507 = vector.broadcast %add3A_1506 : i32 to vector<16xi32>
        %add3A_1508 = arith.addi %add3A_1505, %add3A_1507 : vector<16xi32>
        %gather3A_1509 = tpu.vector_load_idx %arg12[%add3A_1399, %add3A_1508] : memref<32x17xf32, #tpu.memory_space<vmem>>[vector<16xi32>, vector<16xi32>], vector<16xf32>,
        %add3A_1510 = arith.addf %add3A_1493, %gather3A_1509 : vector<16xf32>
        %broadcast_in_dim3A_1511 = arith.constant 0 : i32
        %broadcast_in_dim3A_1512 = vector.broadcast %broadcast_in_dim3A_1511 : i32 to vector<16xi32>
        %add3A_1513 = arith.constant 14 : i32
        %add3A_1514 = vector.broadcast %add3A_1513 : i32 to vector<16xi32>
        %add3A_1515 = arith.addi %broadcast_in_dim3A_1512, %add3A_1514 : vector<16xi32>
        %gather3A_1516 = tpu.vector_load_idx %arg12[%add3A_1399, %add3A_1515] : memref<32x17xf32, #tpu.memory_space<vmem>>[vector<16xi32>, vector<16xi32>], vector<16xf32>,
        %add3A_1517 = arith.addf %add3A_1500, %gather3A_1516 : vector<16xf32>
        %broadcast_in_dim3A_1518 = arith.constant 0 : i32
        %broadcast_in_dim3A_1519 = vector.broadcast %broadcast_in_dim3A_1518 : i32 to vector<16xi32>
        %add3A_1520 = arith.constant 14 : i32
        %add3A_1521 = vector.broadcast %add3A_1520 : i32 to vector<16xi32>
        %add3A_1522 = arith.addi %broadcast_in_dim3A_1519, %add3A_1521 : vector<16xi32>
        %add3A_1523 = arith.constant 1 : i32
        %add3A_1524 = vector.broadcast %add3A_1523 : i32 to vector<16xi32>
        %add3A_1525 = arith.addi %add3A_1522, %add3A_1524 : vector<16xi32>
        %gather3A_1526 = tpu.vector_load_idx %arg12[%add3A_1399, %add3A_1525] : memref<32x17xf32, #tpu.memory_space<vmem>>[vector<16xi32>, vector<16xi32>], vector<16xf32>,
        %add3A_1527 = arith.addf %add3A_1510, %gather3A_1526 : vector<16xf32>
        %add3A_1528 = arith.addf %add3A_1517, %add3A_1527 : vector<16xf32>
        %neg3A_1529 = arith.constant 0.000000e+00 : f32
        %neg3A_1530 = vector.broadcast %neg3A_1529 : f32 to vector<16xf32>
        %neg3A_1531 = arith.subf %neg3A_1530, %add3A_1528 : vector<16xf32>
        %exp3A_1532 = math.exp %neg3A_1531 : vector<16xf32>
        %add3A_1533 = arith.constant 1.000000e+00 : f32
        %add3A_1534 = vector.broadcast %add3A_1533 : f32 to vector<16xf32>
        %add3A_1535 = arith.addf %add3A_1534, %exp3A_1532 : vector<16xf32>
        %div3A_1536 = arith.constant 1.000000e+00 : f32
        %div3A_1537 = vector.broadcast %div3A_1536 : f32 to vector<16xf32>
        %div3A_1538 = arith.divf %div3A_1537, %add3A_1535 : vector<16xf32>
        %mul3A_1539 = arith.constant 128 : i32
        %mul3A_1540 = arith.muli %scan3A_63, %mul3A_1539 : i32
        %mul3A_1541 = arith.constant 16 : i32
        %mul3A_1542 = arith.muli %scan3A_1378, %mul3A_1541 : i32
        %add3A_1543 = arith.addi %mul3A_1540, %mul3A_1542 : i32
        %swap3A_1544 = arith.index_cast %add3A_1543 : i32 to index
        %swap3A_1545 = tpu.vector_load %arg11[%swap3A_1544] {strides = array<i32>} : memref<512xf32, #tpu.memory_space<vmem>>, vector<16xf32>,
        tpu.vector_store %arg11[%swap3A_1544], %div3A_1538 {strides = array<i32>} : memref<512xf32, #tpu.memory_space<vmem>>, vector<16xf32>,
        %add3A_1546 = arith.constant 1 : i32
        %add3A_1547 = arith.addi %scan3A_1378, %add3A_1546 : i32
        %mul3A_1548 = arith.constant 16 : i32
        %mul3A_1549 = arith.muli %add3A_1547, %mul3A_1548 : i32
        %add3A_1550 = arith.addi %mul3A_75, %mul3A_1549 : i32
        %jit3A_1551 = arith.constant 2 : i32
        %eq3A_1552 = arith.constant 0 : i32
        %eq3A_1553 = arith.cmpi eq, %jit3A_1551, %eq3A_1552 : i32
        %jit3A_1554 = arith.constant 1 : i32
        %select_n3A_1555 = arith.select %eq3A_1553, %jit3A_1554, %jit3A_1551 : i32
        %rem3A_1556 = arith.remsi %add3A_1547, %select_n3A_1555 : i32
        %ne3A_1557 = arith.constant 0 : i32
        %ne3A_1558 = arith.cmpi ne, %rem3A_1556, %ne3A_1557 : i32
        %lt3A_1559 = arith.constant 0 : i32
        %lt3A_1560 = arith.cmpi slt, %rem3A_1556, %lt3A_1559 : i32
        %lt3A_1561 = arith.constant 0 : i32
        %lt3A_1562 = arith.cmpi slt, %select_n3A_1555, %lt3A_1561 : i32
        %ne3A_1563 = arith.xori %lt3A_1560, %lt3A_1562 : i1
        %and3A_1564 = arith.andi %ne3A_1563, %ne3A_1558 : i1
        %add3A_1565 = arith.addi %rem3A_1556, %select_n3A_1555 : i32
        %select_n3A_1566 = arith.select %and3A_1564, %add3A_1565, %rem3A_1556 : i32
        %mul3A_1567 = arith.constant 16 : i32
        %mul3A_1568 = arith.muli %select_n3A_1566, %mul3A_1567 : i32
        %get3A_1569 = arith.index_cast %add3A_1550 : i32 to index
        %get3A_1570 = arith.constant 0 : index
        %get3A_1571 = tpu.vector_load %arg9[%get3A_1569, %get3A_1570] {strides = array<i32>} : memref<384x128xf32, #tpu.memory_space<vmem>>, vector<16xf32>,
        %get3A_1572 = arith.index_cast %add3A_1550 : i32 to index
        %get3A_1573 = arith.constant 16 : index
        %get3A_1574 = tpu.vector_load %arg9[%get3A_1572, %get3A_1573] {strides = array<i32>} : memref<384x128xf32, #tpu.memory_space<vmem>>, vector<16xf32>,
        %get3A_1575 = arith.index_cast %add3A_1550 : i32 to index
        %get3A_1576 = arith.constant 32 : index
        %get3A_1577 = tpu.vector_load %arg9[%get3A_1575, %get3A_1576] {strides = array<i32>} : memref<384x128xf32, #tpu.memory_space<vmem>>, vector<16xf32>,
        %get3A_1578 = arith.index_cast %add3A_1550 : i32 to index
        %get3A_1579 = arith.constant 48 : index
        %get3A_1580 = tpu.vector_load %arg9[%get3A_1578, %get3A_1579] {strides = array<i32>} : memref<384x128xf32, #tpu.memory_space<vmem>>, vector<16xf32>,
        %get3A_1581 = arith.index_cast %add3A_1550 : i32 to index
        %get3A_1582 = arith.constant 64 : index
        %get3A_1583 = tpu.vector_load %arg9[%get3A_1581, %get3A_1582] {strides = array<i32>} : memref<384x128xf32, #tpu.memory_space<vmem>>, vector<16xf32>,
        %get3A_1584 = arith.index_cast %add3A_1550 : i32 to index
        %get3A_1585 = arith.constant 80 : index
        %get3A_1586 = tpu.vector_load %arg9[%get3A_1584, %get3A_1585] {strides = array<i32>} : memref<384x128xf32, #tpu.memory_space<vmem>>, vector<16xf32>,
        %get3A_1587 = arith.index_cast %add3A_1550 : i32 to index
        %get3A_1588 = arith.constant 96 : index
        %get3A_1589 = tpu.vector_load %arg9[%get3A_1587, %get3A_1588] {strides = array<i32>} : memref<384x128xf32, #tpu.memory_space<vmem>>, vector<16xf32>,
        %get3A_1590 = arith.index_cast %add3A_1550 : i32 to index
        %get3A_1591 = arith.constant 112 : index
        %get3A_1592 = tpu.vector_load %arg9[%get3A_1590, %get3A_1591] {strides = array<i32>} : memref<384x128xf32, #tpu.memory_space<vmem>>, vector<16xf32>,
        %get3A_1593 = arith.index_cast %add3A_1550 : i32 to index
        %get3A_1594 = arith.constant 0 : index
        %get3A_1595 = tpu.vector_load %arg10[%get3A_1593, %get3A_1594] {strides = array<i32>} : memref<384x128xf32, #tpu.memory_space<vmem>>, vector<16xf32>,
        %get3A_1596 = arith.index_cast %add3A_1550 : i32 to index
        %get3A_1597 = arith.constant 16 : index
        %get3A_1598 = tpu.vector_load %arg10[%get3A_1596, %get3A_1597] {strides = array<i32>} : memref<384x128xf32, #tpu.memory_space<vmem>>, vector<16xf32>,
        %get3A_1599 = arith.index_cast %add3A_1550 : i32 to index
        %get3A_1600 = arith.constant 32 : index
        %get3A_1601 = tpu.vector_load %arg10[%get3A_1599, %get3A_1600] {strides = array<i32>} : memref<384x128xf32, #tpu.memory_space<vmem>>, vector<16xf32>,
        %get3A_1602 = arith.index_cast %add3A_1550 : i32 to index
        %get3A_1603 = arith.constant 48 : index
        %get3A_1604 = tpu.vector_load %arg10[%get3A_1602, %get3A_1603] {strides = array<i32>} : memref<384x128xf32, #tpu.memory_space<vmem>>, vector<16xf32>,
        %get3A_1605 = arith.index_cast %add3A_1550 : i32 to index
        %get3A_1606 = arith.constant 64 : index
        %get3A_1607 = tpu.vector_load %arg10[%get3A_1605, %get3A_1606] {strides = array<i32>} : memref<384x128xf32, #tpu.memory_space<vmem>>, vector<16xf32>,
        %get3A_1608 = arith.index_cast %add3A_1550 : i32 to index
        %get3A_1609 = arith.constant 80 : index
        %get3A_1610 = tpu.vector_load %arg10[%get3A_1608, %get3A_1609] {strides = array<i32>} : memref<384x128xf32, #tpu.memory_space<vmem>>, vector<16xf32>,
        %get3A_1611 = arith.index_cast %add3A_1550 : i32 to index
        %get3A_1612 = arith.constant 96 : index
        %get3A_1613 = tpu.vector_load %arg10[%get3A_1611, %get3A_1612] {strides = array<i32>} : memref<384x128xf32, #tpu.memory_space<vmem>>, vector<16xf32>,
        %get3A_1614 = arith.index_cast %add3A_1550 : i32 to index
        %get3A_1615 = arith.constant 112 : index
        %get3A_1616 = tpu.vector_load %arg10[%get3A_1614, %get3A_1615] {strides = array<i32>} : memref<384x128xf32, #tpu.memory_space<vmem>>, vector<16xf32>,
        %add3A_1617 = arith.constant 0 : i32
        %add3A_1618 = arith.addi %add3A_1550, %add3A_1617 : i32
        %add3A_1619 = arith.constant 1 : i32
        %add3A_1620 = arith.addi %add3A_1618, %add3A_1619 : i32
        %get3A_1621 = arith.index_cast %add3A_1620 : i32 to index
        %get3A_1622 = arith.constant 0 : index
        %get3A_1623 = tpu.vector_load %arg9[%get3A_1621, %get3A_1622] {strides = array<i32>} : memref<384x128xf32, #tpu.memory_space<vmem>>, vector<16xf32>,
        %get3A_1624 = arith.index_cast %add3A_1620 : i32 to index
        %get3A_1625 = arith.constant 16 : index
        %get3A_1626 = tpu.vector_load %arg9[%get3A_1624, %get3A_1625] {strides = array<i32>} : memref<384x128xf32, #tpu.memory_space<vmem>>, vector<16xf32>,
        %get3A_1627 = arith.index_cast %add3A_1620 : i32 to index
        %get3A_1628 = arith.constant 32 : index
        %get3A_1629 = tpu.vector_load %arg9[%get3A_1627, %get3A_1628] {strides = array<i32>} : memref<384x128xf32, #tpu.memory_space<vmem>>, vector<16xf32>,
        %get3A_1630 = arith.index_cast %add3A_1620 : i32 to index
        %get3A_1631 = arith.constant 48 : index
        %get3A_1632 = tpu.vector_load %arg9[%get3A_1630, %get3A_1631] {strides = array<i32>} : memref<384x128xf32, #tpu.memory_space<vmem>>, vector<16xf32>,
        %get3A_1633 = arith.index_cast %add3A_1620 : i32 to index
        %get3A_1634 = arith.constant 64 : index
        %get3A_1635 = tpu.vector_load %arg9[%get3A_1633, %get3A_1634] {strides = array<i32>} : memref<384x128xf32, #tpu.memory_space<vmem>>, vector<16xf32>,
        %get3A_1636 = arith.index_cast %add3A_1620 : i32 to index
        %get3A_1637 = arith.constant 80 : index
        %get3A_1638 = tpu.vector_load %arg9[%get3A_1636, %get3A_1637] {strides = array<i32>} : memref<384x128xf32, #tpu.memory_space<vmem>>, vector<16xf32>,
        %get3A_1639 = arith.index_cast %add3A_1620 : i32 to index
        %get3A_1640 = arith.constant 96 : index
        %get3A_1641 = tpu.vector_load %arg9[%get3A_1639, %get3A_1640] {strides = array<i32>} : memref<384x128xf32, #tpu.memory_space<vmem>>, vector<16xf32>,
        %get3A_1642 = arith.index_cast %add3A_1620 : i32 to index
        %get3A_1643 = arith.constant 112 : index
        %get3A_1644 = tpu.vector_load %arg9[%get3A_1642, %get3A_1643] {strides = array<i32>} : memref<384x128xf32, #tpu.memory_space<vmem>>, vector<16xf32>,
        %get3A_1645 = arith.index_cast %add3A_1620 : i32 to index
        %get3A_1646 = arith.constant 0 : index
        %get3A_1647 = tpu.vector_load %arg10[%get3A_1645, %get3A_1646] {strides = array<i32>} : memref<384x128xf32, #tpu.memory_space<vmem>>, vector<16xf32>,
        %get3A_1648 = arith.index_cast %add3A_1620 : i32 to index
        %get3A_1649 = arith.constant 16 : index
        %get3A_1650 = tpu.vector_load %arg10[%get3A_1648, %get3A_1649] {strides = array<i32>} : memref<384x128xf32, #tpu.memory_space<vmem>>, vector<16xf32>,
        %get3A_1651 = arith.index_cast %add3A_1620 : i32 to index
        %get3A_1652 = arith.constant 32 : index
        %get3A_1653 = tpu.vector_load %arg10[%get3A_1651, %get3A_1652] {strides = array<i32>} : memref<384x128xf32, #tpu.memory_space<vmem>>, vector<16xf32>,
        %get3A_1654 = arith.index_cast %add3A_1620 : i32 to index
        %get3A_1655 = arith.constant 48 : index
        %get3A_1656 = tpu.vector_load %arg10[%get3A_1654, %get3A_1655] {strides = array<i32>} : memref<384x128xf32, #tpu.memory_space<vmem>>, vector<16xf32>,
        %get3A_1657 = arith.index_cast %add3A_1620 : i32 to index
        %get3A_1658 = arith.constant 64 : index
        %get3A_1659 = tpu.vector_load %arg10[%get3A_1657, %get3A_1658] {strides = array<i32>} : memref<384x128xf32, #tpu.memory_space<vmem>>, vector<16xf32>,
        %get3A_1660 = arith.index_cast %add3A_1620 : i32 to index
        %get3A_1661 = arith.constant 80 : index
        %get3A_1662 = tpu.vector_load %arg10[%get3A_1660, %get3A_1661] {strides = array<i32>} : memref<384x128xf32, #tpu.memory_space<vmem>>, vector<16xf32>,
        %get3A_1663 = arith.index_cast %add3A_1620 : i32 to index
        %get3A_1664 = arith.constant 96 : index
        %get3A_1665 = tpu.vector_load %arg10[%get3A_1663, %get3A_1664] {strides = array<i32>} : memref<384x128xf32, #tpu.memory_space<vmem>>, vector<16xf32>,
        %get3A_1666 = arith.index_cast %add3A_1620 : i32 to index
        %get3A_1667 = arith.constant 112 : index
        %get3A_1668 = tpu.vector_load %arg10[%get3A_1666, %get3A_1667] {strides = array<i32>} : memref<384x128xf32, #tpu.memory_space<vmem>>, vector<16xf32>,
        %mul3A_1669 = arith.mulf %get3A_1571, %get3A_1595 : vector<16xf32>
        %mul3A_1670 = arith.mulf %get3A_1574, %get3A_1598 : vector<16xf32>
        %mul3A_1671 = arith.mulf %get3A_1577, %get3A_1601 : vector<16xf32>
        %add3A_1672 = arith.addf %mul3A_1669, %mul3A_1671 : vector<16xf32>
        %mul3A_1673 = arith.mulf %get3A_1580, %get3A_1604 : vector<16xf32>
        %add3A_1674 = arith.addf %mul3A_1670, %mul3A_1673 : vector<16xf32>
        %mul3A_1675 = arith.mulf %get3A_1583, %get3A_1607 : vector<16xf32>
        %add3A_1676 = arith.addf %add3A_1672, %mul3A_1675 : vector<16xf32>
        %mul3A_1677 = arith.mulf %get3A_1586, %get3A_1610 : vector<16xf32>
        %add3A_1678 = arith.addf %add3A_1674, %mul3A_1677 : vector<16xf32>
        %mul3A_1679 = arith.mulf %get3A_1589, %get3A_1613 : vector<16xf32>
        %add3A_1680 = arith.addf %add3A_1676, %mul3A_1679 : vector<16xf32>
        %mul3A_1681 = arith.mulf %get3A_1592, %get3A_1616 : vector<16xf32>
        %add3A_1682 = arith.addf %add3A_1678, %mul3A_1681 : vector<16xf32>
        %add3A_1683 = arith.addf %add3A_1680, %add3A_1682 : vector<16xf32>
        %add3A_1684 = arith.constant 0 : i32
        %add3A_1685 = arith.addi %mul3A_1568, %add3A_1684 : i32
        %swap3A_1686 = arith.index_cast %add3A_1685 : i32 to index
        %swap3A_1687 = arith.constant 0 : index
        %swap3A_1688 = tpu.vector_load %arg12[%swap3A_1686, %swap3A_1687] {strides = array<i32>} : memref<32x17xf32, #tpu.memory_space<vmem>>, vector<16xf32>,
        tpu.vector_store %arg12[%swap3A_1686, %swap3A_1687], %add3A_1683 {strides = array<i32>} : memref<32x17xf32, #tpu.memory_space<vmem>>, vector<16xf32>,
        %add3A_1689 = arith.constant 1 : i32
        %add3A_1690 = arith.addi %add3A_1550, %add3A_1689 : i32
        %add3A_1691 = arith.constant 1 : i32
        %add3A_1692 = arith.addi %add3A_1690, %add3A_1691 : i32
        %get3A_1693 = arith.index_cast %add3A_1692 : i32 to index
        %get3A_1694 = arith.constant 0 : index
        %get3A_1695 = tpu.vector_load %arg9[%get3A_1693, %get3A_1694] {strides = array<i32>} : memref<384x128xf32, #tpu.memory_space<vmem>>, vector<16xf32>,
        %get3A_1696 = arith.index_cast %add3A_1692 : i32 to index
        %get3A_1697 = arith.constant 16 : index
        %get3A_1698 = tpu.vector_load %arg9[%get3A_1696, %get3A_1697] {strides = array<i32>} : memref<384x128xf32, #tpu.memory_space<vmem>>, vector<16xf32>,
        %get3A_1699 = arith.index_cast %add3A_1692 : i32 to index
        %get3A_1700 = arith.constant 32 : index
        %get3A_1701 = tpu.vector_load %arg9[%get3A_1699, %get3A_1700] {strides = array<i32>} : memref<384x128xf32, #tpu.memory_space<vmem>>, vector<16xf32>,
        %get3A_1702 = arith.index_cast %add3A_1692 : i32 to index
        %get3A_1703 = arith.constant 48 : index
        %get3A_1704 = tpu.vector_load %arg9[%get3A_1702, %get3A_1703] {strides = array<i32>} : memref<384x128xf32, #tpu.memory_space<vmem>>, vector<16xf32>,
        %get3A_1705 = arith.index_cast %add3A_1692 : i32 to index
        %get3A_1706 = arith.constant 64 : index
        %get3A_1707 = tpu.vector_load %arg9[%get3A_1705, %get3A_1706] {strides = array<i32>} : memref<384x128xf32, #tpu.memory_space<vmem>>, vector<16xf32>,
        %get3A_1708 = arith.index_cast %add3A_1692 : i32 to index
        %get3A_1709 = arith.constant 80 : index
        %get3A_1710 = tpu.vector_load %arg9[%get3A_1708, %get3A_1709] {strides = array<i32>} : memref<384x128xf32, #tpu.memory_space<vmem>>, vector<16xf32>,
        %get3A_1711 = arith.index_cast %add3A_1692 : i32 to index
        %get3A_1712 = arith.constant 96 : index
        %get3A_1713 = tpu.vector_load %arg9[%get3A_1711, %get3A_1712] {strides = array<i32>} : memref<384x128xf32, #tpu.memory_space<vmem>>, vector<16xf32>,
        %get3A_1714 = arith.index_cast %add3A_1692 : i32 to index
        %get3A_1715 = arith.constant 112 : index
        %get3A_1716 = tpu.vector_load %arg9[%get3A_1714, %get3A_1715] {strides = array<i32>} : memref<384x128xf32, #tpu.memory_space<vmem>>, vector<16xf32>,
        %get3A_1717 = arith.index_cast %add3A_1692 : i32 to index
        %get3A_1718 = arith.constant 0 : index
        %get3A_1719 = tpu.vector_load %arg10[%get3A_1717, %get3A_1718] {strides = array<i32>} : memref<384x128xf32, #tpu.memory_space<vmem>>, vector<16xf32>,
        %get3A_1720 = arith.index_cast %add3A_1692 : i32 to index
        %get3A_1721 = arith.constant 16 : index
        %get3A_1722 = tpu.vector_load %arg10[%get3A_1720, %get3A_1721] {strides = array<i32>} : memref<384x128xf32, #tpu.memory_space<vmem>>, vector<16xf32>,
        %get3A_1723 = arith.index_cast %add3A_1692 : i32 to index
        %get3A_1724 = arith.constant 32 : index
        %get3A_1725 = tpu.vector_load %arg10[%get3A_1723, %get3A_1724] {strides = array<i32>} : memref<384x128xf32, #tpu.memory_space<vmem>>, vector<16xf32>,
        %get3A_1726 = arith.index_cast %add3A_1692 : i32 to index
        %get3A_1727 = arith.constant 48 : index
        %get3A_1728 = tpu.vector_load %arg10[%get3A_1726, %get3A_1727] {strides = array<i32>} : memref<384x128xf32, #tpu.memory_space<vmem>>, vector<16xf32>,
        %get3A_1729 = arith.index_cast %add3A_1692 : i32 to index
        %get3A_1730 = arith.constant 64 : index
        %get3A_1731 = tpu.vector_load %arg10[%get3A_1729, %get3A_1730] {strides = array<i32>} : memref<384x128xf32, #tpu.memory_space<vmem>>, vector<16xf32>,
        %get3A_1732 = arith.index_cast %add3A_1692 : i32 to index
        %get3A_1733 = arith.constant 80 : index
        %get3A_1734 = tpu.vector_load %arg10[%get3A_1732, %get3A_1733] {strides = array<i32>} : memref<384x128xf32, #tpu.memory_space<vmem>>, vector<16xf32>,
        %get3A_1735 = arith.index_cast %add3A_1692 : i32 to index
        %get3A_1736 = arith.constant 96 : index
        %get3A_1737 = tpu.vector_load %arg10[%get3A_1735, %get3A_1736] {strides = array<i32>} : memref<384x128xf32, #tpu.memory_space<vmem>>, vector<16xf32>,
        %get3A_1738 = arith.index_cast %add3A_1692 : i32 to index
        %get3A_1739 = arith.constant 112 : index
        %get3A_1740 = tpu.vector_load %arg10[%get3A_1738, %get3A_1739] {strides = array<i32>} : memref<384x128xf32, #tpu.memory_space<vmem>>, vector<16xf32>,
        %mul3A_1741 = arith.mulf %get3A_1623, %get3A_1647 : vector<16xf32>
        %mul3A_1742 = arith.mulf %get3A_1626, %get3A_1650 : vector<16xf32>
        %mul3A_1743 = arith.mulf %get3A_1629, %get3A_1653 : vector<16xf32>
        %add3A_1744 = arith.addf %mul3A_1741, %mul3A_1743 : vector<16xf32>
        %mul3A_1745 = arith.mulf %get3A_1632, %get3A_1656 : vector<16xf32>
        %add3A_1746 = arith.addf %mul3A_1742, %mul3A_1745 : vector<16xf32>
        %mul3A_1747 = arith.mulf %get3A_1635, %get3A_1659 : vector<16xf32>
        %add3A_1748 = arith.addf %add3A_1744, %mul3A_1747 : vector<16xf32>
        %mul3A_1749 = arith.mulf %get3A_1638, %get3A_1662 : vector<16xf32>
        %add3A_1750 = arith.addf %add3A_1746, %mul3A_1749 : vector<16xf32>
        %mul3A_1751 = arith.mulf %get3A_1641, %get3A_1665 : vector<16xf32>
        %add3A_1752 = arith.addf %add3A_1748, %mul3A_1751 : vector<16xf32>
        %mul3A_1753 = arith.mulf %get3A_1644, %get3A_1668 : vector<16xf32>
        %add3A_1754 = arith.addf %add3A_1750, %mul3A_1753 : vector<16xf32>
        %add3A_1755 = arith.addf %add3A_1752, %add3A_1754 : vector<16xf32>
        %add3A_1756 = arith.constant 1 : i32
        %add3A_1757 = arith.addi %mul3A_1568, %add3A_1756 : i32
        %swap3A_1758 = arith.index_cast %add3A_1757 : i32 to index
        %swap3A_1759 = arith.constant 0 : index
        %swap3A_1760 = tpu.vector_load %arg12[%swap3A_1758, %swap3A_1759] {strides = array<i32>} : memref<32x17xf32, #tpu.memory_space<vmem>>, vector<16xf32>,
        tpu.vector_store %arg12[%swap3A_1758, %swap3A_1759], %add3A_1755 {strides = array<i32>} : memref<32x17xf32, #tpu.memory_space<vmem>>, vector<16xf32>,
        %add3A_1761 = arith.constant 2 : i32
        %add3A_1762 = arith.addi %add3A_1550, %add3A_1761 : i32
        %add3A_1763 = arith.constant 1 : i32
        %add3A_1764 = arith.addi %add3A_1762, %add3A_1763 : i32
        %get3A_1765 = arith.index_cast %add3A_1764 : i32 to index
        %get3A_1766 = arith.constant 0 : index
        %get3A_1767 = tpu.vector_load %arg9[%get3A_1765, %get3A_1766] {strides = array<i32>} : memref<384x128xf32, #tpu.memory_space<vmem>>, vector<16xf32>,
        %get3A_1768 = arith.index_cast %add3A_1764 : i32 to index
        %get3A_1769 = arith.constant 16 : index
        %get3A_1770 = tpu.vector_load %arg9[%get3A_1768, %get3A_1769] {strides = array<i32>} : memref<384x128xf32, #tpu.memory_space<vmem>>, vector<16xf32>,
        %get3A_1771 = arith.index_cast %add3A_1764 : i32 to index
        %get3A_1772 = arith.constant 32 : index
        %get3A_1773 = tpu.vector_load %arg9[%get3A_1771, %get3A_1772] {strides = array<i32>} : memref<384x128xf32, #tpu.memory_space<vmem>>, vector<16xf32>,
        %get3A_1774 = arith.index_cast %add3A_1764 : i32 to index
        %get3A_1775 = arith.constant 48 : index
        %get3A_1776 = tpu.vector_load %arg9[%get3A_1774, %get3A_1775] {strides = array<i32>} : memref<384x128xf32, #tpu.memory_space<vmem>>, vector<16xf32>,
        %get3A_1777 = arith.index_cast %add3A_1764 : i32 to index
        %get3A_1778 = arith.constant 64 : index
        %get3A_1779 = tpu.vector_load %arg9[%get3A_1777, %get3A_1778] {strides = array<i32>} : memref<384x128xf32, #tpu.memory_space<vmem>>, vector<16xf32>,
        %get3A_1780 = arith.index_cast %add3A_1764 : i32 to index
        %get3A_1781 = arith.constant 80 : index
        %get3A_1782 = tpu.vector_load %arg9[%get3A_1780, %get3A_1781] {strides = array<i32>} : memref<384x128xf32, #tpu.memory_space<vmem>>, vector<16xf32>,
        %get3A_1783 = arith.index_cast %add3A_1764 : i32 to index
        %get3A_1784 = arith.constant 96 : index
        %get3A_1785 = tpu.vector_load %arg9[%get3A_1783, %get3A_1784] {strides = array<i32>} : memref<384x128xf32, #tpu.memory_space<vmem>>, vector<16xf32>,
        %get3A_1786 = arith.index_cast %add3A_1764 : i32 to index
        %get3A_1787 = arith.constant 112 : index
        %get3A_1788 = tpu.vector_load %arg9[%get3A_1786, %get3A_1787] {strides = array<i32>} : memref<384x128xf32, #tpu.memory_space<vmem>>, vector<16xf32>,
        %get3A_1789 = arith.index_cast %add3A_1764 : i32 to index
        %get3A_1790 = arith.constant 0 : index
        %get3A_1791 = tpu.vector_load %arg10[%get3A_1789, %get3A_1790] {strides = array<i32>} : memref<384x128xf32, #tpu.memory_space<vmem>>, vector<16xf32>,
        %get3A_1792 = arith.index_cast %add3A_1764 : i32 to index
        %get3A_1793 = arith.constant 16 : index
        %get3A_1794 = tpu.vector_load %arg10[%get3A_1792, %get3A_1793] {strides = array<i32>} : memref<384x128xf32, #tpu.memory_space<vmem>>, vector<16xf32>,
        %get3A_1795 = arith.index_cast %add3A_1764 : i32 to index
        %get3A_1796 = arith.constant 32 : index
        %get3A_1797 = tpu.vector_load %arg10[%get3A_1795, %get3A_1796] {strides = array<i32>} : memref<384x128xf32, #tpu.memory_space<vmem>>, vector<16xf32>,
        %get3A_1798 = arith.index_cast %add3A_1764 : i32 to index
        %get3A_1799 = arith.constant 48 : index
        %get3A_1800 = tpu.vector_load %arg10[%get3A_1798, %get3A_1799] {strides = array<i32>} : memref<384x128xf32, #tpu.memory_space<vmem>>, vector<16xf32>,
        %get3A_1801 = arith.index_cast %add3A_1764 : i32 to index
        %get3A_1802 = arith.constant 64 : index
        %get3A_1803 = tpu.vector_load %arg10[%get3A_1801, %get3A_1802] {strides = array<i32>} : memref<384x128xf32, #tpu.memory_space<vmem>>, vector<16xf32>,
        %get3A_1804 = arith.index_cast %add3A_1764 : i32 to index
        %get3A_1805 = arith.constant 80 : index
        %get3A_1806 = tpu.vector_load %arg10[%get3A_1804, %get3A_1805] {strides = array<i32>} : memref<384x128xf32, #tpu.memory_space<vmem>>, vector<16xf32>,
        %get3A_1807 = arith.index_cast %add3A_1764 : i32 to index
        %get3A_1808 = arith.constant 96 : index
        %get3A_1809 = tpu.vector_load %arg10[%get3A_1807, %get3A_1808] {strides = array<i32>} : memref<384x128xf32, #tpu.memory_space<vmem>>, vector<16xf32>,
        %get3A_1810 = arith.index_cast %add3A_1764 : i32 to index
        %get3A_1811 = arith.constant 112 : index
        %get3A_1812 = tpu.vector_load %arg10[%get3A_1810, %get3A_1811] {strides = array<i32>} : memref<384x128xf32, #tpu.memory_space<vmem>>, vector<16xf32>,
        %mul3A_1813 = arith.mulf %get3A_1695, %get3A_1719 : vector<16xf32>
        %mul3A_1814 = arith.mulf %get3A_1698, %get3A_1722 : vector<16xf32>
        %mul3A_1815 = arith.mulf %get3A_1701, %get3A_1725 : vector<16xf32>
        %add3A_1816 = arith.addf %mul3A_1813, %mul3A_1815 : vector<16xf32>
        %mul3A_1817 = arith.mulf %get3A_1704, %get3A_1728 : vector<16xf32>
        %add3A_1818 = arith.addf %mul3A_1814, %mul3A_1817 : vector<16xf32>
        %mul3A_1819 = arith.mulf %get3A_1707, %get3A_1731 : vector<16xf32>
        %add3A_1820 = arith.addf %add3A_1816, %mul3A_1819 : vector<16xf32>
        %mul3A_1821 = arith.mulf %get3A_1710, %get3A_1734 : vector<16xf32>
        %add3A_1822 = arith.addf %add3A_1818, %mul3A_1821 : vector<16xf32>
        %mul3A_1823 = arith.mulf %get3A_1713, %get3A_1737 : vector<16xf32>
        %add3A_1824 = arith.addf %add3A_1820, %mul3A_1823 : vector<16xf32>
        %mul3A_1825 = arith.mulf %get3A_1716, %get3A_1740 : vector<16xf32>
        %add3A_1826 = arith.addf %add3A_1822, %mul3A_1825 : vector<16xf32>
        %add3A_1827 = arith.addf %add3A_1824, %add3A_1826 : vector<16xf32>
        %add3A_1828 = arith.constant 2 : i32
        %add3A_1829 = arith.addi %mul3A_1568, %add3A_1828 : i32
        %swap3A_1830 = arith.index_cast %add3A_1829 : i32 to index
        %swap3A_1831 = arith.constant 0 : index
        %swap3A_1832 = tpu.vector_load %arg12[%swap3A_1830, %swap3A_1831] {strides = array<i32>} : memref<32x17xf32, #tpu.memory_space<vmem>>, vector<16xf32>,
        tpu.vector_store %arg12[%swap3A_1830, %swap3A_1831], %add3A_1827 {strides = array<i32>} : memref<32x17xf32, #tpu.memory_space<vmem>>, vector<16xf32>,
        %add3A_1833 = arith.constant 3 : i32
        %add3A_1834 = arith.addi %add3A_1550, %add3A_1833 : i32
        %add3A_1835 = arith.constant 1 : i32
        %add3A_1836 = arith.addi %add3A_1834, %add3A_1835 : i32
        %get3A_1837 = arith.index_cast %add3A_1836 : i32 to index
        %get3A_1838 = arith.constant 0 : index
        %get3A_1839 = tpu.vector_load %arg9[%get3A_1837, %get3A_1838] {strides = array<i32>} : memref<384x128xf32, #tpu.memory_space<vmem>>, vector<16xf32>,
        %get3A_1840 = arith.index_cast %add3A_1836 : i32 to index
        %get3A_1841 = arith.constant 16 : index
        %get3A_1842 = tpu.vector_load %arg9[%get3A_1840, %get3A_1841] {strides = array<i32>} : memref<384x128xf32, #tpu.memory_space<vmem>>, vector<16xf32>,
        %get3A_1843 = arith.index_cast %add3A_1836 : i32 to index
        %get3A_1844 = arith.constant 32 : index
        %get3A_1845 = tpu.vector_load %arg9[%get3A_1843, %get3A_1844] {strides = array<i32>} : memref<384x128xf32, #tpu.memory_space<vmem>>, vector<16xf32>,
        %get3A_1846 = arith.index_cast %add3A_1836 : i32 to index
        %get3A_1847 = arith.constant 48 : index
        %get3A_1848 = tpu.vector_load %arg9[%get3A_1846, %get3A_1847] {strides = array<i32>} : memref<384x128xf32, #tpu.memory_space<vmem>>, vector<16xf32>,
        %get3A_1849 = arith.index_cast %add3A_1836 : i32 to index
        %get3A_1850 = arith.constant 64 : index
        %get3A_1851 = tpu.vector_load %arg9[%get3A_1849, %get3A_1850] {strides = array<i32>} : memref<384x128xf32, #tpu.memory_space<vmem>>, vector<16xf32>,
        %get3A_1852 = arith.index_cast %add3A_1836 : i32 to index
        %get3A_1853 = arith.constant 80 : index
        %get3A_1854 = tpu.vector_load %arg9[%get3A_1852, %get3A_1853] {strides = array<i32>} : memref<384x128xf32, #tpu.memory_space<vmem>>, vector<16xf32>,
        %get3A_1855 = arith.index_cast %add3A_1836 : i32 to index
        %get3A_1856 = arith.constant 96 : index
        %get3A_1857 = tpu.vector_load %arg9[%get3A_1855, %get3A_1856] {strides = array<i32>} : memref<384x128xf32, #tpu.memory_space<vmem>>, vector<16xf32>,
        %get3A_1858 = arith.index_cast %add3A_1836 : i32 to index
        %get3A_1859 = arith.constant 112 : index
        %get3A_1860 = tpu.vector_load %arg9[%get3A_1858, %get3A_1859] {strides = array<i32>} : memref<384x128xf32, #tpu.memory_space<vmem>>, vector<16xf32>,
        %get3A_1861 = arith.index_cast %add3A_1836 : i32 to index
        %get3A_1862 = arith.constant 0 : index
        %get3A_1863 = tpu.vector_load %arg10[%get3A_1861, %get3A_1862] {strides = array<i32>} : memref<384x128xf32, #tpu.memory_space<vmem>>, vector<16xf32>,
        %get3A_1864 = arith.index_cast %add3A_1836 : i32 to index
        %get3A_1865 = arith.constant 16 : index
        %get3A_1866 = tpu.vector_load %arg10[%get3A_1864, %get3A_1865] {strides = array<i32>} : memref<384x128xf32, #tpu.memory_space<vmem>>, vector<16xf32>,
        %get3A_1867 = arith.index_cast %add3A_1836 : i32 to index
        %get3A_1868 = arith.constant 32 : index
        %get3A_1869 = tpu.vector_load %arg10[%get3A_1867, %get3A_1868] {strides = array<i32>} : memref<384x128xf32, #tpu.memory_space<vmem>>, vector<16xf32>,
        %get3A_1870 = arith.index_cast %add3A_1836 : i32 to index
        %get3A_1871 = arith.constant 48 : index
        %get3A_1872 = tpu.vector_load %arg10[%get3A_1870, %get3A_1871] {strides = array<i32>} : memref<384x128xf32, #tpu.memory_space<vmem>>, vector<16xf32>,
        %get3A_1873 = arith.index_cast %add3A_1836 : i32 to index
        %get3A_1874 = arith.constant 64 : index
        %get3A_1875 = tpu.vector_load %arg10[%get3A_1873, %get3A_1874] {strides = array<i32>} : memref<384x128xf32, #tpu.memory_space<vmem>>, vector<16xf32>,
        %get3A_1876 = arith.index_cast %add3A_1836 : i32 to index
        %get3A_1877 = arith.constant 80 : index
        %get3A_1878 = tpu.vector_load %arg10[%get3A_1876, %get3A_1877] {strides = array<i32>} : memref<384x128xf32, #tpu.memory_space<vmem>>, vector<16xf32>,
        %get3A_1879 = arith.index_cast %add3A_1836 : i32 to index
        %get3A_1880 = arith.constant 96 : index
        %get3A_1881 = tpu.vector_load %arg10[%get3A_1879, %get3A_1880] {strides = array<i32>} : memref<384x128xf32, #tpu.memory_space<vmem>>, vector<16xf32>,
        %get3A_1882 = arith.index_cast %add3A_1836 : i32 to index
        %get3A_1883 = arith.constant 112 : index
        %get3A_1884 = tpu.vector_load %arg10[%get3A_1882, %get3A_1883] {strides = array<i32>} : memref<384x128xf32, #tpu.memory_space<vmem>>, vector<16xf32>,
        %mul3A_1885 = arith.mulf %get3A_1767, %get3A_1791 : vector<16xf32>
        %mul3A_1886 = arith.mulf %get3A_1770, %get3A_1794 : vector<16xf32>
        %mul3A_1887 = arith.mulf %get3A_1773, %get3A_1797 : vector<16xf32>
        %add3A_1888 = arith.addf %mul3A_1885, %mul3A_1887 : vector<16xf32>
        %mul3A_1889 = arith.mulf %get3A_1776, %get3A_1800 : vector<16xf32>
        %add3A_1890 = arith.addf %mul3A_1886, %mul3A_1889 : vector<16xf32>
        %mul3A_1891 = arith.mulf %get3A_1779, %get3A_1803 : vector<16xf32>
        %add3A_1892 = arith.addf %add3A_1888, %mul3A_1891 : vector<16xf32>
        %mul3A_1893 = arith.mulf %get3A_1782, %get3A_1806 : vector<16xf32>
        %add3A_1894 = arith.addf %add3A_1890, %mul3A_1893 : vector<16xf32>
        %mul3A_1895 = arith.mulf %get3A_1785, %get3A_1809 : vector<16xf32>
        %add3A_1896 = arith.addf %add3A_1892, %mul3A_1895 : vector<16xf32>
        %mul3A_1897 = arith.mulf %get3A_1788, %get3A_1812 : vector<16xf32>
        %add3A_1898 = arith.addf %add3A_1894, %mul3A_1897 : vector<16xf32>
        %add3A_1899 = arith.addf %add3A_1896, %add3A_1898 : vector<16xf32>
        %add3A_1900 = arith.constant 3 : i32
        %add3A_1901 = arith.addi %mul3A_1568, %add3A_1900 : i32
        %swap3A_1902 = arith.index_cast %add3A_1901 : i32 to index
        %swap3A_1903 = arith.constant 0 : index
        %swap3A_1904 = tpu.vector_load %arg12[%swap3A_1902, %swap3A_1903] {strides = array<i32>} : memref<32x17xf32, #tpu.memory_space<vmem>>, vector<16xf32>,
        tpu.vector_store %arg12[%swap3A_1902, %swap3A_1903], %add3A_1899 {strides = array<i32>} : memref<32x17xf32, #tpu.memory_space<vmem>>, vector<16xf32>,
        %add3A_1905 = arith.constant 4 : i32
        %add3A_1906 = arith.addi %add3A_1550, %add3A_1905 : i32
        %add3A_1907 = arith.constant 1 : i32
        %add3A_1908 = arith.addi %add3A_1906, %add3A_1907 : i32
        %get3A_1909 = arith.index_cast %add3A_1908 : i32 to index
        %get3A_1910 = arith.constant 0 : index
        %get3A_1911 = tpu.vector_load %arg9[%get3A_1909, %get3A_1910] {strides = array<i32>} : memref<384x128xf32, #tpu.memory_space<vmem>>, vector<16xf32>,
        %get3A_1912 = arith.index_cast %add3A_1908 : i32 to index
        %get3A_1913 = arith.constant 16 : index
        %get3A_1914 = tpu.vector_load %arg9[%get3A_1912, %get3A_1913] {strides = array<i32>} : memref<384x128xf32, #tpu.memory_space<vmem>>, vector<16xf32>,
        %get3A_1915 = arith.index_cast %add3A_1908 : i32 to index
        %get3A_1916 = arith.constant 32 : index
        %get3A_1917 = tpu.vector_load %arg9[%get3A_1915, %get3A_1916] {strides = array<i32>} : memref<384x128xf32, #tpu.memory_space<vmem>>, vector<16xf32>,
        %get3A_1918 = arith.index_cast %add3A_1908 : i32 to index
        %get3A_1919 = arith.constant 48 : index
        %get3A_1920 = tpu.vector_load %arg9[%get3A_1918, %get3A_1919] {strides = array<i32>} : memref<384x128xf32, #tpu.memory_space<vmem>>, vector<16xf32>,
        %get3A_1921 = arith.index_cast %add3A_1908 : i32 to index
        %get3A_1922 = arith.constant 64 : index
        %get3A_1923 = tpu.vector_load %arg9[%get3A_1921, %get3A_1922] {strides = array<i32>} : memref<384x128xf32, #tpu.memory_space<vmem>>, vector<16xf32>,
        %get3A_1924 = arith.index_cast %add3A_1908 : i32 to index
        %get3A_1925 = arith.constant 80 : index
        %get3A_1926 = tpu.vector_load %arg9[%get3A_1924, %get3A_1925] {strides = array<i32>} : memref<384x128xf32, #tpu.memory_space<vmem>>, vector<16xf32>,
        %get3A_1927 = arith.index_cast %add3A_1908 : i32 to index
        %get3A_1928 = arith.constant 96 : index
        %get3A_1929 = tpu.vector_load %arg9[%get3A_1927, %get3A_1928] {strides = array<i32>} : memref<384x128xf32, #tpu.memory_space<vmem>>, vector<16xf32>,
        %get3A_1930 = arith.index_cast %add3A_1908 : i32 to index
        %get3A_1931 = arith.constant 112 : index
        %get3A_1932 = tpu.vector_load %arg9[%get3A_1930, %get3A_1931] {strides = array<i32>} : memref<384x128xf32, #tpu.memory_space<vmem>>, vector<16xf32>,
        %get3A_1933 = arith.index_cast %add3A_1908 : i32 to index
        %get3A_1934 = arith.constant 0 : index
        %get3A_1935 = tpu.vector_load %arg10[%get3A_1933, %get3A_1934] {strides = array<i32>} : memref<384x128xf32, #tpu.memory_space<vmem>>, vector<16xf32>,
        %get3A_1936 = arith.index_cast %add3A_1908 : i32 to index
        %get3A_1937 = arith.constant 16 : index
        %get3A_1938 = tpu.vector_load %arg10[%get3A_1936, %get3A_1937] {strides = array<i32>} : memref<384x128xf32, #tpu.memory_space<vmem>>, vector<16xf32>,
        %get3A_1939 = arith.index_cast %add3A_1908 : i32 to index
        %get3A_1940 = arith.constant 32 : index
        %get3A_1941 = tpu.vector_load %arg10[%get3A_1939, %get3A_1940] {strides = array<i32>} : memref<384x128xf32, #tpu.memory_space<vmem>>, vector<16xf32>,
        %get3A_1942 = arith.index_cast %add3A_1908 : i32 to index
        %get3A_1943 = arith.constant 48 : index
        %get3A_1944 = tpu.vector_load %arg10[%get3A_1942, %get3A_1943] {strides = array<i32>} : memref<384x128xf32, #tpu.memory_space<vmem>>, vector<16xf32>,
        %get3A_1945 = arith.index_cast %add3A_1908 : i32 to index
        %get3A_1946 = arith.constant 64 : index
        %get3A_1947 = tpu.vector_load %arg10[%get3A_1945, %get3A_1946] {strides = array<i32>} : memref<384x128xf32, #tpu.memory_space<vmem>>, vector<16xf32>,
        %get3A_1948 = arith.index_cast %add3A_1908 : i32 to index
        %get3A_1949 = arith.constant 80 : index
        %get3A_1950 = tpu.vector_load %arg10[%get3A_1948, %get3A_1949] {strides = array<i32>} : memref<384x128xf32, #tpu.memory_space<vmem>>, vector<16xf32>,
        %get3A_1951 = arith.index_cast %add3A_1908 : i32 to index
        %get3A_1952 = arith.constant 96 : index
        %get3A_1953 = tpu.vector_load %arg10[%get3A_1951, %get3A_1952] {strides = array<i32>} : memref<384x128xf32, #tpu.memory_space<vmem>>, vector<16xf32>,
        %get3A_1954 = arith.index_cast %add3A_1908 : i32 to index
        %get3A_1955 = arith.constant 112 : index
        %get3A_1956 = tpu.vector_load %arg10[%get3A_1954, %get3A_1955] {strides = array<i32>} : memref<384x128xf32, #tpu.memory_space<vmem>>, vector<16xf32>,
        %mul3A_1957 = arith.mulf %get3A_1839, %get3A_1863 : vector<16xf32>
        %mul3A_1958 = arith.mulf %get3A_1842, %get3A_1866 : vector<16xf32>
        %mul3A_1959 = arith.mulf %get3A_1845, %get3A_1869 : vector<16xf32>
        %add3A_1960 = arith.addf %mul3A_1957, %mul3A_1959 : vector<16xf32>
        %mul3A_1961 = arith.mulf %get3A_1848, %get3A_1872 : vector<16xf32>
        %add3A_1962 = arith.addf %mul3A_1958, %mul3A_1961 : vector<16xf32>
        %mul3A_1963 = arith.mulf %get3A_1851, %get3A_1875 : vector<16xf32>
        %add3A_1964 = arith.addf %add3A_1960, %mul3A_1963 : vector<16xf32>
        %mul3A_1965 = arith.mulf %get3A_1854, %get3A_1878 : vector<16xf32>
        %add3A_1966 = arith.addf %add3A_1962, %mul3A_1965 : vector<16xf32>
        %mul3A_1967 = arith.mulf %get3A_1857, %get3A_1881 : vector<16xf32>
        %add3A_1968 = arith.addf %add3A_1964, %mul3A_1967 : vector<16xf32>
        %mul3A_1969 = arith.mulf %get3A_1860, %get3A_1884 : vector<16xf32>
        %add3A_1970 = arith.addf %add3A_1966, %mul3A_1969 : vector<16xf32>
        %add3A_1971 = arith.addf %add3A_1968, %add3A_1970 : vector<16xf32>
        %add3A_1972 = arith.constant 4 : i32
        %add3A_1973 = arith.addi %mul3A_1568, %add3A_1972 : i32
        %swap3A_1974 = arith.index_cast %add3A_1973 : i32 to index
        %swap3A_1975 = arith.constant 0 : index
        %swap3A_1976 = tpu.vector_load %arg12[%swap3A_1974, %swap3A_1975] {strides = array<i32>} : memref<32x17xf32, #tpu.memory_space<vmem>>, vector<16xf32>,
        tpu.vector_store %arg12[%swap3A_1974, %swap3A_1975], %add3A_1971 {strides = array<i32>} : memref<32x17xf32, #tpu.memory_space<vmem>>, vector<16xf32>,
        %add3A_1977 = arith.constant 5 : i32
        %add3A_1978 = arith.addi %add3A_1550, %add3A_1977 : i32
        %add3A_1979 = arith.constant 1 : i32
        %add3A_1980 = arith.addi %add3A_1978, %add3A_1979 : i32
        %get3A_1981 = arith.index_cast %add3A_1980 : i32 to index
        %get3A_1982 = arith.constant 0 : index
        %get3A_1983 = tpu.vector_load %arg9[%get3A_1981, %get3A_1982] {strides = array<i32>} : memref<384x128xf32, #tpu.memory_space<vmem>>, vector<16xf32>,
        %get3A_1984 = arith.index_cast %add3A_1980 : i32 to index
        %get3A_1985 = arith.constant 16 : index
        %get3A_1986 = tpu.vector_load %arg9[%get3A_1984, %get3A_1985] {strides = array<i32>} : memref<384x128xf32, #tpu.memory_space<vmem>>, vector<16xf32>,
        %get3A_1987 = arith.index_cast %add3A_1980 : i32 to index
        %get3A_1988 = arith.constant 32 : index
        %get3A_1989 = tpu.vector_load %arg9[%get3A_1987, %get3A_1988] {strides = array<i32>} : memref<384x128xf32, #tpu.memory_space<vmem>>, vector<16xf32>,
        %get3A_1990 = arith.index_cast %add3A_1980 : i32 to index
        %get3A_1991 = arith.constant 48 : index
        %get3A_1992 = tpu.vector_load %arg9[%get3A_1990, %get3A_1991] {strides = array<i32>} : memref<384x128xf32, #tpu.memory_space<vmem>>, vector<16xf32>,
        %get3A_1993 = arith.index_cast %add3A_1980 : i32 to index
        %get3A_1994 = arith.constant 64 : index
        %get3A_1995 = tpu.vector_load %arg9[%get3A_1993, %get3A_1994] {strides = array<i32>} : memref<384x128xf32, #tpu.memory_space<vmem>>, vector<16xf32>,
        %get3A_1996 = arith.index_cast %add3A_1980 : i32 to index
        %get3A_1997 = arith.constant 80 : index
        %get3A_1998 = tpu.vector_load %arg9[%get3A_1996, %get3A_1997] {strides = array<i32>} : memref<384x128xf32, #tpu.memory_space<vmem>>, vector<16xf32>,
        %get3A_1999 = arith.index_cast %add3A_1980 : i32 to index
        %get3A_2000 = arith.constant 96 : index
        %get3A_2001 = tpu.vector_load %arg9[%get3A_1999, %get3A_2000] {strides = array<i32>} : memref<384x128xf32, #tpu.memory_space<vmem>>, vector<16xf32>,
        %get3A_2002 = arith.index_cast %add3A_1980 : i32 to index
        %get3A_2003 = arith.constant 112 : index
        %get3A_2004 = tpu.vector_load %arg9[%get3A_2002, %get3A_2003] {strides = array<i32>} : memref<384x128xf32, #tpu.memory_space<vmem>>, vector<16xf32>,
        %get3A_2005 = arith.index_cast %add3A_1980 : i32 to index
        %get3A_2006 = arith.constant 0 : index
        %get3A_2007 = tpu.vector_load %arg10[%get3A_2005, %get3A_2006] {strides = array<i32>} : memref<384x128xf32, #tpu.memory_space<vmem>>, vector<16xf32>,
        %get3A_2008 = arith.index_cast %add3A_1980 : i32 to index
        %get3A_2009 = arith.constant 16 : index
        %get3A_2010 = tpu.vector_load %arg10[%get3A_2008, %get3A_2009] {strides = array<i32>} : memref<384x128xf32, #tpu.memory_space<vmem>>, vector<16xf32>,
        %get3A_2011 = arith.index_cast %add3A_1980 : i32 to index
        %get3A_2012 = arith.constant 32 : index
        %get3A_2013 = tpu.vector_load %arg10[%get3A_2011, %get3A_2012] {strides = array<i32>} : memref<384x128xf32, #tpu.memory_space<vmem>>, vector<16xf32>,
        %get3A_2014 = arith.index_cast %add3A_1980 : i32 to index
        %get3A_2015 = arith.constant 48 : index
        %get3A_2016 = tpu.vector_load %arg10[%get3A_2014, %get3A_2015] {strides = array<i32>} : memref<384x128xf32, #tpu.memory_space<vmem>>, vector<16xf32>,
        %get3A_2017 = arith.index_cast %add3A_1980 : i32 to index
        %get3A_2018 = arith.constant 64 : index
        %get3A_2019 = tpu.vector_load %arg10[%get3A_2017, %get3A_2018] {strides = array<i32>} : memref<384x128xf32, #tpu.memory_space<vmem>>, vector<16xf32>,
        %get3A_2020 = arith.index_cast %add3A_1980 : i32 to index
        %get3A_2021 = arith.constant 80 : index
        %get3A_2022 = tpu.vector_load %arg10[%get3A_2020, %get3A_2021] {strides = array<i32>} : memref<384x128xf32, #tpu.memory_space<vmem>>, vector<16xf32>,
        %get3A_2023 = arith.index_cast %add3A_1980 : i32 to index
        %get3A_2024 = arith.constant 96 : index
        %get3A_2025 = tpu.vector_load %arg10[%get3A_2023, %get3A_2024] {strides = array<i32>} : memref<384x128xf32, #tpu.memory_space<vmem>>, vector<16xf32>,
        %get3A_2026 = arith.index_cast %add3A_1980 : i32 to index
        %get3A_2027 = arith.constant 112 : index
        %get3A_2028 = tpu.vector_load %arg10[%get3A_2026, %get3A_2027] {strides = array<i32>} : memref<384x128xf32, #tpu.memory_space<vmem>>, vector<16xf32>,
        %mul3A_2029 = arith.mulf %get3A_1911, %get3A_1935 : vector<16xf32>
        %mul3A_2030 = arith.mulf %get3A_1914, %get3A_1938 : vector<16xf32>
        %mul3A_2031 = arith.mulf %get3A_1917, %get3A_1941 : vector<16xf32>
        %add3A_2032 = arith.addf %mul3A_2029, %mul3A_2031 : vector<16xf32>
        %mul3A_2033 = arith.mulf %get3A_1920, %get3A_1944 : vector<16xf32>
        %add3A_2034 = arith.addf %mul3A_2030, %mul3A_2033 : vector<16xf32>
        %mul3A_2035 = arith.mulf %get3A_1923, %get3A_1947 : vector<16xf32>
        %add3A_2036 = arith.addf %add3A_2032, %mul3A_2035 : vector<16xf32>
        %mul3A_2037 = arith.mulf %get3A_1926, %get3A_1950 : vector<16xf32>
        %add3A_2038 = arith.addf %add3A_2034, %mul3A_2037 : vector<16xf32>
        %mul3A_2039 = arith.mulf %get3A_1929, %get3A_1953 : vector<16xf32>
        %add3A_2040 = arith.addf %add3A_2036, %mul3A_2039 : vector<16xf32>
        %mul3A_2041 = arith.mulf %get3A_1932, %get3A_1956 : vector<16xf32>
        %add3A_2042 = arith.addf %add3A_2038, %mul3A_2041 : vector<16xf32>
        %add3A_2043 = arith.addf %add3A_2040, %add3A_2042 : vector<16xf32>
        %add3A_2044 = arith.constant 5 : i32
        %add3A_2045 = arith.addi %mul3A_1568, %add3A_2044 : i32
        %swap3A_2046 = arith.index_cast %add3A_2045 : i32 to index
        %swap3A_2047 = arith.constant 0 : index
        %swap3A_2048 = tpu.vector_load %arg12[%swap3A_2046, %swap3A_2047] {strides = array<i32>} : memref<32x17xf32, #tpu.memory_space<vmem>>, vector<16xf32>,
        tpu.vector_store %arg12[%swap3A_2046, %swap3A_2047], %add3A_2043 {strides = array<i32>} : memref<32x17xf32, #tpu.memory_space<vmem>>, vector<16xf32>,
        %add3A_2049 = arith.constant 6 : i32
        %add3A_2050 = arith.addi %add3A_1550, %add3A_2049 : i32
        %add3A_2051 = arith.constant 1 : i32
        %add3A_2052 = arith.addi %add3A_2050, %add3A_2051 : i32
        %get3A_2053 = arith.index_cast %add3A_2052 : i32 to index
        %get3A_2054 = arith.constant 0 : index
        %get3A_2055 = tpu.vector_load %arg9[%get3A_2053, %get3A_2054] {strides = array<i32>} : memref<384x128xf32, #tpu.memory_space<vmem>>, vector<16xf32>,
        %get3A_2056 = arith.index_cast %add3A_2052 : i32 to index
        %get3A_2057 = arith.constant 16 : index
        %get3A_2058 = tpu.vector_load %arg9[%get3A_2056, %get3A_2057] {strides = array<i32>} : memref<384x128xf32, #tpu.memory_space<vmem>>, vector<16xf32>,
        %get3A_2059 = arith.index_cast %add3A_2052 : i32 to index
        %get3A_2060 = arith.constant 32 : index
        %get3A_2061 = tpu.vector_load %arg9[%get3A_2059, %get3A_2060] {strides = array<i32>} : memref<384x128xf32, #tpu.memory_space<vmem>>, vector<16xf32>,
        %get3A_2062 = arith.index_cast %add3A_2052 : i32 to index
        %get3A_2063 = arith.constant 48 : index
        %get3A_2064 = tpu.vector_load %arg9[%get3A_2062, %get3A_2063] {strides = array<i32>} : memref<384x128xf32, #tpu.memory_space<vmem>>, vector<16xf32>,
        %get3A_2065 = arith.index_cast %add3A_2052 : i32 to index
        %get3A_2066 = arith.constant 64 : index
        %get3A_2067 = tpu.vector_load %arg9[%get3A_2065, %get3A_2066] {strides = array<i32>} : memref<384x128xf32, #tpu.memory_space<vmem>>, vector<16xf32>,
        %get3A_2068 = arith.index_cast %add3A_2052 : i32 to index
        %get3A_2069 = arith.constant 80 : index
        %get3A_2070 = tpu.vector_load %arg9[%get3A_2068, %get3A_2069] {strides = array<i32>} : memref<384x128xf32, #tpu.memory_space<vmem>>, vector<16xf32>,
        %get3A_2071 = arith.index_cast %add3A_2052 : i32 to index
        %get3A_2072 = arith.constant 96 : index
        %get3A_2073 = tpu.vector_load %arg9[%get3A_2071, %get3A_2072] {strides = array<i32>} : memref<384x128xf32, #tpu.memory_space<vmem>>, vector<16xf32>,
        %get3A_2074 = arith.index_cast %add3A_2052 : i32 to index
        %get3A_2075 = arith.constant 112 : index
        %get3A_2076 = tpu.vector_load %arg9[%get3A_2074, %get3A_2075] {strides = array<i32>} : memref<384x128xf32, #tpu.memory_space<vmem>>, vector<16xf32>,
        %get3A_2077 = arith.index_cast %add3A_2052 : i32 to index
        %get3A_2078 = arith.constant 0 : index
        %get3A_2079 = tpu.vector_load %arg10[%get3A_2077, %get3A_2078] {strides = array<i32>} : memref<384x128xf32, #tpu.memory_space<vmem>>, vector<16xf32>,
        %get3A_2080 = arith.index_cast %add3A_2052 : i32 to index
        %get3A_2081 = arith.constant 16 : index
        %get3A_2082 = tpu.vector_load %arg10[%get3A_2080, %get3A_2081] {strides = array<i32>} : memref<384x128xf32, #tpu.memory_space<vmem>>, vector<16xf32>,
        %get3A_2083 = arith.index_cast %add3A_2052 : i32 to index
        %get3A_2084 = arith.constant 32 : index
        %get3A_2085 = tpu.vector_load %arg10[%get3A_2083, %get3A_2084] {strides = array<i32>} : memref<384x128xf32, #tpu.memory_space<vmem>>, vector<16xf32>,
        %get3A_2086 = arith.index_cast %add3A_2052 : i32 to index
        %get3A_2087 = arith.constant 48 : index
        %get3A_2088 = tpu.vector_load %arg10[%get3A_2086, %get3A_2087] {strides = array<i32>} : memref<384x128xf32, #tpu.memory_space<vmem>>, vector<16xf32>,
        %get3A_2089 = arith.index_cast %add3A_2052 : i32 to index
        %get3A_2090 = arith.constant 64 : index
        %get3A_2091 = tpu.vector_load %arg10[%get3A_2089, %get3A_2090] {strides = array<i32>} : memref<384x128xf32, #tpu.memory_space<vmem>>, vector<16xf32>,
        %get3A_2092 = arith.index_cast %add3A_2052 : i32 to index
        %get3A_2093 = arith.constant 80 : index
        %get3A_2094 = tpu.vector_load %arg10[%get3A_2092, %get3A_2093] {strides = array<i32>} : memref<384x128xf32, #tpu.memory_space<vmem>>, vector<16xf32>,
        %get3A_2095 = arith.index_cast %add3A_2052 : i32 to index
        %get3A_2096 = arith.constant 96 : index
        %get3A_2097 = tpu.vector_load %arg10[%get3A_2095, %get3A_2096] {strides = array<i32>} : memref<384x128xf32, #tpu.memory_space<vmem>>, vector<16xf32>,
        %get3A_2098 = arith.index_cast %add3A_2052 : i32 to index
        %get3A_2099 = arith.constant 112 : index
        %get3A_2100 = tpu.vector_load %arg10[%get3A_2098, %get3A_2099] {strides = array<i32>} : memref<384x128xf32, #tpu.memory_space<vmem>>, vector<16xf32>,
        %mul3A_2101 = arith.mulf %get3A_1983, %get3A_2007 : vector<16xf32>
        %mul3A_2102 = arith.mulf %get3A_1986, %get3A_2010 : vector<16xf32>
        %mul3A_2103 = arith.mulf %get3A_1989, %get3A_2013 : vector<16xf32>
        %add3A_2104 = arith.addf %mul3A_2101, %mul3A_2103 : vector<16xf32>
        %mul3A_2105 = arith.mulf %get3A_1992, %get3A_2016 : vector<16xf32>
        %add3A_2106 = arith.addf %mul3A_2102, %mul3A_2105 : vector<16xf32>
        %mul3A_2107 = arith.mulf %get3A_1995, %get3A_2019 : vector<16xf32>
        %add3A_2108 = arith.addf %add3A_2104, %mul3A_2107 : vector<16xf32>
        %mul3A_2109 = arith.mulf %get3A_1998, %get3A_2022 : vector<16xf32>
        %add3A_2110 = arith.addf %add3A_2106, %mul3A_2109 : vector<16xf32>
        %mul3A_2111 = arith.mulf %get3A_2001, %get3A_2025 : vector<16xf32>
        %add3A_2112 = arith.addf %add3A_2108, %mul3A_2111 : vector<16xf32>
        %mul3A_2113 = arith.mulf %get3A_2004, %get3A_2028 : vector<16xf32>
        %add3A_2114 = arith.addf %add3A_2110, %mul3A_2113 : vector<16xf32>
        %add3A_2115 = arith.addf %add3A_2112, %add3A_2114 : vector<16xf32>
        %add3A_2116 = arith.constant 6 : i32
        %add3A_2117 = arith.addi %mul3A_1568, %add3A_2116 : i32
        %swap3A_2118 = arith.index_cast %add3A_2117 : i32 to index
        %swap3A_2119 = arith.constant 0 : index
        %swap3A_2120 = tpu.vector_load %arg12[%swap3A_2118, %swap3A_2119] {strides = array<i32>} : memref<32x17xf32, #tpu.memory_space<vmem>>, vector<16xf32>,
        tpu.vector_store %arg12[%swap3A_2118, %swap3A_2119], %add3A_2115 {strides = array<i32>} : memref<32x17xf32, #tpu.memory_space<vmem>>, vector<16xf32>,
        %add3A_2121 = arith.constant 7 : i32
        %add3A_2122 = arith.addi %add3A_1550, %add3A_2121 : i32
        %add3A_2123 = arith.constant 1 : i32
        %add3A_2124 = arith.addi %add3A_2122, %add3A_2123 : i32
        %get3A_2125 = arith.index_cast %add3A_2124 : i32 to index
        %get3A_2126 = arith.constant 0 : index
        %get3A_2127 = tpu.vector_load %arg9[%get3A_2125, %get3A_2126] {strides = array<i32>} : memref<384x128xf32, #tpu.memory_space<vmem>>, vector<16xf32>,
        %get3A_2128 = arith.index_cast %add3A_2124 : i32 to index
        %get3A_2129 = arith.constant 16 : index
        %get3A_2130 = tpu.vector_load %arg9[%get3A_2128, %get3A_2129] {strides = array<i32>} : memref<384x128xf32, #tpu.memory_space<vmem>>, vector<16xf32>,
        %get3A_2131 = arith.index_cast %add3A_2124 : i32 to index
        %get3A_2132 = arith.constant 32 : index
        %get3A_2133 = tpu.vector_load %arg9[%get3A_2131, %get3A_2132] {strides = array<i32>} : memref<384x128xf32, #tpu.memory_space<vmem>>, vector<16xf32>,
        %get3A_2134 = arith.index_cast %add3A_2124 : i32 to index
        %get3A_2135 = arith.constant 48 : index
        %get3A_2136 = tpu.vector_load %arg9[%get3A_2134, %get3A_2135] {strides = array<i32>} : memref<384x128xf32, #tpu.memory_space<vmem>>, vector<16xf32>,
        %get3A_2137 = arith.index_cast %add3A_2124 : i32 to index
        %get3A_2138 = arith.constant 64 : index
        %get3A_2139 = tpu.vector_load %arg9[%get3A_2137, %get3A_2138] {strides = array<i32>} : memref<384x128xf32, #tpu.memory_space<vmem>>, vector<16xf32>,
        %get3A_2140 = arith.index_cast %add3A_2124 : i32 to index
        %get3A_2141 = arith.constant 80 : index
        %get3A_2142 = tpu.vector_load %arg9[%get3A_2140, %get3A_2141] {strides = array<i32>} : memref<384x128xf32, #tpu.memory_space<vmem>>, vector<16xf32>,
        %get3A_2143 = arith.index_cast %add3A_2124 : i32 to index
        %get3A_2144 = arith.constant 96 : index
        %get3A_2145 = tpu.vector_load %arg9[%get3A_2143, %get3A_2144] {strides = array<i32>} : memref<384x128xf32, #tpu.memory_space<vmem>>, vector<16xf32>,
        %get3A_2146 = arith.index_cast %add3A_2124 : i32 to index
        %get3A_2147 = arith.constant 112 : index
        %get3A_2148 = tpu.vector_load %arg9[%get3A_2146, %get3A_2147] {strides = array<i32>} : memref<384x128xf32, #tpu.memory_space<vmem>>, vector<16xf32>,
        %get3A_2149 = arith.index_cast %add3A_2124 : i32 to index
        %get3A_2150 = arith.constant 0 : index
        %get3A_2151 = tpu.vector_load %arg10[%get3A_2149, %get3A_2150] {strides = array<i32>} : memref<384x128xf32, #tpu.memory_space<vmem>>, vector<16xf32>,
        %get3A_2152 = arith.index_cast %add3A_2124 : i32 to index
        %get3A_2153 = arith.constant 16 : index
        %get3A_2154 = tpu.vector_load %arg10[%get3A_2152, %get3A_2153] {strides = array<i32>} : memref<384x128xf32, #tpu.memory_space<vmem>>, vector<16xf32>,
        %get3A_2155 = arith.index_cast %add3A_2124 : i32 to index
        %get3A_2156 = arith.constant 32 : index
        %get3A_2157 = tpu.vector_load %arg10[%get3A_2155, %get3A_2156] {strides = array<i32>} : memref<384x128xf32, #tpu.memory_space<vmem>>, vector<16xf32>,
        %get3A_2158 = arith.index_cast %add3A_2124 : i32 to index
        %get3A_2159 = arith.constant 48 : index
        %get3A_2160 = tpu.vector_load %arg10[%get3A_2158, %get3A_2159] {strides = array<i32>} : memref<384x128xf32, #tpu.memory_space<vmem>>, vector<16xf32>,
        %get3A_2161 = arith.index_cast %add3A_2124 : i32 to index
        %get3A_2162 = arith.constant 64 : index
        %get3A_2163 = tpu.vector_load %arg10[%get3A_2161, %get3A_2162] {strides = array<i32>} : memref<384x128xf32, #tpu.memory_space<vmem>>, vector<16xf32>,
        %get3A_2164 = arith.index_cast %add3A_2124 : i32 to index
        %get3A_2165 = arith.constant 80 : index
        %get3A_2166 = tpu.vector_load %arg10[%get3A_2164, %get3A_2165] {strides = array<i32>} : memref<384x128xf32, #tpu.memory_space<vmem>>, vector<16xf32>,
        %get3A_2167 = arith.index_cast %add3A_2124 : i32 to index
        %get3A_2168 = arith.constant 96 : index
        %get3A_2169 = tpu.vector_load %arg10[%get3A_2167, %get3A_2168] {strides = array<i32>} : memref<384x128xf32, #tpu.memory_space<vmem>>, vector<16xf32>,
        %get3A_2170 = arith.index_cast %add3A_2124 : i32 to index
        %get3A_2171 = arith.constant 112 : index
        %get3A_2172 = tpu.vector_load %arg10[%get3A_2170, %get3A_2171] {strides = array<i32>} : memref<384x128xf32, #tpu.memory_space<vmem>>, vector<16xf32>,
        %mul3A_2173 = arith.mulf %get3A_2055, %get3A_2079 : vector<16xf32>
        %mul3A_2174 = arith.mulf %get3A_2058, %get3A_2082 : vector<16xf32>
        %mul3A_2175 = arith.mulf %get3A_2061, %get3A_2085 : vector<16xf32>
        %add3A_2176 = arith.addf %mul3A_2173, %mul3A_2175 : vector<16xf32>
        %mul3A_2177 = arith.mulf %get3A_2064, %get3A_2088 : vector<16xf32>
        %add3A_2178 = arith.addf %mul3A_2174, %mul3A_2177 : vector<16xf32>
        %mul3A_2179 = arith.mulf %get3A_2067, %get3A_2091 : vector<16xf32>
        %add3A_2180 = arith.addf %add3A_2176, %mul3A_2179 : vector<16xf32>
        %mul3A_2181 = arith.mulf %get3A_2070, %get3A_2094 : vector<16xf32>
        %add3A_2182 = arith.addf %add3A_2178, %mul3A_2181 : vector<16xf32>
        %mul3A_2183 = arith.mulf %get3A_2073, %get3A_2097 : vector<16xf32>
        %add3A_2184 = arith.addf %add3A_2180, %mul3A_2183 : vector<16xf32>
        %mul3A_2185 = arith.mulf %get3A_2076, %get3A_2100 : vector<16xf32>
        %add3A_2186 = arith.addf %add3A_2182, %mul3A_2185 : vector<16xf32>
        %add3A_2187 = arith.addf %add3A_2184, %add3A_2186 : vector<16xf32>
        %add3A_2188 = arith.constant 7 : i32
        %add3A_2189 = arith.addi %mul3A_1568, %add3A_2188 : i32
        %swap3A_2190 = arith.index_cast %add3A_2189 : i32 to index
        %swap3A_2191 = arith.constant 0 : index
        %swap3A_2192 = tpu.vector_load %arg12[%swap3A_2190, %swap3A_2191] {strides = array<i32>} : memref<32x17xf32, #tpu.memory_space<vmem>>, vector<16xf32>,
        tpu.vector_store %arg12[%swap3A_2190, %swap3A_2191], %add3A_2187 {strides = array<i32>} : memref<32x17xf32, #tpu.memory_space<vmem>>, vector<16xf32>,
        %add3A_2193 = arith.constant 8 : i32
        %add3A_2194 = arith.addi %add3A_1550, %add3A_2193 : i32
        %add3A_2195 = arith.constant 1 : i32
        %add3A_2196 = arith.addi %add3A_2194, %add3A_2195 : i32
        %get3A_2197 = arith.index_cast %add3A_2196 : i32 to index
        %get3A_2198 = arith.constant 0 : index
        %get3A_2199 = tpu.vector_load %arg9[%get3A_2197, %get3A_2198] {strides = array<i32>} : memref<384x128xf32, #tpu.memory_space<vmem>>, vector<16xf32>,
        %get3A_2200 = arith.index_cast %add3A_2196 : i32 to index
        %get3A_2201 = arith.constant 16 : index
        %get3A_2202 = tpu.vector_load %arg9[%get3A_2200, %get3A_2201] {strides = array<i32>} : memref<384x128xf32, #tpu.memory_space<vmem>>, vector<16xf32>,
        %get3A_2203 = arith.index_cast %add3A_2196 : i32 to index
        %get3A_2204 = arith.constant 32 : index
        %get3A_2205 = tpu.vector_load %arg9[%get3A_2203, %get3A_2204] {strides = array<i32>} : memref<384x128xf32, #tpu.memory_space<vmem>>, vector<16xf32>,
        %get3A_2206 = arith.index_cast %add3A_2196 : i32 to index
        %get3A_2207 = arith.constant 48 : index
        %get3A_2208 = tpu.vector_load %arg9[%get3A_2206, %get3A_2207] {strides = array<i32>} : memref<384x128xf32, #tpu.memory_space<vmem>>, vector<16xf32>,
        %get3A_2209 = arith.index_cast %add3A_2196 : i32 to index
        %get3A_2210 = arith.constant 64 : index
        %get3A_2211 = tpu.vector_load %arg9[%get3A_2209, %get3A_2210] {strides = array<i32>} : memref<384x128xf32, #tpu.memory_space<vmem>>, vector<16xf32>,
        %get3A_2212 = arith.index_cast %add3A_2196 : i32 to index
        %get3A_2213 = arith.constant 80 : index
        %get3A_2214 = tpu.vector_load %arg9[%get3A_2212, %get3A_2213] {strides = array<i32>} : memref<384x128xf32, #tpu.memory_space<vmem>>, vector<16xf32>,
        %get3A_2215 = arith.index_cast %add3A_2196 : i32 to index
        %get3A_2216 = arith.constant 96 : index
        %get3A_2217 = tpu.vector_load %arg9[%get3A_2215, %get3A_2216] {strides = array<i32>} : memref<384x128xf32, #tpu.memory_space<vmem>>, vector<16xf32>,
        %get3A_2218 = arith.index_cast %add3A_2196 : i32 to index
        %get3A_2219 = arith.constant 112 : index
        %get3A_2220 = tpu.vector_load %arg9[%get3A_2218, %get3A_2219] {strides = array<i32>} : memref<384x128xf32, #tpu.memory_space<vmem>>, vector<16xf32>,
        %get3A_2221 = arith.index_cast %add3A_2196 : i32 to index
        %get3A_2222 = arith.constant 0 : index
        %get3A_2223 = tpu.vector_load %arg10[%get3A_2221, %get3A_2222] {strides = array<i32>} : memref<384x128xf32, #tpu.memory_space<vmem>>, vector<16xf32>,
        %get3A_2224 = arith.index_cast %add3A_2196 : i32 to index
        %get3A_2225 = arith.constant 16 : index
        %get3A_2226 = tpu.vector_load %arg10[%get3A_2224, %get3A_2225] {strides = array<i32>} : memref<384x128xf32, #tpu.memory_space<vmem>>, vector<16xf32>,
        %get3A_2227 = arith.index_cast %add3A_2196 : i32 to index
        %get3A_2228 = arith.constant 32 : index
        %get3A_2229 = tpu.vector_load %arg10[%get3A_2227, %get3A_2228] {strides = array<i32>} : memref<384x128xf32, #tpu.memory_space<vmem>>, vector<16xf32>,
        %get3A_2230 = arith.index_cast %add3A_2196 : i32 to index
        %get3A_2231 = arith.constant 48 : index
        %get3A_2232 = tpu.vector_load %arg10[%get3A_2230, %get3A_2231] {strides = array<i32>} : memref<384x128xf32, #tpu.memory_space<vmem>>, vector<16xf32>,
        %get3A_2233 = arith.index_cast %add3A_2196 : i32 to index
        %get3A_2234 = arith.constant 64 : index
        %get3A_2235 = tpu.vector_load %arg10[%get3A_2233, %get3A_2234] {strides = array<i32>} : memref<384x128xf32, #tpu.memory_space<vmem>>, vector<16xf32>,
        %get3A_2236 = arith.index_cast %add3A_2196 : i32 to index
        %get3A_2237 = arith.constant 80 : index
        %get3A_2238 = tpu.vector_load %arg10[%get3A_2236, %get3A_2237] {strides = array<i32>} : memref<384x128xf32, #tpu.memory_space<vmem>>, vector<16xf32>,
        %get3A_2239 = arith.index_cast %add3A_2196 : i32 to index
        %get3A_2240 = arith.constant 96 : index
        %get3A_2241 = tpu.vector_load %arg10[%get3A_2239, %get3A_2240] {strides = array<i32>} : memref<384x128xf32, #tpu.memory_space<vmem>>, vector<16xf32>,
        %get3A_2242 = arith.index_cast %add3A_2196 : i32 to index
        %get3A_2243 = arith.constant 112 : index
        %get3A_2244 = tpu.vector_load %arg10[%get3A_2242, %get3A_2243] {strides = array<i32>} : memref<384x128xf32, #tpu.memory_space<vmem>>, vector<16xf32>,
        %mul3A_2245 = arith.mulf %get3A_2127, %get3A_2151 : vector<16xf32>
        %mul3A_2246 = arith.mulf %get3A_2130, %get3A_2154 : vector<16xf32>
        %mul3A_2247 = arith.mulf %get3A_2133, %get3A_2157 : vector<16xf32>
        %add3A_2248 = arith.addf %mul3A_2245, %mul3A_2247 : vector<16xf32>
        %mul3A_2249 = arith.mulf %get3A_2136, %get3A_2160 : vector<16xf32>
        %add3A_2250 = arith.addf %mul3A_2246, %mul3A_2249 : vector<16xf32>
        %mul3A_2251 = arith.mulf %get3A_2139, %get3A_2163 : vector<16xf32>
        %add3A_2252 = arith.addf %add3A_2248, %mul3A_2251 : vector<16xf32>
        %mul3A_2253 = arith.mulf %get3A_2142, %get3A_2166 : vector<16xf32>
        %add3A_2254 = arith.addf %add3A_2250, %mul3A_2253 : vector<16xf32>
        %mul3A_2255 = arith.mulf %get3A_2145, %get3A_2169 : vector<16xf32>
        %add3A_2256 = arith.addf %add3A_2252, %mul3A_2255 : vector<16xf32>
        %mul3A_2257 = arith.mulf %get3A_2148, %get3A_2172 : vector<16xf32>
        %add3A_2258 = arith.addf %add3A_2254, %mul3A_2257 : vector<16xf32>
        %add3A_2259 = arith.addf %add3A_2256, %add3A_2258 : vector<16xf32>
        %add3A_2260 = arith.constant 8 : i32
        %add3A_2261 = arith.addi %mul3A_1568, %add3A_2260 : i32
        %swap3A_2262 = arith.index_cast %add3A_2261 : i32 to index
        %swap3A_2263 = arith.constant 0 : index
        %swap3A_2264 = tpu.vector_load %arg12[%swap3A_2262, %swap3A_2263] {strides = array<i32>} : memref<32x17xf32, #tpu.memory_space<vmem>>, vector<16xf32>,
        tpu.vector_store %arg12[%swap3A_2262, %swap3A_2263], %add3A_2259 {strides = array<i32>} : memref<32x17xf32, #tpu.memory_space<vmem>>, vector<16xf32>,
        %add3A_2265 = arith.constant 9 : i32
        %add3A_2266 = arith.addi %add3A_1550, %add3A_2265 : i32
        %add3A_2267 = arith.constant 1 : i32
        %add3A_2268 = arith.addi %add3A_2266, %add3A_2267 : i32
        %get3A_2269 = arith.index_cast %add3A_2268 : i32 to index
        %get3A_2270 = arith.constant 0 : index
        %get3A_2271 = tpu.vector_load %arg9[%get3A_2269, %get3A_2270] {strides = array<i32>} : memref<384x128xf32, #tpu.memory_space<vmem>>, vector<16xf32>,
        %get3A_2272 = arith.index_cast %add3A_2268 : i32 to index
        %get3A_2273 = arith.constant 16 : index
        %get3A_2274 = tpu.vector_load %arg9[%get3A_2272, %get3A_2273] {strides = array<i32>} : memref<384x128xf32, #tpu.memory_space<vmem>>, vector<16xf32>,
        %get3A_2275 = arith.index_cast %add3A_2268 : i32 to index
        %get3A_2276 = arith.constant 32 : index
        %get3A_2277 = tpu.vector_load %arg9[%get3A_2275, %get3A_2276] {strides = array<i32>} : memref<384x128xf32, #tpu.memory_space<vmem>>, vector<16xf32>,
        %get3A_2278 = arith.index_cast %add3A_2268 : i32 to index
        %get3A_2279 = arith.constant 48 : index
        %get3A_2280 = tpu.vector_load %arg9[%get3A_2278, %get3A_2279] {strides = array<i32>} : memref<384x128xf32, #tpu.memory_space<vmem>>, vector<16xf32>,
        %get3A_2281 = arith.index_cast %add3A_2268 : i32 to index
        %get3A_2282 = arith.constant 64 : index
        %get3A_2283 = tpu.vector_load %arg9[%get3A_2281, %get3A_2282] {strides = array<i32>} : memref<384x128xf32, #tpu.memory_space<vmem>>, vector<16xf32>,
        %get3A_2284 = arith.index_cast %add3A_2268 : i32 to index
        %get3A_2285 = arith.constant 80 : index
        %get3A_2286 = tpu.vector_load %arg9[%get3A_2284, %get3A_2285] {strides = array<i32>} : memref<384x128xf32, #tpu.memory_space<vmem>>, vector<16xf32>,
        %get3A_2287 = arith.index_cast %add3A_2268 : i32 to index
        %get3A_2288 = arith.constant 96 : index
        %get3A_2289 = tpu.vector_load %arg9[%get3A_2287, %get3A_2288] {strides = array<i32>} : memref<384x128xf32, #tpu.memory_space<vmem>>, vector<16xf32>,
        %get3A_2290 = arith.index_cast %add3A_2268 : i32 to index
        %get3A_2291 = arith.constant 112 : index
        %get3A_2292 = tpu.vector_load %arg9[%get3A_2290, %get3A_2291] {strides = array<i32>} : memref<384x128xf32, #tpu.memory_space<vmem>>, vector<16xf32>,
        %get3A_2293 = arith.index_cast %add3A_2268 : i32 to index
        %get3A_2294 = arith.constant 0 : index
        %get3A_2295 = tpu.vector_load %arg10[%get3A_2293, %get3A_2294] {strides = array<i32>} : memref<384x128xf32, #tpu.memory_space<vmem>>, vector<16xf32>,
        %get3A_2296 = arith.index_cast %add3A_2268 : i32 to index
        %get3A_2297 = arith.constant 16 : index
        %get3A_2298 = tpu.vector_load %arg10[%get3A_2296, %get3A_2297] {strides = array<i32>} : memref<384x128xf32, #tpu.memory_space<vmem>>, vector<16xf32>,
        %get3A_2299 = arith.index_cast %add3A_2268 : i32 to index
        %get3A_2300 = arith.constant 32 : index
        %get3A_2301 = tpu.vector_load %arg10[%get3A_2299, %get3A_2300] {strides = array<i32>} : memref<384x128xf32, #tpu.memory_space<vmem>>, vector<16xf32>,
        %get3A_2302 = arith.index_cast %add3A_2268 : i32 to index
        %get3A_2303 = arith.constant 48 : index
        %get3A_2304 = tpu.vector_load %arg10[%get3A_2302, %get3A_2303] {strides = array<i32>} : memref<384x128xf32, #tpu.memory_space<vmem>>, vector<16xf32>,
        %get3A_2305 = arith.index_cast %add3A_2268 : i32 to index
        %get3A_2306 = arith.constant 64 : index
        %get3A_2307 = tpu.vector_load %arg10[%get3A_2305, %get3A_2306] {strides = array<i32>} : memref<384x128xf32, #tpu.memory_space<vmem>>, vector<16xf32>,
        %get3A_2308 = arith.index_cast %add3A_2268 : i32 to index
        %get3A_2309 = arith.constant 80 : index
        %get3A_2310 = tpu.vector_load %arg10[%get3A_2308, %get3A_2309] {strides = array<i32>} : memref<384x128xf32, #tpu.memory_space<vmem>>, vector<16xf32>,
        %get3A_2311 = arith.index_cast %add3A_2268 : i32 to index
        %get3A_2312 = arith.constant 96 : index
        %get3A_2313 = tpu.vector_load %arg10[%get3A_2311, %get3A_2312] {strides = array<i32>} : memref<384x128xf32, #tpu.memory_space<vmem>>, vector<16xf32>,
        %get3A_2314 = arith.index_cast %add3A_2268 : i32 to index
        %get3A_2315 = arith.constant 112 : index
        %get3A_2316 = tpu.vector_load %arg10[%get3A_2314, %get3A_2315] {strides = array<i32>} : memref<384x128xf32, #tpu.memory_space<vmem>>, vector<16xf32>,
        %mul3A_2317 = arith.mulf %get3A_2199, %get3A_2223 : vector<16xf32>
        %mul3A_2318 = arith.mulf %get3A_2202, %get3A_2226 : vector<16xf32>
        %mul3A_2319 = arith.mulf %get3A_2205, %get3A_2229 : vector<16xf32>
        %add3A_2320 = arith.addf %mul3A_2317, %mul3A_2319 : vector<16xf32>
        %mul3A_2321 = arith.mulf %get3A_2208, %get3A_2232 : vector<16xf32>
        %add3A_2322 = arith.addf %mul3A_2318, %mul3A_2321 : vector<16xf32>
        %mul3A_2323 = arith.mulf %get3A_2211, %get3A_2235 : vector<16xf32>
        %add3A_2324 = arith.addf %add3A_2320, %mul3A_2323 : vector<16xf32>
        %mul3A_2325 = arith.mulf %get3A_2214, %get3A_2238 : vector<16xf32>
        %add3A_2326 = arith.addf %add3A_2322, %mul3A_2325 : vector<16xf32>
        %mul3A_2327 = arith.mulf %get3A_2217, %get3A_2241 : vector<16xf32>
        %add3A_2328 = arith.addf %add3A_2324, %mul3A_2327 : vector<16xf32>
        %mul3A_2329 = arith.mulf %get3A_2220, %get3A_2244 : vector<16xf32>
        %add3A_2330 = arith.addf %add3A_2326, %mul3A_2329 : vector<16xf32>
        %add3A_2331 = arith.addf %add3A_2328, %add3A_2330 : vector<16xf32>
        %add3A_2332 = arith.constant 9 : i32
        %add3A_2333 = arith.addi %mul3A_1568, %add3A_2332 : i32
        %swap3A_2334 = arith.index_cast %add3A_2333 : i32 to index
        %swap3A_2335 = arith.constant 0 : index
        %swap3A_2336 = tpu.vector_load %arg12[%swap3A_2334, %swap3A_2335] {strides = array<i32>} : memref<32x17xf32, #tpu.memory_space<vmem>>, vector<16xf32>,
        tpu.vector_store %arg12[%swap3A_2334, %swap3A_2335], %add3A_2331 {strides = array<i32>} : memref<32x17xf32, #tpu.memory_space<vmem>>, vector<16xf32>,
        %add3A_2337 = arith.constant 10 : i32
        %add3A_2338 = arith.addi %add3A_1550, %add3A_2337 : i32
        %add3A_2339 = arith.constant 1 : i32
        %add3A_2340 = arith.addi %add3A_2338, %add3A_2339 : i32
        %get3A_2341 = arith.index_cast %add3A_2340 : i32 to index
        %get3A_2342 = arith.constant 0 : index
        %get3A_2343 = tpu.vector_load %arg9[%get3A_2341, %get3A_2342] {strides = array<i32>} : memref<384x128xf32, #tpu.memory_space<vmem>>, vector<16xf32>,
        %get3A_2344 = arith.index_cast %add3A_2340 : i32 to index
        %get3A_2345 = arith.constant 16 : index
        %get3A_2346 = tpu.vector_load %arg9[%get3A_2344, %get3A_2345] {strides = array<i32>} : memref<384x128xf32, #tpu.memory_space<vmem>>, vector<16xf32>,
        %get3A_2347 = arith.index_cast %add3A_2340 : i32 to index
        %get3A_2348 = arith.constant 32 : index
        %get3A_2349 = tpu.vector_load %arg9[%get3A_2347, %get3A_2348] {strides = array<i32>} : memref<384x128xf32, #tpu.memory_space<vmem>>, vector<16xf32>,
        %get3A_2350 = arith.index_cast %add3A_2340 : i32 to index
        %get3A_2351 = arith.constant 48 : index
        %get3A_2352 = tpu.vector_load %arg9[%get3A_2350, %get3A_2351] {strides = array<i32>} : memref<384x128xf32, #tpu.memory_space<vmem>>, vector<16xf32>,
        %get3A_2353 = arith.index_cast %add3A_2340 : i32 to index
        %get3A_2354 = arith.constant 64 : index
        %get3A_2355 = tpu.vector_load %arg9[%get3A_2353, %get3A_2354] {strides = array<i32>} : memref<384x128xf32, #tpu.memory_space<vmem>>, vector<16xf32>,
        %get3A_2356 = arith.index_cast %add3A_2340 : i32 to index
        %get3A_2357 = arith.constant 80 : index
        %get3A_2358 = tpu.vector_load %arg9[%get3A_2356, %get3A_2357] {strides = array<i32>} : memref<384x128xf32, #tpu.memory_space<vmem>>, vector<16xf32>,
        %get3A_2359 = arith.index_cast %add3A_2340 : i32 to index
        %get3A_2360 = arith.constant 96 : index
        %get3A_2361 = tpu.vector_load %arg9[%get3A_2359, %get3A_2360] {strides = array<i32>} : memref<384x128xf32, #tpu.memory_space<vmem>>, vector<16xf32>,
        %get3A_2362 = arith.index_cast %add3A_2340 : i32 to index
        %get3A_2363 = arith.constant 112 : index
        %get3A_2364 = tpu.vector_load %arg9[%get3A_2362, %get3A_2363] {strides = array<i32>} : memref<384x128xf32, #tpu.memory_space<vmem>>, vector<16xf32>,
        %get3A_2365 = arith.index_cast %add3A_2340 : i32 to index
        %get3A_2366 = arith.constant 0 : index
        %get3A_2367 = tpu.vector_load %arg10[%get3A_2365, %get3A_2366] {strides = array<i32>} : memref<384x128xf32, #tpu.memory_space<vmem>>, vector<16xf32>,
        %get3A_2368 = arith.index_cast %add3A_2340 : i32 to index
        %get3A_2369 = arith.constant 16 : index
        %get3A_2370 = tpu.vector_load %arg10[%get3A_2368, %get3A_2369] {strides = array<i32>} : memref<384x128xf32, #tpu.memory_space<vmem>>, vector<16xf32>,
        %get3A_2371 = arith.index_cast %add3A_2340 : i32 to index
        %get3A_2372 = arith.constant 32 : index
        %get3A_2373 = tpu.vector_load %arg10[%get3A_2371, %get3A_2372] {strides = array<i32>} : memref<384x128xf32, #tpu.memory_space<vmem>>, vector<16xf32>,
        %get3A_2374 = arith.index_cast %add3A_2340 : i32 to index
        %get3A_2375 = arith.constant 48 : index
        %get3A_2376 = tpu.vector_load %arg10[%get3A_2374, %get3A_2375] {strides = array<i32>} : memref<384x128xf32, #tpu.memory_space<vmem>>, vector<16xf32>,
        %get3A_2377 = arith.index_cast %add3A_2340 : i32 to index
        %get3A_2378 = arith.constant 64 : index
        %get3A_2379 = tpu.vector_load %arg10[%get3A_2377, %get3A_2378] {strides = array<i32>} : memref<384x128xf32, #tpu.memory_space<vmem>>, vector<16xf32>,
        %get3A_2380 = arith.index_cast %add3A_2340 : i32 to index
        %get3A_2381 = arith.constant 80 : index
        %get3A_2382 = tpu.vector_load %arg10[%get3A_2380, %get3A_2381] {strides = array<i32>} : memref<384x128xf32, #tpu.memory_space<vmem>>, vector<16xf32>,
        %get3A_2383 = arith.index_cast %add3A_2340 : i32 to index
        %get3A_2384 = arith.constant 96 : index
        %get3A_2385 = tpu.vector_load %arg10[%get3A_2383, %get3A_2384] {strides = array<i32>} : memref<384x128xf32, #tpu.memory_space<vmem>>, vector<16xf32>,
        %get3A_2386 = arith.index_cast %add3A_2340 : i32 to index
        %get3A_2387 = arith.constant 112 : index
        %get3A_2388 = tpu.vector_load %arg10[%get3A_2386, %get3A_2387] {strides = array<i32>} : memref<384x128xf32, #tpu.memory_space<vmem>>, vector<16xf32>,
        %mul3A_2389 = arith.mulf %get3A_2271, %get3A_2295 : vector<16xf32>
        %mul3A_2390 = arith.mulf %get3A_2274, %get3A_2298 : vector<16xf32>
        %mul3A_2391 = arith.mulf %get3A_2277, %get3A_2301 : vector<16xf32>
        %add3A_2392 = arith.addf %mul3A_2389, %mul3A_2391 : vector<16xf32>
        %mul3A_2393 = arith.mulf %get3A_2280, %get3A_2304 : vector<16xf32>
        %add3A_2394 = arith.addf %mul3A_2390, %mul3A_2393 : vector<16xf32>
        %mul3A_2395 = arith.mulf %get3A_2283, %get3A_2307 : vector<16xf32>
        %add3A_2396 = arith.addf %add3A_2392, %mul3A_2395 : vector<16xf32>
        %mul3A_2397 = arith.mulf %get3A_2286, %get3A_2310 : vector<16xf32>
        %add3A_2398 = arith.addf %add3A_2394, %mul3A_2397 : vector<16xf32>
        %mul3A_2399 = arith.mulf %get3A_2289, %get3A_2313 : vector<16xf32>
        %add3A_2400 = arith.addf %add3A_2396, %mul3A_2399 : vector<16xf32>
        %mul3A_2401 = arith.mulf %get3A_2292, %get3A_2316 : vector<16xf32>
        %add3A_2402 = arith.addf %add3A_2398, %mul3A_2401 : vector<16xf32>
        %add3A_2403 = arith.addf %add3A_2400, %add3A_2402 : vector<16xf32>
        %add3A_2404 = arith.constant 10 : i32
        %add3A_2405 = arith.addi %mul3A_1568, %add3A_2404 : i32
        %swap3A_2406 = arith.index_cast %add3A_2405 : i32 to index
        %swap3A_2407 = arith.constant 0 : index
        %swap3A_2408 = tpu.vector_load %arg12[%swap3A_2406, %swap3A_2407] {strides = array<i32>} : memref<32x17xf32, #tpu.memory_space<vmem>>, vector<16xf32>,
        tpu.vector_store %arg12[%swap3A_2406, %swap3A_2407], %add3A_2403 {strides = array<i32>} : memref<32x17xf32, #tpu.memory_space<vmem>>, vector<16xf32>,
        %add3A_2409 = arith.constant 11 : i32
        %add3A_2410 = arith.addi %add3A_1550, %add3A_2409 : i32
        %add3A_2411 = arith.constant 1 : i32
        %add3A_2412 = arith.addi %add3A_2410, %add3A_2411 : i32
        %get3A_2413 = arith.index_cast %add3A_2412 : i32 to index
        %get3A_2414 = arith.constant 0 : index
        %get3A_2415 = tpu.vector_load %arg9[%get3A_2413, %get3A_2414] {strides = array<i32>} : memref<384x128xf32, #tpu.memory_space<vmem>>, vector<16xf32>,
        %get3A_2416 = arith.index_cast %add3A_2412 : i32 to index
        %get3A_2417 = arith.constant 16 : index
        %get3A_2418 = tpu.vector_load %arg9[%get3A_2416, %get3A_2417] {strides = array<i32>} : memref<384x128xf32, #tpu.memory_space<vmem>>, vector<16xf32>,
        %get3A_2419 = arith.index_cast %add3A_2412 : i32 to index
        %get3A_2420 = arith.constant 32 : index
        %get3A_2421 = tpu.vector_load %arg9[%get3A_2419, %get3A_2420] {strides = array<i32>} : memref<384x128xf32, #tpu.memory_space<vmem>>, vector<16xf32>,
        %get3A_2422 = arith.index_cast %add3A_2412 : i32 to index
        %get3A_2423 = arith.constant 48 : index
        %get3A_2424 = tpu.vector_load %arg9[%get3A_2422, %get3A_2423] {strides = array<i32>} : memref<384x128xf32, #tpu.memory_space<vmem>>, vector<16xf32>,
        %get3A_2425 = arith.index_cast %add3A_2412 : i32 to index
        %get3A_2426 = arith.constant 64 : index
        %get3A_2427 = tpu.vector_load %arg9[%get3A_2425, %get3A_2426] {strides = array<i32>} : memref<384x128xf32, #tpu.memory_space<vmem>>, vector<16xf32>,
        %get3A_2428 = arith.index_cast %add3A_2412 : i32 to index
        %get3A_2429 = arith.constant 80 : index
        %get3A_2430 = tpu.vector_load %arg9[%get3A_2428, %get3A_2429] {strides = array<i32>} : memref<384x128xf32, #tpu.memory_space<vmem>>, vector<16xf32>,
        %get3A_2431 = arith.index_cast %add3A_2412 : i32 to index
        %get3A_2432 = arith.constant 96 : index
        %get3A_2433 = tpu.vector_load %arg9[%get3A_2431, %get3A_2432] {strides = array<i32>} : memref<384x128xf32, #tpu.memory_space<vmem>>, vector<16xf32>,
        %get3A_2434 = arith.index_cast %add3A_2412 : i32 to index
        %get3A_2435 = arith.constant 112 : index
        %get3A_2436 = tpu.vector_load %arg9[%get3A_2434, %get3A_2435] {strides = array<i32>} : memref<384x128xf32, #tpu.memory_space<vmem>>, vector<16xf32>,
        %get3A_2437 = arith.index_cast %add3A_2412 : i32 to index
        %get3A_2438 = arith.constant 0 : index
        %get3A_2439 = tpu.vector_load %arg10[%get3A_2437, %get3A_2438] {strides = array<i32>} : memref<384x128xf32, #tpu.memory_space<vmem>>, vector<16xf32>,
        %get3A_2440 = arith.index_cast %add3A_2412 : i32 to index
        %get3A_2441 = arith.constant 16 : index
        %get3A_2442 = tpu.vector_load %arg10[%get3A_2440, %get3A_2441] {strides = array<i32>} : memref<384x128xf32, #tpu.memory_space<vmem>>, vector<16xf32>,
        %get3A_2443 = arith.index_cast %add3A_2412 : i32 to index
        %get3A_2444 = arith.constant 32 : index
        %get3A_2445 = tpu.vector_load %arg10[%get3A_2443, %get3A_2444] {strides = array<i32>} : memref<384x128xf32, #tpu.memory_space<vmem>>, vector<16xf32>,
        %get3A_2446 = arith.index_cast %add3A_2412 : i32 to index
        %get3A_2447 = arith.constant 48 : index
        %get3A_2448 = tpu.vector_load %arg10[%get3A_2446, %get3A_2447] {strides = array<i32>} : memref<384x128xf32, #tpu.memory_space<vmem>>, vector<16xf32>,
        %get3A_2449 = arith.index_cast %add3A_2412 : i32 to index
        %get3A_2450 = arith.constant 64 : index
        %get3A_2451 = tpu.vector_load %arg10[%get3A_2449, %get3A_2450] {strides = array<i32>} : memref<384x128xf32, #tpu.memory_space<vmem>>, vector<16xf32>,
        %get3A_2452 = arith.index_cast %add3A_2412 : i32 to index
        %get3A_2453 = arith.constant 80 : index
        %get3A_2454 = tpu.vector_load %arg10[%get3A_2452, %get3A_2453] {strides = array<i32>} : memref<384x128xf32, #tpu.memory_space<vmem>>, vector<16xf32>,
        %get3A_2455 = arith.index_cast %add3A_2412 : i32 to index
        %get3A_2456 = arith.constant 96 : index
        %get3A_2457 = tpu.vector_load %arg10[%get3A_2455, %get3A_2456] {strides = array<i32>} : memref<384x128xf32, #tpu.memory_space<vmem>>, vector<16xf32>,
        %get3A_2458 = arith.index_cast %add3A_2412 : i32 to index
        %get3A_2459 = arith.constant 112 : index
        %get3A_2460 = tpu.vector_load %arg10[%get3A_2458, %get3A_2459] {strides = array<i32>} : memref<384x128xf32, #tpu.memory_space<vmem>>, vector<16xf32>,
        %mul3A_2461 = arith.mulf %get3A_2343, %get3A_2367 : vector<16xf32>
        %mul3A_2462 = arith.mulf %get3A_2346, %get3A_2370 : vector<16xf32>
        %mul3A_2463 = arith.mulf %get3A_2349, %get3A_2373 : vector<16xf32>
        %add3A_2464 = arith.addf %mul3A_2461, %mul3A_2463 : vector<16xf32>
        %mul3A_2465 = arith.mulf %get3A_2352, %get3A_2376 : vector<16xf32>
        %add3A_2466 = arith.addf %mul3A_2462, %mul3A_2465 : vector<16xf32>
        %mul3A_2467 = arith.mulf %get3A_2355, %get3A_2379 : vector<16xf32>
        %add3A_2468 = arith.addf %add3A_2464, %mul3A_2467 : vector<16xf32>
        %mul3A_2469 = arith.mulf %get3A_2358, %get3A_2382 : vector<16xf32>
        %add3A_2470 = arith.addf %add3A_2466, %mul3A_2469 : vector<16xf32>
        %mul3A_2471 = arith.mulf %get3A_2361, %get3A_2385 : vector<16xf32>
        %add3A_2472 = arith.addf %add3A_2468, %mul3A_2471 : vector<16xf32>
        %mul3A_2473 = arith.mulf %get3A_2364, %get3A_2388 : vector<16xf32>
        %add3A_2474 = arith.addf %add3A_2470, %mul3A_2473 : vector<16xf32>
        %add3A_2475 = arith.addf %add3A_2472, %add3A_2474 : vector<16xf32>
        %add3A_2476 = arith.constant 11 : i32
        %add3A_2477 = arith.addi %mul3A_1568, %add3A_2476 : i32
        %swap3A_2478 = arith.index_cast %add3A_2477 : i32 to index
        %swap3A_2479 = arith.constant 0 : index
        %swap3A_2480 = tpu.vector_load %arg12[%swap3A_2478, %swap3A_2479] {strides = array<i32>} : memref<32x17xf32, #tpu.memory_space<vmem>>, vector<16xf32>,
        tpu.vector_store %arg12[%swap3A_2478, %swap3A_2479], %add3A_2475 {strides = array<i32>} : memref<32x17xf32, #tpu.memory_space<vmem>>, vector<16xf32>,
        %add3A_2481 = arith.constant 12 : i32
        %add3A_2482 = arith.addi %add3A_1550, %add3A_2481 : i32
        %add3A_2483 = arith.constant 1 : i32
        %add3A_2484 = arith.addi %add3A_2482, %add3A_2483 : i32
        %get3A_2485 = arith.index_cast %add3A_2484 : i32 to index
        %get3A_2486 = arith.constant 0 : index
        %get3A_2487 = tpu.vector_load %arg9[%get3A_2485, %get3A_2486] {strides = array<i32>} : memref<384x128xf32, #tpu.memory_space<vmem>>, vector<16xf32>,
        %get3A_2488 = arith.index_cast %add3A_2484 : i32 to index
        %get3A_2489 = arith.constant 16 : index
        %get3A_2490 = tpu.vector_load %arg9[%get3A_2488, %get3A_2489] {strides = array<i32>} : memref<384x128xf32, #tpu.memory_space<vmem>>, vector<16xf32>,
        %get3A_2491 = arith.index_cast %add3A_2484 : i32 to index
        %get3A_2492 = arith.constant 32 : index
        %get3A_2493 = tpu.vector_load %arg9[%get3A_2491, %get3A_2492] {strides = array<i32>} : memref<384x128xf32, #tpu.memory_space<vmem>>, vector<16xf32>,
        %get3A_2494 = arith.index_cast %add3A_2484 : i32 to index
        %get3A_2495 = arith.constant 48 : index
        %get3A_2496 = tpu.vector_load %arg9[%get3A_2494, %get3A_2495] {strides = array<i32>} : memref<384x128xf32, #tpu.memory_space<vmem>>, vector<16xf32>,
        %get3A_2497 = arith.index_cast %add3A_2484 : i32 to index
        %get3A_2498 = arith.constant 64 : index
        %get3A_2499 = tpu.vector_load %arg9[%get3A_2497, %get3A_2498] {strides = array<i32>} : memref<384x128xf32, #tpu.memory_space<vmem>>, vector<16xf32>,
        %get3A_2500 = arith.index_cast %add3A_2484 : i32 to index
        %get3A_2501 = arith.constant 80 : index
        %get3A_2502 = tpu.vector_load %arg9[%get3A_2500, %get3A_2501] {strides = array<i32>} : memref<384x128xf32, #tpu.memory_space<vmem>>, vector<16xf32>,
        %get3A_2503 = arith.index_cast %add3A_2484 : i32 to index
        %get3A_2504 = arith.constant 96 : index
        %get3A_2505 = tpu.vector_load %arg9[%get3A_2503, %get3A_2504] {strides = array<i32>} : memref<384x128xf32, #tpu.memory_space<vmem>>, vector<16xf32>,
        %get3A_2506 = arith.index_cast %add3A_2484 : i32 to index
        %get3A_2507 = arith.constant 112 : index
        %get3A_2508 = tpu.vector_load %arg9[%get3A_2506, %get3A_2507] {strides = array<i32>} : memref<384x128xf32, #tpu.memory_space<vmem>>, vector<16xf32>,
        %get3A_2509 = arith.index_cast %add3A_2484 : i32 to index
        %get3A_2510 = arith.constant 0 : index
        %get3A_2511 = tpu.vector_load %arg10[%get3A_2509, %get3A_2510] {strides = array<i32>} : memref<384x128xf32, #tpu.memory_space<vmem>>, vector<16xf32>,
        %get3A_2512 = arith.index_cast %add3A_2484 : i32 to index
        %get3A_2513 = arith.constant 16 : index
        %get3A_2514 = tpu.vector_load %arg10[%get3A_2512, %get3A_2513] {strides = array<i32>} : memref<384x128xf32, #tpu.memory_space<vmem>>, vector<16xf32>,
        %get3A_2515 = arith.index_cast %add3A_2484 : i32 to index
        %get3A_2516 = arith.constant 32 : index
        %get3A_2517 = tpu.vector_load %arg10[%get3A_2515, %get3A_2516] {strides = array<i32>} : memref<384x128xf32, #tpu.memory_space<vmem>>, vector<16xf32>,
        %get3A_2518 = arith.index_cast %add3A_2484 : i32 to index
        %get3A_2519 = arith.constant 48 : index
        %get3A_2520 = tpu.vector_load %arg10[%get3A_2518, %get3A_2519] {strides = array<i32>} : memref<384x128xf32, #tpu.memory_space<vmem>>, vector<16xf32>,
        %get3A_2521 = arith.index_cast %add3A_2484 : i32 to index
        %get3A_2522 = arith.constant 64 : index
        %get3A_2523 = tpu.vector_load %arg10[%get3A_2521, %get3A_2522] {strides = array<i32>} : memref<384x128xf32, #tpu.memory_space<vmem>>, vector<16xf32>,
        %get3A_2524 = arith.index_cast %add3A_2484 : i32 to index
        %get3A_2525 = arith.constant 80 : index
        %get3A_2526 = tpu.vector_load %arg10[%get3A_2524, %get3A_2525] {strides = array<i32>} : memref<384x128xf32, #tpu.memory_space<vmem>>, vector<16xf32>,
        %get3A_2527 = arith.index_cast %add3A_2484 : i32 to index
        %get3A_2528 = arith.constant 96 : index
        %get3A_2529 = tpu.vector_load %arg10[%get3A_2527, %get3A_2528] {strides = array<i32>} : memref<384x128xf32, #tpu.memory_space<vmem>>, vector<16xf32>,
        %get3A_2530 = arith.index_cast %add3A_2484 : i32 to index
        %get3A_2531 = arith.constant 112 : index
        %get3A_2532 = tpu.vector_load %arg10[%get3A_2530, %get3A_2531] {strides = array<i32>} : memref<384x128xf32, #tpu.memory_space<vmem>>, vector<16xf32>,
        %mul3A_2533 = arith.mulf %get3A_2415, %get3A_2439 : vector<16xf32>
        %mul3A_2534 = arith.mulf %get3A_2418, %get3A_2442 : vector<16xf32>
        %mul3A_2535 = arith.mulf %get3A_2421, %get3A_2445 : vector<16xf32>
        %add3A_2536 = arith.addf %mul3A_2533, %mul3A_2535 : vector<16xf32>
        %mul3A_2537 = arith.mulf %get3A_2424, %get3A_2448 : vector<16xf32>
        %add3A_2538 = arith.addf %mul3A_2534, %mul3A_2537 : vector<16xf32>
        %mul3A_2539 = arith.mulf %get3A_2427, %get3A_2451 : vector<16xf32>
        %add3A_2540 = arith.addf %add3A_2536, %mul3A_2539 : vector<16xf32>
        %mul3A_2541 = arith.mulf %get3A_2430, %get3A_2454 : vector<16xf32>
        %add3A_2542 = arith.addf %add3A_2538, %mul3A_2541 : vector<16xf32>
        %mul3A_2543 = arith.mulf %get3A_2433, %get3A_2457 : vector<16xf32>
        %add3A_2544 = arith.addf %add3A_2540, %mul3A_2543 : vector<16xf32>
        %mul3A_2545 = arith.mulf %get3A_2436, %get3A_2460 : vector<16xf32>
        %add3A_2546 = arith.addf %add3A_2542, %mul3A_2545 : vector<16xf32>
        %add3A_2547 = arith.addf %add3A_2544, %add3A_2546 : vector<16xf32>
        %add3A_2548 = arith.constant 12 : i32
        %add3A_2549 = arith.addi %mul3A_1568, %add3A_2548 : i32
        %swap3A_2550 = arith.index_cast %add3A_2549 : i32 to index
        %swap3A_2551 = arith.constant 0 : index
        %swap3A_2552 = tpu.vector_load %arg12[%swap3A_2550, %swap3A_2551] {strides = array<i32>} : memref<32x17xf32, #tpu.memory_space<vmem>>, vector<16xf32>,
        tpu.vector_store %arg12[%swap3A_2550, %swap3A_2551], %add3A_2547 {strides = array<i32>} : memref<32x17xf32, #tpu.memory_space<vmem>>, vector<16xf32>,
        %add3A_2553 = arith.constant 13 : i32
        %add3A_2554 = arith.addi %add3A_1550, %add3A_2553 : i32
        %add3A_2555 = arith.constant 1 : i32
        %add3A_2556 = arith.addi %add3A_2554, %add3A_2555 : i32
        %get3A_2557 = arith.index_cast %add3A_2556 : i32 to index
        %get3A_2558 = arith.constant 0 : index
        %get3A_2559 = tpu.vector_load %arg9[%get3A_2557, %get3A_2558] {strides = array<i32>} : memref<384x128xf32, #tpu.memory_space<vmem>>, vector<16xf32>,
        %get3A_2560 = arith.index_cast %add3A_2556 : i32 to index
        %get3A_2561 = arith.constant 16 : index
        %get3A_2562 = tpu.vector_load %arg9[%get3A_2560, %get3A_2561] {strides = array<i32>} : memref<384x128xf32, #tpu.memory_space<vmem>>, vector<16xf32>,
        %get3A_2563 = arith.index_cast %add3A_2556 : i32 to index
        %get3A_2564 = arith.constant 32 : index
        %get3A_2565 = tpu.vector_load %arg9[%get3A_2563, %get3A_2564] {strides = array<i32>} : memref<384x128xf32, #tpu.memory_space<vmem>>, vector<16xf32>,
        %get3A_2566 = arith.index_cast %add3A_2556 : i32 to index
        %get3A_2567 = arith.constant 48 : index
        %get3A_2568 = tpu.vector_load %arg9[%get3A_2566, %get3A_2567] {strides = array<i32>} : memref<384x128xf32, #tpu.memory_space<vmem>>, vector<16xf32>,
        %get3A_2569 = arith.index_cast %add3A_2556 : i32 to index
        %get3A_2570 = arith.constant 64 : index
        %get3A_2571 = tpu.vector_load %arg9[%get3A_2569, %get3A_2570] {strides = array<i32>} : memref<384x128xf32, #tpu.memory_space<vmem>>, vector<16xf32>,
        %get3A_2572 = arith.index_cast %add3A_2556 : i32 to index
        %get3A_2573 = arith.constant 80 : index
        %get3A_2574 = tpu.vector_load %arg9[%get3A_2572, %get3A_2573] {strides = array<i32>} : memref<384x128xf32, #tpu.memory_space<vmem>>, vector<16xf32>,
        %get3A_2575 = arith.index_cast %add3A_2556 : i32 to index
        %get3A_2576 = arith.constant 96 : index
        %get3A_2577 = tpu.vector_load %arg9[%get3A_2575, %get3A_2576] {strides = array<i32>} : memref<384x128xf32, #tpu.memory_space<vmem>>, vector<16xf32>,
        %get3A_2578 = arith.index_cast %add3A_2556 : i32 to index
        %get3A_2579 = arith.constant 112 : index
        %get3A_2580 = tpu.vector_load %arg9[%get3A_2578, %get3A_2579] {strides = array<i32>} : memref<384x128xf32, #tpu.memory_space<vmem>>, vector<16xf32>,
        %get3A_2581 = arith.index_cast %add3A_2556 : i32 to index
        %get3A_2582 = arith.constant 0 : index
        %get3A_2583 = tpu.vector_load %arg10[%get3A_2581, %get3A_2582] {strides = array<i32>} : memref<384x128xf32, #tpu.memory_space<vmem>>, vector<16xf32>,
        %get3A_2584 = arith.index_cast %add3A_2556 : i32 to index
        %get3A_2585 = arith.constant 16 : index
        %get3A_2586 = tpu.vector_load %arg10[%get3A_2584, %get3A_2585] {strides = array<i32>} : memref<384x128xf32, #tpu.memory_space<vmem>>, vector<16xf32>,
        %get3A_2587 = arith.index_cast %add3A_2556 : i32 to index
        %get3A_2588 = arith.constant 32 : index
        %get3A_2589 = tpu.vector_load %arg10[%get3A_2587, %get3A_2588] {strides = array<i32>} : memref<384x128xf32, #tpu.memory_space<vmem>>, vector<16xf32>,
        %get3A_2590 = arith.index_cast %add3A_2556 : i32 to index
        %get3A_2591 = arith.constant 48 : index
        %get3A_2592 = tpu.vector_load %arg10[%get3A_2590, %get3A_2591] {strides = array<i32>} : memref<384x128xf32, #tpu.memory_space<vmem>>, vector<16xf32>,
        %get3A_2593 = arith.index_cast %add3A_2556 : i32 to index
        %get3A_2594 = arith.constant 64 : index
        %get3A_2595 = tpu.vector_load %arg10[%get3A_2593, %get3A_2594] {strides = array<i32>} : memref<384x128xf32, #tpu.memory_space<vmem>>, vector<16xf32>,
        %get3A_2596 = arith.index_cast %add3A_2556 : i32 to index
        %get3A_2597 = arith.constant 80 : index
        %get3A_2598 = tpu.vector_load %arg10[%get3A_2596, %get3A_2597] {strides = array<i32>} : memref<384x128xf32, #tpu.memory_space<vmem>>, vector<16xf32>,
        %get3A_2599 = arith.index_cast %add3A_2556 : i32 to index
        %get3A_2600 = arith.constant 96 : index
        %get3A_2601 = tpu.vector_load %arg10[%get3A_2599, %get3A_2600] {strides = array<i32>} : memref<384x128xf32, #tpu.memory_space<vmem>>, vector<16xf32>,
        %get3A_2602 = arith.index_cast %add3A_2556 : i32 to index
        %get3A_2603 = arith.constant 112 : index
        %get3A_2604 = tpu.vector_load %arg10[%get3A_2602, %get3A_2603] {strides = array<i32>} : memref<384x128xf32, #tpu.memory_space<vmem>>, vector<16xf32>,
        %mul3A_2605 = arith.mulf %get3A_2487, %get3A_2511 : vector<16xf32>
        %mul3A_2606 = arith.mulf %get3A_2490, %get3A_2514 : vector<16xf32>
        %mul3A_2607 = arith.mulf %get3A_2493, %get3A_2517 : vector<16xf32>
        %add3A_2608 = arith.addf %mul3A_2605, %mul3A_2607 : vector<16xf32>
        %mul3A_2609 = arith.mulf %get3A_2496, %get3A_2520 : vector<16xf32>
        %add3A_2610 = arith.addf %mul3A_2606, %mul3A_2609 : vector<16xf32>
        %mul3A_2611 = arith.mulf %get3A_2499, %get3A_2523 : vector<16xf32>
        %add3A_2612 = arith.addf %add3A_2608, %mul3A_2611 : vector<16xf32>
        %mul3A_2613 = arith.mulf %get3A_2502, %get3A_2526 : vector<16xf32>
        %add3A_2614 = arith.addf %add3A_2610, %mul3A_2613 : vector<16xf32>
        %mul3A_2615 = arith.mulf %get3A_2505, %get3A_2529 : vector<16xf32>
        %add3A_2616 = arith.addf %add3A_2612, %mul3A_2615 : vector<16xf32>
        %mul3A_2617 = arith.mulf %get3A_2508, %get3A_2532 : vector<16xf32>
        %add3A_2618 = arith.addf %add3A_2614, %mul3A_2617 : vector<16xf32>
        %add3A_2619 = arith.addf %add3A_2616, %add3A_2618 : vector<16xf32>
        %add3A_2620 = arith.constant 13 : i32
        %add3A_2621 = arith.addi %mul3A_1568, %add3A_2620 : i32
        %swap3A_2622 = arith.index_cast %add3A_2621 : i32 to index
        %swap3A_2623 = arith.constant 0 : index
        %swap3A_2624 = tpu.vector_load %arg12[%swap3A_2622, %swap3A_2623] {strides = array<i32>} : memref<32x17xf32, #tpu.memory_space<vmem>>, vector<16xf32>,
        tpu.vector_store %arg12[%swap3A_2622, %swap3A_2623], %add3A_2619 {strides = array<i32>} : memref<32x17xf32, #tpu.memory_space<vmem>>, vector<16xf32>,
        %add3A_2625 = arith.constant 14 : i32
        %add3A_2626 = arith.addi %add3A_1550, %add3A_2625 : i32
        %add3A_2627 = arith.constant 1 : i32
        %add3A_2628 = arith.addi %add3A_2626, %add3A_2627 : i32
        %get3A_2629 = arith.index_cast %add3A_2628 : i32 to index
        %get3A_2630 = arith.constant 0 : index
        %get3A_2631 = tpu.vector_load %arg9[%get3A_2629, %get3A_2630] {strides = array<i32>} : memref<384x128xf32, #tpu.memory_space<vmem>>, vector<16xf32>,
        %get3A_2632 = arith.index_cast %add3A_2628 : i32 to index
        %get3A_2633 = arith.constant 16 : index
        %get3A_2634 = tpu.vector_load %arg9[%get3A_2632, %get3A_2633] {strides = array<i32>} : memref<384x128xf32, #tpu.memory_space<vmem>>, vector<16xf32>,
        %get3A_2635 = arith.index_cast %add3A_2628 : i32 to index
        %get3A_2636 = arith.constant 32 : index
        %get3A_2637 = tpu.vector_load %arg9[%get3A_2635, %get3A_2636] {strides = array<i32>} : memref<384x128xf32, #tpu.memory_space<vmem>>, vector<16xf32>,
        %get3A_2638 = arith.index_cast %add3A_2628 : i32 to index
        %get3A_2639 = arith.constant 48 : index
        %get3A_2640 = tpu.vector_load %arg9[%get3A_2638, %get3A_2639] {strides = array<i32>} : memref<384x128xf32, #tpu.memory_space<vmem>>, vector<16xf32>,
        %get3A_2641 = arith.index_cast %add3A_2628 : i32 to index
        %get3A_2642 = arith.constant 64 : index
        %get3A_2643 = tpu.vector_load %arg9[%get3A_2641, %get3A_2642] {strides = array<i32>} : memref<384x128xf32, #tpu.memory_space<vmem>>, vector<16xf32>,
        %get3A_2644 = arith.index_cast %add3A_2628 : i32 to index
        %get3A_2645 = arith.constant 80 : index
        %get3A_2646 = tpu.vector_load %arg9[%get3A_2644, %get3A_2645] {strides = array<i32>} : memref<384x128xf32, #tpu.memory_space<vmem>>, vector<16xf32>,
        %get3A_2647 = arith.index_cast %add3A_2628 : i32 to index
        %get3A_2648 = arith.constant 96 : index
        %get3A_2649 = tpu.vector_load %arg9[%get3A_2647, %get3A_2648] {strides = array<i32>} : memref<384x128xf32, #tpu.memory_space<vmem>>, vector<16xf32>,
        %get3A_2650 = arith.index_cast %add3A_2628 : i32 to index
        %get3A_2651 = arith.constant 112 : index
        %get3A_2652 = tpu.vector_load %arg9[%get3A_2650, %get3A_2651] {strides = array<i32>} : memref<384x128xf32, #tpu.memory_space<vmem>>, vector<16xf32>,
        %get3A_2653 = arith.index_cast %add3A_2628 : i32 to index
        %get3A_2654 = arith.constant 0 : index
        %get3A_2655 = tpu.vector_load %arg10[%get3A_2653, %get3A_2654] {strides = array<i32>} : memref<384x128xf32, #tpu.memory_space<vmem>>, vector<16xf32>,
        %get3A_2656 = arith.index_cast %add3A_2628 : i32 to index
        %get3A_2657 = arith.constant 16 : index
        %get3A_2658 = tpu.vector_load %arg10[%get3A_2656, %get3A_2657] {strides = array<i32>} : memref<384x128xf32, #tpu.memory_space<vmem>>, vector<16xf32>,
        %get3A_2659 = arith.index_cast %add3A_2628 : i32 to index
        %get3A_2660 = arith.constant 32 : index
        %get3A_2661 = tpu.vector_load %arg10[%get3A_2659, %get3A_2660] {strides = array<i32>} : memref<384x128xf32, #tpu.memory_space<vmem>>, vector<16xf32>,
        %get3A_2662 = arith.index_cast %add3A_2628 : i32 to index
        %get3A_2663 = arith.constant 48 : index
        %get3A_2664 = tpu.vector_load %arg10[%get3A_2662, %get3A_2663] {strides = array<i32>} : memref<384x128xf32, #tpu.memory_space<vmem>>, vector<16xf32>,
        %get3A_2665 = arith.index_cast %add3A_2628 : i32 to index
        %get3A_2666 = arith.constant 64 : index
        %get3A_2667 = tpu.vector_load %arg10[%get3A_2665, %get3A_2666] {strides = array<i32>} : memref<384x128xf32, #tpu.memory_space<vmem>>, vector<16xf32>,
        %get3A_2668 = arith.index_cast %add3A_2628 : i32 to index
        %get3A_2669 = arith.constant 80 : index
        %get3A_2670 = tpu.vector_load %arg10[%get3A_2668, %get3A_2669] {strides = array<i32>} : memref<384x128xf32, #tpu.memory_space<vmem>>, vector<16xf32>,
        %get3A_2671 = arith.index_cast %add3A_2628 : i32 to index
        %get3A_2672 = arith.constant 96 : index
        %get3A_2673 = tpu.vector_load %arg10[%get3A_2671, %get3A_2672] {strides = array<i32>} : memref<384x128xf32, #tpu.memory_space<vmem>>, vector<16xf32>,
        %get3A_2674 = arith.index_cast %add3A_2628 : i32 to index
        %get3A_2675 = arith.constant 112 : index
        %get3A_2676 = tpu.vector_load %arg10[%get3A_2674, %get3A_2675] {strides = array<i32>} : memref<384x128xf32, #tpu.memory_space<vmem>>, vector<16xf32>,
        %mul3A_2677 = arith.mulf %get3A_2559, %get3A_2583 : vector<16xf32>
        %mul3A_2678 = arith.mulf %get3A_2562, %get3A_2586 : vector<16xf32>
        %mul3A_2679 = arith.mulf %get3A_2565, %get3A_2589 : vector<16xf32>
        %add3A_2680 = arith.addf %mul3A_2677, %mul3A_2679 : vector<16xf32>
        %mul3A_2681 = arith.mulf %get3A_2568, %get3A_2592 : vector<16xf32>
        %add3A_2682 = arith.addf %mul3A_2678, %mul3A_2681 : vector<16xf32>
        %mul3A_2683 = arith.mulf %get3A_2571, %get3A_2595 : vector<16xf32>
        %add3A_2684 = arith.addf %add3A_2680, %mul3A_2683 : vector<16xf32>
        %mul3A_2685 = arith.mulf %get3A_2574, %get3A_2598 : vector<16xf32>
        %add3A_2686 = arith.addf %add3A_2682, %mul3A_2685 : vector<16xf32>
        %mul3A_2687 = arith.mulf %get3A_2577, %get3A_2601 : vector<16xf32>
        %add3A_2688 = arith.addf %add3A_2684, %mul3A_2687 : vector<16xf32>
        %mul3A_2689 = arith.mulf %get3A_2580, %get3A_2604 : vector<16xf32>
        %add3A_2690 = arith.addf %add3A_2686, %mul3A_2689 : vector<16xf32>
        %add3A_2691 = arith.addf %add3A_2688, %add3A_2690 : vector<16xf32>
        %add3A_2692 = arith.constant 14 : i32
        %add3A_2693 = arith.addi %mul3A_1568, %add3A_2692 : i32
        %swap3A_2694 = arith.index_cast %add3A_2693 : i32 to index
        %swap3A_2695 = arith.constant 0 : index
        %swap3A_2696 = tpu.vector_load %arg12[%swap3A_2694, %swap3A_2695] {strides = array<i32>} : memref<32x17xf32, #tpu.memory_space<vmem>>, vector<16xf32>,
        tpu.vector_store %arg12[%swap3A_2694, %swap3A_2695], %add3A_2691 {strides = array<i32>} : memref<32x17xf32, #tpu.memory_space<vmem>>, vector<16xf32>,
        %mul3A_2697 = arith.mulf %get3A_2631, %get3A_2655 : vector<16xf32>
        %mul3A_2698 = arith.mulf %get3A_2634, %get3A_2658 : vector<16xf32>
        %mul3A_2699 = arith.mulf %get3A_2637, %get3A_2661 : vector<16xf32>
        %add3A_2700 = arith.addf %mul3A_2697, %mul3A_2699 : vector<16xf32>
        %mul3A_2701 = arith.mulf %get3A_2640, %get3A_2664 : vector<16xf32>
        %add3A_2702 = arith.addf %mul3A_2698, %mul3A_2701 : vector<16xf32>
        %mul3A_2703 = arith.mulf %get3A_2643, %get3A_2667 : vector<16xf32>
        %add3A_2704 = arith.addf %add3A_2700, %mul3A_2703 : vector<16xf32>
        %mul3A_2705 = arith.mulf %get3A_2646, %get3A_2670 : vector<16xf32>
        %add3A_2706 = arith.addf %add3A_2702, %mul3A_2705 : vector<16xf32>
        %mul3A_2707 = arith.mulf %get3A_2649, %get3A_2673 : vector<16xf32>
        %add3A_2708 = arith.addf %add3A_2704, %mul3A_2707 : vector<16xf32>
        %mul3A_2709 = arith.mulf %get3A_2652, %get3A_2676 : vector<16xf32>
        %add3A_2710 = arith.addf %add3A_2706, %mul3A_2709 : vector<16xf32>
        %add3A_2711 = arith.addf %add3A_2708, %add3A_2710 : vector<16xf32>
        %add3A_2712 = arith.constant 15 : i32
        %add3A_2713 = arith.addi %mul3A_1568, %add3A_2712 : i32
        %swap3A_2714 = arith.index_cast %add3A_2713 : i32 to index
        %swap3A_2715 = arith.constant 0 : index
        %swap3A_2716 = tpu.vector_load %arg12[%swap3A_2714, %swap3A_2715] {strides = array<i32>} : memref<32x17xf32, #tpu.memory_space<vmem>>, vector<16xf32>,
        tpu.vector_store %arg12[%swap3A_2714, %swap3A_2715], %add3A_2711 {strides = array<i32>} : memref<32x17xf32, #tpu.memory_space<vmem>>, vector<16xf32>,
        %scan3A_2717 = arith.constant 0 : i32
        scf.yield %scan3A_2717 : i32
      }
      %scan3A_1228 = arith.constant 7 : i32
      %add3A_1229 = arith.constant 16 : i32
      %add3A_1230 = vector.broadcast %add3A_1229 : i32 to vector<16xi32>
      %add3A_1231 = arith.addi %add3A_1230, %iota3A : vector<16xi32>
      %broadcast_in_dim3A = arith.constant 0 : i32
      %broadcast_in_dim3A_1232 = vector.broadcast %broadcast_in_dim3A : i32 to vector<16xi32>
      %gather3A = tpu.vector_load_idx %arg12[%add3A_1231, %broadcast_in_dim3A_1232] : memref<32x17xf32, #tpu.memory_space<vmem>>[vector<16xi32>, vector<16xi32>], vector<16xf32>,
      %broadcast_in_dim3A_1233 = arith.constant 0 : i32
      %broadcast_in_dim3A_1234 = vector.broadcast %broadcast_in_dim3A_1233 : i32 to vector<16xi32>
      %add3A_1235 = arith.constant 1 : i32
      %add3A_1236 = vector.broadcast %add3A_1235 : i32 to vector<16xi32>
      %add3A_1237 = arith.addi %broadcast_in_dim3A_1234, %add3A_1236 : vector<16xi32>
      %gather3A_1238 = tpu.vector_load_idx %arg12[%add3A_1231, %add3A_1237] : memref<32x17xf32, #tpu.memory_space<vmem>>[vector<16xi32>, vector<16xi32>], vector<16xf32>,
      %broadcast_in_dim3A_1239 = arith.constant 0 : i32
      %broadcast_in_dim3A_1240 = vector.broadcast %broadcast_in_dim3A_1239 : i32 to vector<16xi32>
      %add3A_1241 = arith.constant 2 : i32
      %add3A_1242 = vector.broadcast %add3A_1241 : i32 to vector<16xi32>
      %add3A_1243 = arith.addi %broadcast_in_dim3A_1240, %add3A_1242 : vector<16xi32>
      %gather3A_1244 = tpu.vector_load_idx %arg12[%add3A_1231, %add3A_1243] : memref<32x17xf32, #tpu.memory_space<vmem>>[vector<16xi32>, vector<16xi32>], vector<16xf32>,
      %add3A_1245 = arith.addf %gather3A, %gather3A_1244 : vector<16xf32>
      %broadcast_in_dim3A_1246 = arith.constant 0 : i32
      %broadcast_in_dim3A_1247 = vector.broadcast %broadcast_in_dim3A_1246 : i32 to vector<16xi32>
      %add3A_1248 = arith.constant 2 : i32
      %add3A_1249 = vector.broadcast %add3A_1248 : i32 to vector<16xi32>
      %add3A_1250 = arith.addi %broadcast_in_dim3A_1247, %add3A_1249 : vector<16xi32>
      %add3A_1251 = arith.constant 1 : i32
      %add3A_1252 = vector.broadcast %add3A_1251 : i32 to vector<16xi32>
      %add3A_1253 = arith.addi %add3A_1250, %add3A_1252 : vector<16xi32>
      %gather3A_1254 = tpu.vector_load_idx %arg12[%add3A_1231, %add3A_1253] : memref<32x17xf32, #tpu.memory_space<vmem>>[vector<16xi32>, vector<16xi32>], vector<16xf32>,
      %add3A_1255 = arith.addf %gather3A_1238, %gather3A_1254 : vector<16xf32>
      %broadcast_in_dim3A_1256 = arith.constant 0 : i32
      %broadcast_in_dim3A_1257 = vector.broadcast %broadcast_in_dim3A_1256 : i32 to vector<16xi32>
      %add3A_1258 = arith.constant 4 : i32
      %add3A_1259 = vector.broadcast %add3A_1258 : i32 to vector<16xi32>
      %add3A_1260 = arith.addi %broadcast_in_dim3A_1257, %add3A_1259 : vector<16xi32>
      %gather3A_1261 = tpu.vector_load_idx %arg12[%add3A_1231, %add3A_1260] : memref<32x17xf32, #tpu.memory_space<vmem>>[vector<16xi32>, vector<16xi32>], vector<16xf32>,
      %add3A_1262 = arith.addf %add3A_1245, %gather3A_1261 : vector<16xf32>
      %broadcast_in_dim3A_1263 = arith.constant 0 : i32
      %broadcast_in_dim3A_1264 = vector.broadcast %broadcast_in_dim3A_1263 : i32 to vector<16xi32>
      %add3A_1265 = arith.constant 4 : i32
      %add3A_1266 = vector.broadcast %add3A_1265 : i32 to vector<16xi32>
      %add3A_1267 = arith.addi %broadcast_in_dim3A_1264, %add3A_1266 : vector<16xi32>
      %add3A_1268 = arith.constant 1 : i32
      %add3A_1269 = vector.broadcast %add3A_1268 : i32 to vector<16xi32>
      %add3A_1270 = arith.addi %add3A_1267, %add3A_1269 : vector<16xi32>
      %gather3A_1271 = tpu.vector_load_idx %arg12[%add3A_1231, %add3A_1270] : memref<32x17xf32, #tpu.memory_space<vmem>>[vector<16xi32>, vector<16xi32>], vector<16xf32>,
      %add3A_1272 = arith.addf %add3A_1255, %gather3A_1271 : vector<16xf32>
      %broadcast_in_dim3A_1273 = arith.constant 0 : i32
      %broadcast_in_dim3A_1274 = vector.broadcast %broadcast_in_dim3A_1273 : i32 to vector<16xi32>
      %add3A_1275 = arith.constant 6 : i32
      %add3A_1276 = vector.broadcast %add3A_1275 : i32 to vector<16xi32>
      %add3A_1277 = arith.addi %broadcast_in_dim3A_1274, %add3A_1276 : vector<16xi32>
      %gather3A_1278 = tpu.vector_load_idx %arg12[%add3A_1231, %add3A_1277] : memref<32x17xf32, #tpu.memory_space<vmem>>[vector<16xi32>, vector<16xi32>], vector<16xf32>,
      %add3A_1279 = arith.addf %add3A_1262, %gather3A_1278 : vector<16xf32>
      %broadcast_in_dim3A_1280 = arith.constant 0 : i32
      %broadcast_in_dim3A_1281 = vector.broadcast %broadcast_in_dim3A_1280 : i32 to vector<16xi32>
      %add3A_1282 = arith.constant 6 : i32
      %add3A_1283 = vector.broadcast %add3A_1282 : i32 to vector<16xi32>
      %add3A_1284 = arith.addi %broadcast_in_dim3A_1281, %add3A_1283 : vector<16xi32>
      %add3A_1285 = arith.constant 1 : i32
      %add3A_1286 = vector.broadcast %add3A_1285 : i32 to vector<16xi32>
      %add3A_1287 = arith.addi %add3A_1284, %add3A_1286 : vector<16xi32>
      %gather3A_1288 = tpu.vector_load_idx %arg12[%add3A_1231, %add3A_1287] : memref<32x17xf32, #tpu.memory_space<vmem>>[vector<16xi32>, vector<16xi32>], vector<16xf32>,
      %add3A_1289 = arith.addf %add3A_1272, %gather3A_1288 : vector<16xf32>
      %broadcast_in_dim3A_1290 = arith.constant 0 : i32
      %broadcast_in_dim3A_1291 = vector.broadcast %broadcast_in_dim3A_1290 : i32 to vector<16xi32>
      %add3A_1292 = arith.constant 8 : i32
      %add3A_1293 = vector.broadcast %add3A_1292 : i32 to vector<16xi32>
      %add3A_1294 = arith.addi %broadcast_in_dim3A_1291, %add3A_1293 : vector<16xi32>
      %gather3A_1295 = tpu.vector_load_idx %arg12[%add3A_1231, %add3A_1294] : memref<32x17xf32, #tpu.memory_space<vmem>>[vector<16xi32>, vector<16xi32>], vector<16xf32>,
      %add3A_1296 = arith.addf %add3A_1279, %gather3A_1295 : vector<16xf32>
      %broadcast_in_dim3A_1297 = arith.constant 0 : i32
      %broadcast_in_dim3A_1298 = vector.broadcast %broadcast_in_dim3A_1297 : i32 to vector<16xi32>
      %add3A_1299 = arith.constant 8 : i32
      %add3A_1300 = vector.broadcast %add3A_1299 : i32 to vector<16xi32>
      %add3A_1301 = arith.addi %broadcast_in_dim3A_1298, %add3A_1300 : vector<16xi32>
      %add3A_1302 = arith.constant 1 : i32
      %add3A_1303 = vector.broadcast %add3A_1302 : i32 to vector<16xi32>
      %add3A_1304 = arith.addi %add3A_1301, %add3A_1303 : vector<16xi32>
      %gather3A_1305 = tpu.vector_load_idx %arg12[%add3A_1231, %add3A_1304] : memref<32x17xf32, #tpu.memory_space<vmem>>[vector<16xi32>, vector<16xi32>], vector<16xf32>,
      %add3A_1306 = arith.addf %add3A_1289, %gather3A_1305 : vector<16xf32>
      %broadcast_in_dim3A_1307 = arith.constant 0 : i32
      %broadcast_in_dim3A_1308 = vector.broadcast %broadcast_in_dim3A_1307 : i32 to vector<16xi32>
      %add3A_1309 = arith.constant 10 : i32
      %add3A_1310 = vector.broadcast %add3A_1309 : i32 to vector<16xi32>
      %add3A_1311 = arith.addi %broadcast_in_dim3A_1308, %add3A_1310 : vector<16xi32>
      %gather3A_1312 = tpu.vector_load_idx %arg12[%add3A_1231, %add3A_1311] : memref<32x17xf32, #tpu.memory_space<vmem>>[vector<16xi32>, vector<16xi32>], vector<16xf32>,
      %add3A_1313 = arith.addf %add3A_1296, %gather3A_1312 : vector<16xf32>
      %broadcast_in_dim3A_1314 = arith.constant 0 : i32
      %broadcast_in_dim3A_1315 = vector.broadcast %broadcast_in_dim3A_1314 : i32 to vector<16xi32>
      %add3A_1316 = arith.constant 10 : i32
      %add3A_1317 = vector.broadcast %add3A_1316 : i32 to vector<16xi32>
      %add3A_1318 = arith.addi %broadcast_in_dim3A_1315, %add3A_1317 : vector<16xi32>
      %add3A_1319 = arith.constant 1 : i32
      %add3A_1320 = vector.broadcast %add3A_1319 : i32 to vector<16xi32>
      %add3A_1321 = arith.addi %add3A_1318, %add3A_1320 : vector<16xi32>
      %gather3A_1322 = tpu.vector_load_idx %arg12[%add3A_1231, %add3A_1321] : memref<32x17xf32, #tpu.memory_space<vmem>>[vector<16xi32>, vector<16xi32>], vector<16xf32>,
      %add3A_1323 = arith.addf %add3A_1306, %gather3A_1322 : vector<16xf32>
      %broadcast_in_dim3A_1324 = arith.constant 0 : i32
      %broadcast_in_dim3A_1325 = vector.broadcast %broadcast_in_dim3A_1324 : i32 to vector<16xi32>
      %add3A_1326 = arith.constant 12 : i32
      %add3A_1327 = vector.broadcast %add3A_1326 : i32 to vector<16xi32>
      %add3A_1328 = arith.addi %broadcast_in_dim3A_1325, %add3A_1327 : vector<16xi32>
      %gather3A_1329 = tpu.vector_load_idx %arg12[%add3A_1231, %add3A_1328] : memref<32x17xf32, #tpu.memory_space<vmem>>[vector<16xi32>, vector<16xi32>], vector<16xf32>,
      %add3A_1330 = arith.addf %add3A_1313, %gather3A_1329 : vector<16xf32>
      %broadcast_in_dim3A_1331 = arith.constant 0 : i32
      %broadcast_in_dim3A_1332 = vector.broadcast %broadcast_in_dim3A_1331 : i32 to vector<16xi32>
      %add3A_1333 = arith.constant 12 : i32
      %add3A_1334 = vector.broadcast %add3A_1333 : i32 to vector<16xi32>
      %add3A_1335 = arith.addi %broadcast_in_dim3A_1332, %add3A_1334 : vector<16xi32>
      %add3A_1336 = arith.constant 1 : i32
      %add3A_1337 = vector.broadcast %add3A_1336 : i32 to vector<16xi32>
      %add3A_1338 = arith.addi %add3A_1335, %add3A_1337 : vector<16xi32>
      %gather3A_1339 = tpu.vector_load_idx %arg12[%add3A_1231, %add3A_1338] : memref<32x17xf32, #tpu.memory_space<vmem>>[vector<16xi32>, vector<16xi32>], vector<16xf32>,
      %add3A_1340 = arith.addf %add3A_1323, %gather3A_1339 : vector<16xf32>
      %broadcast_in_dim3A_1341 = arith.constant 0 : i32
      %broadcast_in_dim3A_1342 = vector.broadcast %broadcast_in_dim3A_1341 : i32 to vector<16xi32>
      %add3A_1343 = arith.constant 14 : i32
      %add3A_1344 = vector.broadcast %add3A_1343 : i32 to vector<16xi32>
      %add3A_1345 = arith.addi %broadcast_in_dim3A_1342, %add3A_1344 : vector<16xi32>
      %gather3A_1346 = tpu.vector_load_idx %arg12[%add3A_1231, %add3A_1345] : memref<32x17xf32, #tpu.memory_space<vmem>>[vector<16xi32>, vector<16xi32>], vector<16xf32>,
      %add3A_1347 = arith.addf %add3A_1330, %gather3A_1346 : vector<16xf32>
      %broadcast_in_dim3A_1348 = arith.constant 0 : i32
      %broadcast_in_dim3A_1349 = vector.broadcast %broadcast_in_dim3A_1348 : i32 to vector<16xi32>
      %add3A_1350 = arith.constant 14 : i32
      %add3A_1351 = vector.broadcast %add3A_1350 : i32 to vector<16xi32>
      %add3A_1352 = arith.addi %broadcast_in_dim3A_1349, %add3A_1351 : vector<16xi32>
      %add3A_1353 = arith.constant 1 : i32
      %add3A_1354 = vector.broadcast %add3A_1353 : i32 to vector<16xi32>
      %add3A_1355 = arith.addi %add3A_1352, %add3A_1354 : vector<16xi32>
      %gather3A_1356 = tpu.vector_load_idx %arg12[%add3A_1231, %add3A_1355] : memref<32x17xf32, #tpu.memory_space<vmem>>[vector<16xi32>, vector<16xi32>], vector<16xf32>,
      %add3A_1357 = arith.addf %add3A_1340, %gather3A_1356 : vector<16xf32>
      %add3A_1358 = arith.addf %add3A_1347, %add3A_1357 : vector<16xf32>
      %neg3A = arith.constant 0.000000e+00 : f32
      %neg3A_1359 = vector.broadcast %neg3A : f32 to vector<16xf32>
      %neg3A_1360 = arith.subf %neg3A_1359, %add3A_1358 : vector<16xf32>
      %exp3A = math.exp %neg3A_1360 : vector<16xf32>
      %add3A_1361 = arith.constant 1.000000e+00 : f32
      %add3A_1362 = vector.broadcast %add3A_1361 : f32 to vector<16xf32>
      %add3A_1363 = arith.addf %add3A_1362, %exp3A : vector<16xf32>
      %div3A = arith.constant 1.000000e+00 : f32
      %div3A_1364 = vector.broadcast %div3A : f32 to vector<16xf32>
      %div3A_1365 = arith.divf %div3A_1364, %add3A_1363 : vector<16xf32>
      %mul3A_1366 = arith.constant 128 : i32
      %mul3A_1367 = arith.muli %scan3A_63, %mul3A_1366 : i32
      %add3A_1368 = arith.constant 112 : i32
      %add3A_1369 = arith.addi %mul3A_1367, %add3A_1368 : i32
      %swap3A_1370 = arith.index_cast %add3A_1369 : i32 to index
      %swap3A_1371 = tpu.vector_load %arg11[%swap3A_1370] {strides = array<i32>} : memref<512xf32, #tpu.memory_space<vmem>>, vector<16xf32>,
      tpu.vector_store %arg11[%swap3A_1370], %div3A_1365 {strides = array<i32>} : memref<512xf32, #tpu.memory_space<vmem>>, vector<16xf32>,
      %add3A_1372 = arith.constant 3 : i32
      %add3A_1373 = arith.addi %scan3A_63, %add3A_1372 : i32
      %lt3A_1374 = arith.constant 4 : i32
      %lt3A_1375 = arith.cmpi slt, %add3A_1373, %lt3A_1374 : i32
      %convert_element_type3A = arith.extui %lt3A_1375 : i1 to i32
      %cond3A = arith.constant 0 : i32
      %cond3A_1376 = arith.cmpi ne, %convert_element_type3A, %cond3A : i32
      scf.if %cond3A_1376 {
        %add3A_1378 = arith.constant 3 : i32
        %add3A_1379 = arith.addi %scan3A_63, %add3A_1378 : i32
        %mul3A_1380 = arith.constant 128 : i32
        %mul3A_1381 = arith.muli %add3A_1379, %mul3A_1380 : i32
        %dma_start3A_1382 = arith.constant 0 : i32
        %dma_start3A_1383 = tpu.memref_slice %arg9[%mul3A_75, %dma_start3A_1382] : memref<384x128xf32, #tpu.memory_space<vmem>> -> memref<128x128xf32, #tpu.memory_space<vmem>>
        %dma_start3A_1384 = tpu.memref_slice %arg7[%mul3A_1381] : memref<512xi32, #tpu.memory_space<vmem>> -> memref<128xi32, #tpu.memory_space<vmem>>
        %dma_start3A_1385 = arith.constant 0 : i32
        %dma_start3A_1386 = arith.constant 0 : i32
        %dma_start3A_1387 = tpu.memref_slice %arg4[%dma_start3A_1385, %dma_start3A_1386] : memref<100000x128xf32, #tpu.memory_space<hbm>> -> memref<100000x128xf32, #tpu.memory_space<hbm>>
        tpu.enqueue_indirect_dma source(%dma_start3A_1387 : memref<100000x128xf32, #tpu.memory_space<hbm>>) target(%dma_start3A_1383 : memref<128x128xf32, #tpu.memory_space<vmem>>) offsets(%dma_start3A_1384 : memref<128xi32, #tpu.memory_space<vmem>>) semaphore(%arg13 : memref<!tpu.dma_semaphore, #tpu.memory_space<semaphore_mem>>)
        %add3A_1388 = arith.constant 3 : i32
        %add3A_1389 = arith.addi %scan3A_63, %add3A_1388 : i32
        %mul3A_1390 = arith.constant 128 : i32
        %mul3A_1391 = arith.muli %add3A_1389, %mul3A_1390 : i32
        %dma_start3A_1392 = arith.constant 0 : i32
        %dma_start3A_1393 = tpu.memref_slice %arg10[%mul3A_75, %dma_start3A_1392] : memref<384x128xf32, #tpu.memory_space<vmem>> -> memref<128x128xf32, #tpu.memory_space<vmem>>
        %dma_start3A_1394 = tpu.memref_slice %arg8[%mul3A_1391] : memref<512xi32, #tpu.memory_space<vmem>> -> memref<128xi32, #tpu.memory_space<vmem>>
        %dma_start3A_1395 = arith.constant 0 : i32
        %dma_start3A_1396 = arith.constant 0 : i32
        %dma_start3A_1397 = tpu.memref_slice %arg5[%dma_start3A_1395, %dma_start3A_1396] : memref<100000x128xf32, #tpu.memory_space<hbm>> -> memref<100000x128xf32, #tpu.memory_space<hbm>>
        tpu.enqueue_indirect_dma source(%dma_start3A_1397 : memref<100000x128xf32, #tpu.memory_space<hbm>>) target(%dma_start3A_1393 : memref<128x128xf32, #tpu.memory_space<vmem>>) offsets(%dma_start3A_1394 : memref<128xi32, #tpu.memory_space<vmem>>) semaphore(%arg14 : memref<!tpu.dma_semaphore, #tpu.memory_space<semaphore_mem>>)
      } else {
      }
      %scan3A_1377 = arith.constant 0 : i32
      scf.yield %scan3A_1377 : i32
    }
    %scan3A_62 = arith.constant 4 : i32
    "tpu.region"() ({
      %run_scoped3A = tpu.sem_alloc : memref<!tpu.dma_semaphore, #tpu.memory_space<semaphore_mem>>
      %dma_start3A_63 = tpu.memref_slice %arg6[%mul3A_2] : memref<16384xf32, #tpu.memory_space<hbm>> -> memref<512xf32, #tpu.memory_space<hbm>>
      %dma_start3A_64 = tpu.memref_slice %arg6[%mul3A_2] : memref<16384xf32, #tpu.memory_space<hbm>> -> memref<512xf32, #tpu.memory_space<hbm>>
      tpu.enqueue_dma source(%arg11 : memref<512xf32, #tpu.memory_space<vmem>>) target(%dma_start3A_64 : memref<512xf32, #tpu.memory_space<hbm>>) target_semaphore(%run_scoped3A : memref<!tpu.dma_semaphore, #tpu.memory_space<semaphore_mem>>)
      %dma_wait3A_65 = tpu.memref_slice %arg6[%mul3A_2] : memref<16384xf32, #tpu.memory_space<hbm>> -> memref<512xf32, #tpu.memory_space<hbm>>
      %dma_wait3A_66 = tpu.memref_slice %arg6[%mul3A_2] : memref<16384xf32, #tpu.memory_space<hbm>> -> memref<512xf32, #tpu.memory_space<hbm>>
      tpu.wait_dma2 semaphore(%run_scoped3A : memref<!tpu.dma_semaphore, #tpu.memory_space<semaphore_mem>>) src(%arg11 : memref<512xf32, #tpu.memory_space<vmem>>) dst(%dma_wait3A_66 : memref<512xf32, #tpu.memory_space<hbm>>)
      tpu.yield
    }) : () -> ()
    return
  }
}

</mosaic_0001>

<sc_bundles>
// kernel: _gmf.3.cloned.1.call-start
scs
__scs_entry_jumppad:
0x0: {  	(pc) =	sbr.rel $0x88, $3  }
0x1: {  	(tag) =	ssettag $0x0;
	lr =	simm.s32 $0x1  }
0x2: {  	[smem:$0x3F9D] =	sst lr;
	_ =	strace $0xD0000000  }
0x3: {  	_ = 	snop  }
0x4: {  	_ = 	snop  }
0x5: {  	_ = 	snop  }
0x6: {  	_ = 	snop  }
0x7: {  	_ = 	snop  }
__scs_overlays_trampoline_lowered:
0x8: {  	[smem:$0x3FAC] =	sst s0  }
0x9: {  	[smem:$0x3FAD] =	sst s1  }
0xa: {  	[smem:$0x3FAE] =	sst s2  }
0xb: {  	[smem:$0x3FAF] =	sst s3  }
0xc: {  	[smem:$0x3FB0] =	sst s4  }
0xd: {  	[smem:$0x3FB1] =	sst s5  }
0xe: {  	[smem:$0x3FB2] =	sst s6  }
0xf: {  	[smem:$0x3FB3] =	sst s7  }
0x10: {  	[smem:$0x3FB4] =	sst s8  }
0x11: {  	[smem:$0x3FB5] =	sst s9;
	s0 =	simm.s32 @!p0 $0x0  }
0x12: {  	s1 =	sld [smem:$0x3F9B];
	s0 =	simm.s32 @p0 $0x1  }
0x13: {  	[smem:$0x3FB6] =	sst s0;
	s0 =	simm.s32 @!p1 $0x0  }
0x14: {  	s2 =	sld [smem:$0x3F9A];
	s0 =	simm.s32 @p1 $0x1  }
0x15: {  	[smem:$0x3FB7] =	sst s0;
	s0 =	simm.s32 @!p2 $0x0  }
0x16: {  	s3 =	sld [smem:$0x3FDB];
	s0 =	simm.s32 @p2 $0x1  }
0x17: {  	s4 =	simm.s32 $0x1BF5;
	[smem:$0x3FB9] =	sst s0  }
0x18: {  	s0 =	sld [smem:$0x3F9C];
	_ =	swait.ge [sflag:s4], $0x0  }
0x19: {  	s7 =	sld [smem:$0x3F9D]  }
0x1a: {  	s8 =	sadd.s32 $0xFFFFE003, lr  }
0x1b: {  	s9 =	sadd.s32 $0xFFFFFEF7, lr;
	s5 =	simm.s32 $0xFFFFFFFF;
	p2 =	slt.u32 s8, $0xFFFFF086  }
0x1c: {  	p1 =	slt.u32 s9, $0xF7A;
	s5 =	simm.s32 @!p2 $0x0  }
0x1d: {  	s5 =	simm.s32 @p1 $0x1;
	p0 =	seq.s32 s7, s2  }
0x1e: {  	s7 =	smul.u32 @!p0 $0xF7A, s2;
	p2 =	seq.s32 @!p0 s5, $0x0  }
0x1f: {  	s9 =	smul.u32 $0xF7A, s1;
	s8 =	simm.s32 @!p0 $0x1BF5;
	p2 =	por !p2, p0  }
0x20: {  	[sflag:s8] =	ssyncset.s32 @!p0 $0xFFFFF086;
	s6 =	sadd.s32 @!p0 s3, s7;
	s7 =	simm.s32 @!p0 $0x108  }
0x21: {  	s3 =	sadd.s32 s3, s9;
	s6 =	sadd.s32 @!p0 $0x88, s6;
	s7 =	simm.s32 @p2 $0x1082  }
0x22: {  	[simem:s7], [sflag:s8] =	dma.local @!p0 [hbm:s6], $0xF7A  }
0x23: {  	s9 =	sor.u32 $0xD0000000, s2;
	s6 =	simm.s32 $0x108;
	_ =	swait.ge @!p0 [sflag:s8], $0x0  }
0x24: {  	s3 =	sadd.s32 $0x88, s3;
	s6 =	simm.s32 @!p1 $0x1082;
	[sflag:s4] =	ssyncset.s32 $0xFFFFF086  }
0x25: {  	[simem:s6], [sflag:s4] =	dma.local [hbm:s3], $0xF7A  }
0x26: {  	[smem:$0x3F9D] =	sst s1;
	(tag) =	ssettag s2;
	_ =	strace s9  }
0x27: {  	s1 =	sld [smem:$0x3FAD]  }
0x28: {  	s2 =	sld [smem:$0x3FAE]  }
0x29: {  	s4 =	sld [smem:$0x3FB0]  }
0x2a: {  	p0 =	seq.s32 s5, $0x0;
	s5 =	sld [smem:$0x3FB1]  }
0x2b: {  	s6 =	sld [smem:$0x3FB2]  }
0x2c: {  	s7 =	sld [smem:$0x3FB3]  }
0x2d: {  	s3 =	simm.s32 $0x108;
	s8 =	sld [smem:$0x3FB4]  }
0x2e: {  	s3 =	simm.s32 @!p0 $0x1082;
	s9 =	sld [smem:$0x3FB5]  }
0x2f: {  	lr =	sadd.s32 s0, s3;
	s0 =	sld [smem:$0x3FAC]  }
0x30: {  	s3 =	sld [smem:$0x3FAF]  }
0x31: {  	[smem:$0x3FB8] =	sst s10  }
0x32: {  	s10 =	sld [smem:$0x3FB6];
	_ =	sdelay $0x3  }
0x33: {  	p0 =	seq.s32 s10, $0x1;
	s10 =	sld [smem:$0x3FB8];
	_ =	sdelay $0x3  }
0x34: {  	[smem:$0x3FB8] =	sst s10  }
0x35: {  	s10 =	sld [smem:$0x3FB7];
	_ =	sdelay $0x3  }
0x36: {  	p1 =	seq.s32 s10, $0x1;
	s10 =	sld [smem:$0x3FB8];
	_ =	sdelay $0x3  }
0x37: {  	[smem:$0x3FB8] =	sst s10  }
0x38: {  	s10 =	sld [smem:$0x3FB9]  }
0x39: {  	_ = 	snop;
	(pc) =	sbr.ind lr, $3  }
0x3a: {  	_ = 	snop  }
0x3b: {  	_ = 	snop  }
0x3c: {  	p2 =	seq.s32 s10, $0x1;
	s10 =	sld [smem:$0x3FB8]  }
0x3d: {  	_ =	shalt  }
0x3e: {  	_ =	shalt  }
0x3f: {  	_ =	shalt  }
0x40: {  	_ =	shalt  }
0x41: {  	_ =	shalt  }
0x42: {  	_ =	shalt  }
0x43: {  	_ =	shalt  }
0x44: {  	_ =	shalt  }
0x45: {  	_ =	shalt  }
0x46: {  	_ =	shalt  }
0x47: {  	_ =	shalt  }
0x48: {  	_ =	shalt  }
0x49: {  	_ =	shalt  }
0x4a: {  	_ =	shalt  }
0x4b: {  	_ =	shalt  }
0x4c: {  	_ =	shalt  }
0x4d: {  	_ =	shalt  }
0x4e: {  	_ =	shalt  }
0x4f: {  	_ =	shalt  }
0x50: {  	_ =	shalt  }
0x51: {  	_ =	shalt  }
0x52: {  	_ =	shalt  }
0x53: {  	_ =	shalt  }
0x54: {  	_ =	shalt  }
0x55: {  	_ =	shalt  }
0x56: {  	_ =	shalt  }
0x57: {  	_ =	shalt  }
0x58: {  	_ =	shalt  }
0x59: {  	_ =	shalt  }
0x5a: {  	_ =	shalt  }
0x5b: {  	_ =	shalt  }
0x5c: {  	_ =	shalt  }
0x5d: {  	_ =	shalt  }
0x5e: {  	_ =	shalt  }
0x5f: {  	_ =	shalt  }
0x60: {  	_ =	shalt  }
0x61: {  	_ =	shalt  }
0x62: {  	_ =	shalt  }
0x63: {  	_ =	shalt  }
0x64: {  	_ =	shalt  }
0x65: {  	_ =	shalt  }
0x66: {  	_ =	shalt  }
0x67: {  	_ =	shalt  }
0x68: {  	_ =	shalt  }
0x69: {  	_ =	shalt  }
0x6a: {  	_ =	shalt  }
0x6b: {  	_ =	shalt  }
0x6c: {  	_ =	shalt  }
0x6d: {  	_ =	shalt  }
0x6e: {  	_ =	shalt  }
0x6f: {  	_ =	shalt  }
0x70: {  	_ =	shalt  }
0x71: {  	_ =	shalt  }
0x72: {  	_ =	shalt  }
0x73: {  	_ =	shalt  }
0x74: {  	_ =	shalt  }
0x75: {  	_ =	shalt  }
0x76: {  	_ =	shalt  }
0x77: {  	_ =	shalt  }
0x78: {  	_ =	shalt  }
0x79: {  	_ =	shalt  }
0x7a: {  	_ =	shalt  }
0x7b: {  	_ =	shalt  }
0x7c: {  	_ =	shalt  }
0x7d: {  	_ =	shalt  }
0x7e: {  	_ =	shalt  }
0x7f: {  	_ =	shalt  }
0x80: {  	_ =	shalt  }
0x81: {  	_ =	shalt  }
0x82: {  	_ =	shalt  }
0x83: {  	_ =	shalt  }
0x84: {  	_ =	shalt  }
0x85: {  	_ =	shalt  }
0x86: {  	_ =	shalt  }
0x87: {  	_ =	shalt  }
.Lfunc_end0:
.L_simem_size_0:
called_computation_lowered:
.L_overlay_start_0:
0x88: {  	s2 =	sld [smem:$0x3FD9]  }
0x89: {  	s3 =	sld [smem:$0x3FFE];
	_ =	sdelay $0x1  }
0x8a: {  	s1 =	srdreg.scid  }
0x8b: {  	s0 =	sand.u32 $0x1, s1  }
0x8c: {  	s18 =	sshll.u32 s0, $0xA;
	s2 =	sadd.s32 s3, s2  }
0x8d: {  	s2 =	sadd.s32 s2, s18  }
0x8e: {  	[smem:$0x3FC4] =	sst s2  }
0x8f: {  	_ = 	snop  }
0x90: {  	s2 =	sld [smem:$0x3FC9]  }
0x91: {  	s19 =	sld [smem:$0x3FC8]  }
0x92: {  	s4 =	sld [smem:$0x3FC7]  }
0x93: {  	s5 =	sld [smem:$0x3FC6]  }
0x94: {  	s6 =	sld [smem:$0x3FD0];
	(tm) =	ssettm $0x1  }
0x95: {  	s7 =	sld [smem:$0x3FFB];
	_ =	sdelay $0x3  }
0x96: {  	_ =	strace s7  }
0x97: {  	s7 =	sld [smem:$0x3FFC];
	_ =	sdelay $0x3  }
0x98: {  	_ =	strace s7  }
0x99: {  	s7 =	sld [smem:$0x3FFD];
	_ =	sdelay $0x3  }
0x9a: {  	_ =	strace s7  }
0x9b: {  	_ =	strace $0x8FFFFFFF  }
0x9c: {  	s20 =	sld [smem:$0x3FDB];
	_ =	sdelay $0x1  }
0x9d: {  	s8 =	simm.s32 $_scs_section_size  }
0x9e: {  	s9 =	simm.s32 $_size__tile_overlayer_lowered;
	s10 =	simm.s32 $_tile_overlayer_lowered  }
0x9f: {  	s23 =	simm.s32 $0x1BFF;
	s22 =	sshll.u32 s10, $0x1;
	s7 =	sadd.s32 s8, s20  }
0xa0: {  	s11 =	simm.s32 $0x0;
	s21 =	sshll.u32 s9, $0x1;
	s9 =	sadd.s32 s22, s7  }
0xa1: {  	[timem:s11], [sflag:s23] =	dma.local [hbm:s9], s21  }
0xa2: {  	_ =	swait.ge [sflag:s23], s21  }
0xa3: {  	s8 =	ssub.s32 $0x0, s21;
	[sflag:s23] =	ssyncset.done $0x0  }
0xa4: {  	[sflag:s23] =	ssyncadd.s32 s8;
	_ =	sdelay $0x1  }
0xa5: {  	s24 =	simm.s32 $0x1B8B  }
0xa6: {  	_ =	swait.ge [sflag:s24], $0x1  }
0xa7: {  	[sflag:s24] =	ssyncset.done $0x0  }
0xa8: {  	s25 =	simm.s32 $0x1B8E;
	[sflag:s24] =	ssyncadd.s32 $0xFFFFFFFF  }
0xa9: {  	s26 =	simm.s32 $execute0_lowered;
	[smem:$0x3FD2] =	sst s25  }
0xaa: {  	s8 =	sshll.u32 s26, $0x1;
	_ =	strace $0x80000046;
	[dreg:$0x1] =	wrdreg $0xFFFFFFFF  }
0xab: {  	s28 =	simm.s32 $_size_execute0_lowered;
	s7 =	sadd.s32 s7, s8;
	[dreg:$0x0] =	wrdreg $0x0  }
0xac: {  	s8 =	sshll.u32 s28, $0x1;
	[dreg:$0x2] =	wrdreg s7  }
0xad: {  	[dreg:$0x3] =	wrdreg s8  }
0xae: {  	[dreg:$0x4] =	wrdreg $0xC0  }
0xaf: {  	_ =	task [dreg:s11], $0x5FFFF  }
0xb0: {  	[dreg:$0x1] =	wrdreg $0xFFFFFFFF  }
0xb1: {  	[dreg:$0x0] =	wrdreg $0x60  }
0xb2: {  	[dreg:$0x2] =	wrdreg s2  }
0xb3: {  	[dreg:$0x3] =	wrdreg s19  }
0xb4: {  	[dreg:$0x4] =	wrdreg s4  }
0xb5: {  	[dreg:$0x5] =	wrdreg s5  }
0xb6: {  	[dreg:$0x6] =	wrdreg s6  }
0xb7: {  	[dreg:$0x7] =	wrdreg $0x9  }
0xb8: {  	_ =	task.clear_ibuf [dreg:s11], $0x8FFFF;
	_ =	strace $0x90000046  }
0xb9: {  	s29 =	simm.s32 $0x9;
	_ =	strace $0x80000048  }
0xba: {  	_ =	swait.ge [sflag:s29], $0x1  }
0xbb: {  	[sflag:s29] =	ssyncadd.s32 $0xFFFFFFFF  }
0xbc: {  	_ =	strace $0x90000048  }
0xbd: {  	_ =	sfence  }
0xbe: {  	s30 =	sld [smem:$0x0];
	_ =	sdelay $0x2  }
0xbf: {  	s31 =	sshll.u32 s1, $0xD;
	s1 =	sshrl.u32 s1, $0x2  }
0xc0: {  	s3 =	sand.u32 $0x4000, s31;
	s1 =	sadd.s32 s1, s30  }
0xc1: {  	s0 =	sor.u32 s3, s0;
	s1 =	sshll.u32 s1, $0x11  }
0xc2: {  	s0 =	sor.u32 s1, s0  }
0xc3: {  	s0 =	sadd.s32 $0x8F2B, s0  }
0xc4: {  	[sflag:s0] =	ssyncadd.remote.s32 $0x1  }
0xc5: {  	_ =	sfence.sel $0xFFFF  }
0xc6: {  	[dreg:$0x0] =	wrdreg $0xFFFFFFFF;
	(pc) =	sbr.abs _section_cstart, $3  }
0xc7: {  	[dreg:$0x1] =	wrdreg $0xFFFFFFFF  }
0xc8: {  	_ =	task.clear_ibuf [dreg:s11], $0x2FFFF;
	_ =	strace $0x9FFFFFFF  }
0xc9: {  	(tm) =	ssettm $0x7FFFFFFF  }
tec
execute0_lowered:
.L_overlay_start_1:
0x0: {  	(tag) =	ssettag $0x1  }
0x1: {  	s0 =	rddreg [dreg:$0x0]  }
0x2: {  	s3 =	rddreg [dreg:$0x1]  }
0x3: {  	s1 =	rddreg [dreg:$0x2]  }
0x4: {  	s2 =	rddreg [dreg:$0x3]  }
0x5: {  	s7 =	rddreg [dreg:$0x4]  }
0x6: {  	s5 =	srdreg.scid;
	s4 =	simm.s32 $0x0;
	s9 =	stileid.u32  }
0x7: {  	s10 =	simm.s32 $0x1;
	s11 =	simm.s32 $0x2;
	s12 =	simm.s32 $0x80  }
0x8: {  	v0 =	vlaneseq.u32;
	s13 =	simm.s32 $0x400;
	s14 =	simm.s32 $0xC400;
	s15 =	simm.s32 $0x4400  }
0x9: {  	s16 =	simm.s32 $0x280;
	s17 =	simm.s32 $0x10400;
	s18 =	simm.s32 $0x100;
	v0 =	vmul.u32 $0x80, v0  }
0xa: {  	s19 =	simm.s32 $0x8400;
	s20 =	simm.s32 $0x300;
	s21 =	simm.s32 $0x14400  }
0xb: {  	s22 =	simm.s32 $0x18600;
	s23 =	simm.s32 $0x18400;
	s24 =	simm.s32 $0x3;
	v1 =	vor.u32 $0x800, v0  }
0xc: {  	s25 =	simm.s32 $0x0;
	s5 =	sand.u32 $0x1, s5;
	[smem:$0x7FF] =	sst s4;
	v2 =	vor.u32 $0x801, v0;
	v3 =	vor.u32 $0x802, v0;
	v4 =	vor.u32 $0x803, v0  }
0xd: {  	s9 =	sshll.u32 s9, $0x7;
	s6 =	ssub.s32 $0x2, s5;
	s5 =	sshll.u32 s5, $0x6;
	v5 =	vor.u32 $0x804, v0;
	v6 =	vor.u32 $0x805, v0;
	v7 =	vor.u32 $0x806, v0  }
0xe: {  	_ =	strace $0x80000047;
	s8 =	sshrl.u32 s6, $0x1;
	s9 =	sor.u32 s5, s9;
	v8 =	vor.u32 $0x807, v0;
	v9 =	vor.u32 $0x808, v0;
	v10 =	vor.u32 $0x809, v0  }
0xf: {  	v11 =	vor.u32 $0x80A, v0;
	v12 =	vor.u32 $0x80B, v0;
	v13 =	vor.u32 $0x80C, v0;
	s8 =	ssub.s32 s6, s8;
	s5 =	sadd.s32 s0, s9;
	s6 =	sadd.s32 s3, s9  }
0x10: {  	v14 =	vor.u32 $0x80D, v0;
	v15 =	vor.u32 $0x80E, v0;
	v16 =	vor.u32 $0x80F, v0;
	s7 =	sadd.s32 s7, s9;
	s9 =	simm.s32 $0x200;
	s8 =	smax.u32 s8, $0x1  }
.LBB2_1:
0x11: {  	[tilespmem:s4], [sflag:$0x1] =	stream.linear.gather [hbm4b:s5+s4], $0x200, $0x38;
	[tilespmem:$0x19600] =	vst v63  }
0x12: {  	_ = 	snop  }
0x13: {  	[tilespmem:s9], [sflag:$0x2] =	stream.linear.gather [hbm4b:s6+s4], $0x200, $0x38;
	[tilespmem:$0x19600] =	vst v63  }
0x14: {  	_ =	swait.ge [sflag:s10], $0x200  }
0x15: {  	[sflag:s10] =	ssyncset.done $0x0  }
0x16: {  	[sflag:s10] =	ssyncadd.s32 $0xFFFFFE00  }
0x17: {  	_ =	swait.ge [sflag:s11], $0x200  }
0x18: {  	[sflag:s11] =	ssyncset.done $0x0  }
0x19: {  	[sflag:s11] =	ssyncadd.s32 $0xFFFFFE00  }
0x1a: {  	[tilespmem:s13], [sflag:$0x1] =	stream.indirect.gather [hbm4b:s1+s12], $0x80, s4, s12, $0xb8;
	[tilespmem:$0x19600] =	vst v63  }
0x1b: {  	_ = 	snop  }
0x1c: {  	[tilespmem:s14], [sflag:$0x2] =	stream.indirect.gather [hbm4b:s2+s12], $0x80, s9, s12, $0xb8;
	[tilespmem:$0x19600] =	vst v63  }
0x1d: {  	_ = 	snop  }
0x1e: {  	[tilespmem:s15], [sflag:$0x1] =	stream.indirect.gather [hbm4b:s1+s12], $0x80, s12, s12, $0xb8;
	[tilespmem:$0x19600] =	vst v63  }
0x1f: {  	_ = 	snop  }
0x20: {  	[tilespmem:s17], [sflag:$0x2] =	stream.indirect.gather [hbm4b:s2+s12], $0x80, s16, s12, $0xb8;
	[tilespmem:$0x19600] =	vst v63  }
0x21: {  	_ = 	snop  }
0x22: {  	[tilespmem:s19], [sflag:$0x1] =	stream.indirect.gather [hbm4b:s1+s12], $0x80, s18, s12, $0xb8;
	[tilespmem:$0x19600] =	vst v63  }
0x23: {  	s26 =	simm.s32 $0x0  }
0x24: {  	[tilespmem:s21], [sflag:$0x2] =	stream.indirect.gather [hbm4b:s2+s12], $0x80, s20, s12, $0xb8;
	[tilespmem:$0x19600] =	vst v63  }
.LBB2_2:
0x25: {  	_ =	swait.ge [sflag:s10], $0x4000  }
0x26: {  	[sflag:s10] =	ssyncset.done $0x0  }
0x27: {  	[sflag:s10] =	ssyncadd.s32 $0xFFFFC000  }
0x28: {  	_ =	swait.ge [sflag:s11], $0x4000  }
0x29: {  	p0 =	seq.s32 s26, $0x3;
	s0 =	sshll.u32 s26, $0xE;
	[sflag:s11] =	ssyncset.done $0x0  }
0x2a: {  	s0 =	simm.s32 @p0 $0x0;
	[sflag:s11] =	ssyncadd.s32 $0xFFFFC000  }
0x2b: {  	v17 =	vld [tilespmem:s0+$0x400]  }
0x2c: {  	v18 =	vld [tilespmem:s0+$0x410]  }
0x2d: {  	v19 =	vld [tilespmem:s0+$0x420]  }
0x2e: {  	v20 =	vld [tilespmem:s0+$0x430]  }
0x2f: {  	v21 =	vld [tilespmem:s0+$0x440]  }
0x30: {  	v22 =	vld [tilespmem:s0+$0x450]  }
0x31: {  	v23 =	vld [tilespmem:s0+$0x460]  }
0x32: {  	v24 =	vld [tilespmem:s0+$0x470]  }
0x33: {  	v25 =	vld [tilespmem:s0+$0xC400]  }
0x34: {  	v26 =	vld [tilespmem:s0+$0xC410]  }
0x35: {  	v27 =	vld [tilespmem:s0+$0xC420]  }
0x36: {  	v28 =	vld [tilespmem:s0+$0xC430]  }
0x37: {  	v29 =	vld [tilespmem:s0+$0xC440]  }
0x38: {  	v30 =	vld [tilespmem:s0+$0xC450]  }
0x39: {  	v31 =	vld [tilespmem:s0+$0xC460]  }
0x3a: {  	v32 =	vld [tilespmem:s0+$0xC470]  }
0x3b: {  	v33 =	vld [tilespmem:s0+$0x480]  }
0x3c: {  	v34 =	vld [tilespmem:s0+$0x490]  }
0x3d: {  	v35 =	vld [tilespmem:s0+$0x4A0]  }
0x3e: {  	v36 =	vld [tilespmem:s0+$0x4B0]  }
0x3f: {  	v37 =	vld [tilespmem:s0+$0x4C0];
	v17 =	vmul.f32 v25, v17;
	v19 =	vmul.f32 v27, v19  }
0x40: {  	v38 =	vld [tilespmem:s0+$0x4D0];
	v18 =	vmul.f32 v26, v18;
	v20 =	vmul.f32 v28, v20  }
0x41: {  	v49 =	vld [tilespmem:s0+$0x4E0];
	v17 =	vadd.f32 v19, v17  }
0x42: {  	v50 =	vld [tilespmem:s0+$0x4F0];
	v19 =	vmul.f32 v29, v21;
	v18 =	vadd.f32 v20, v18;
	v20 =	vmul.f32 v30, v22  }
0x43: {  	v51 =	vld [tilespmem:s0+$0xC480];
	v53 =	vmul.f32 v32, v24  }
0x44: {  	v52 =	vld [tilespmem:s0+$0xC490];
	v17 =	vadd.f32 v19, v17;
	v18 =	vadd.f32 v20, v18;
	v20 =	vmul.f32 v31, v23  }
0x45: {  	v54 =	vld [tilespmem:s0+$0xC4B0]  }
0x46: {  	v55 =	vld [tilespmem:s0+$0xC4C0];
	v17 =	vadd.f32 v20, v17;
	v18 =	vadd.f32 v53, v18  }
0x47: {  	v56 =	vld [tilespmem:s0+$0xC4E0]  }
0x48: {  	v19 =	vld [tilespmem:s0+$0xC4A0];
	v17 =	vadd.f32 v18, v17  }
0x49: {  	v20 =	vld [tilespmem:s0+$0xC4D0]  }
0x4a: {  	v18 =	vld [tilespmem:s0+$0xC4F0];
	[tilespmem:$0x18600] =	vst v17  }
0x4b: {  	v17 =	vld [tilespmem:s0+$0x500]  }
0x4c: {  	v57 =	vld [tilespmem:s0+$0x510]  }
0x4d: {  	v58 =	vld [tilespmem:s0+$0x520]  }
0x4e: {  	v59 =	vld [tilespmem:s0+$0x530]  }
0x4f: {  	v24 =	vmul.f32 v54, v36;
	v21 =	vmul.f32 v51, v33;
	v60 =	vld [tilespmem:s0+$0x540]  }
0x50: {  	v22 =	vmul.f32 v52, v34;
	v19 =	vmul.f32 v19, v35;
	v61 =	vld [tilespmem:s0+$0x550]  }
0x51: {  	v39 =	vmul.f32 v55, v37;
	v62 =	vld [tilespmem:s0+$0x560]  }
0x52: {  	v22 =	vadd.f32 v24, v22;
	v63 =	vld [tilespmem:s0+$0x570];
	v19 =	vadd.f32 v19, v21;
	v20 =	vmul.f32 v20, v38  }
0x53: {  	v43 =	vmul.f32 v56, v49;
	v40 =	vld [tilespmem:s0+$0xC500]  }
0x54: {  	v41 =	vld [tilespmem:s0+$0xC510];
	v19 =	vadd.f32 v39, v19;
	v20 =	vadd.f32 v20, v22;
	v18 =	vmul.f32 v18, v50  }
0x55: {  	v42 =	vld [tilespmem:s0+$0xC520]  }
0x56: {  	v44 =	vld [tilespmem:s0+$0xC530];
	v19 =	vadd.f32 v43, v19;
	v18 =	vadd.f32 v18, v20  }
0x57: {  	v45 =	vld [tilespmem:s0+$0xC540]  }
0x58: {  	v46 =	vld [tilespmem:s0+$0xC560];
	v18 =	vadd.f32 v18, v19  }
0x59: {  	v20 =	vld [tilespmem:s0+$0xC550]  }
0x5a: {  	v19 =	vld [tilespmem:s0+$0xC570];
	[tilespmem:$0x18680] =	vst v18  }
0x5b: {  	v18 =	vld [tilespmem:s0+$0x580]  }
0x5c: {  	v47 =	vld [tilespmem:s0+$0x590]  }
0x5d: {  	v48 =	vld [tilespmem:s0+$0x5A0]  }
0x5e: {  	v49 =	vld [tilespmem:s0+$0x5B0]  }
0x5f: {  	v17 =	vmul.f32 v40, v17;
	v21 =	vmul.f32 v42, v58;
	v50 =	vld [tilespmem:s0+$0x5C0]  }
0x60: {  	v24 =	vmul.f32 v41, v57;
	v23 =	vmul.f32 v44, v59;
	v51 =	vld [tilespmem:s0+$0x5D0]  }
0x61: {  	v54 =	vmul.f32 v45, v60;
	v52 =	vld [tilespmem:s0+$0x5E0]  }
0x62: {  	v17 =	vadd.f32 v21, v17;
	v23 =	vadd.f32 v23, v24;
	v53 =	vld [tilespmem:s0+$0x5F0];
	v20 =	vmul.f32 v20, v61  }
0x63: {  	v22 =	vmul.f32 v46, v62;
	v55 =	vld [tilespmem:s0+$0xC580]  }
0x64: {  	v56 =	vld [tilespmem:s0+$0xC590];
	v17 =	vadd.f32 v54, v17;
	v20 =	vadd.f32 v20, v23;
	v19 =	vmul.f32 v19, v63  }
0x65: {  	v57 =	vld [tilespmem:s0+$0xC5A0]  }
0x66: {  	v58 =	vld [tilespmem:s0+$0xC5B0];
	v17 =	vadd.f32 v22, v17;
	v19 =	vadd.f32 v19, v20  }
0x67: {  	v59 =	vld [tilespmem:s0+$0xC5C0]  }
0x68: {  	v60 =	vld [tilespmem:s0+$0xC5E0];
	v17 =	vadd.f32 v19, v17  }
0x69: {  	v20 =	vld [tilespmem:s0+$0xC5D0]  }
0x6a: {  	v19 =	vld [tilespmem:s0+$0xC5F0];
	[tilespmem:$0x18700] =	vst v17  }
0x6b: {  	v17 =	vld [tilespmem:s0+$0x600]  }
0x6c: {  	v61 =	vld [tilespmem:s0+$0x610]  }
0x6d: {  	v62 =	vld [tilespmem:s0+$0x620]  }
0x6e: {  	v63 =	vld [tilespmem:s0+$0x630]  }
0x6f: {  	v18 =	vmul.f32 v55, v18;
	v21 =	vmul.f32 v57, v48;
	v40 =	vld [tilespmem:s0+$0x640]  }
0x70: {  	v24 =	vmul.f32 v56, v47;
	v23 =	vmul.f32 v58, v49;
	v41 =	vld [tilespmem:s0+$0x650]  }
0x71: {  	v44 =	vmul.f32 v59, v50;
	v42 =	vld [tilespmem:s0+$0x660]  }
0x72: {  	v18 =	vadd.f32 v21, v18;
	v23 =	vadd.f32 v23, v24;
	v43 =	vld [tilespmem:s0+$0x670];
	v20 =	vmul.f32 v20, v51  }
0x73: {  	v22 =	vmul.f32 v60, v52;
	v45 =	vld [tilespmem:s0+$0xC600]  }
0x74: {  	v46 =	vld [tilespmem:s0+$0xC610];
	v18 =	vadd.f32 v44, v18;
	v20 =	vadd.f32 v20, v23;
	v19 =	vmul.f32 v19, v53  }
0x75: {  	v47 =	vld [tilespmem:s0+$0xC620]  }
0x76: {  	v48 =	vld [tilespmem:s0+$0xC630];
	v18 =	vadd.f32 v22, v18;
	v19 =	vadd.f32 v19, v20  }
0x77: {  	v49 =	vld [tilespmem:s0+$0xC640]  }
0x78: {  	v50 =	vld [tilespmem:s0+$0xC660];
	v18 =	vadd.f32 v19, v18  }
0x79: {  	v20 =	vld [tilespmem:s0+$0xC650]  }
0x7a: {  	v19 =	vld [tilespmem:s0+$0xC670];
	[tilespmem:$0x18780] =	vst v18  }
0x7b: {  	v18 =	vld [tilespmem:s0+$0x680]  }
0x7c: {  	v51 =	vld [tilespmem:s0+$0x690]  }
0x7d: {  	v52 =	vld [tilespmem:s0+$0x6A0]  }
0x7e: {  	v53 =	vld [tilespmem:s0+$0x6B0]  }
0x7f: {  	v17 =	vmul.f32 v45, v17;
	v21 =	vmul.f32 v47, v62;
	v54 =	vld [tilespmem:s0+$0x6C0]  }
0x80: {  	v24 =	vmul.f32 v46, v61;
	v23 =	vmul.f32 v48, v63;
	v55 =	vld [tilespmem:s0+$0x6D0]  }
0x81: {  	v58 =	vmul.f32 v49, v40;
	v56 =	vld [tilespmem:s0+$0x6E0]  }
0x82: {  	v17 =	vadd.f32 v21, v17;
	v23 =	vadd.f32 v23, v24;
	v57 =	vld [tilespmem:s0+$0x6F0];
	v20 =	vmul.f32 v20, v41  }
0x83: {  	v22 =	vmul.f32 v50, v42;
	v59 =	vld [tilespmem:s0+$0xC680]  }
0x84: {  	v60 =	vld [tilespmem:s0+$0xC690];
	v17 =	vadd.f32 v58, v17;
	v20 =	vadd.f32 v20, v23;
	v19 =	vmul.f32 v19, v43  }
0x85: {  	v61 =	vld [tilespmem:s0+$0xC6A0]  }
0x86: {  	v62 =	vld [tilespmem:s0+$0xC6B0];
	v17 =	vadd.f32 v22, v17;
	v19 =	vadd.f32 v19, v20  }
0x87: {  	v63 =	vld [tilespmem:s0+$0xC6C0]  }
0x88: {  	v39 =	vld [tilespmem:s0+$0xC6E0];
	v17 =	vadd.f32 v19, v17  }
0x89: {  	v20 =	vld [tilespmem:s0+$0xC6D0]  }
0x8a: {  	v19 =	vld [tilespmem:s0+$0xC6F0];
	[tilespmem:$0x18800] =	vst v17  }
0x8b: {  	v17 =	vld [tilespmem:s0+$0x700]  }
0x8c: {  	v40 =	vld [tilespmem:s0+$0x710]  }
0x8d: {  	v41 =	vld [tilespmem:s0+$0x720]  }
0x8e: {  	v42 =	vld [tilespmem:s0+$0x730]  }
0x8f: {  	v18 =	vmul.f32 v59, v18;
	v21 =	vmul.f32 v61, v52;
	v43 =	vld [tilespmem:s0+$0x740]  }
0x90: {  	v24 =	vmul.f32 v60, v51;
	v23 =	vmul.f32 v62, v53;
	v44 =	vld [tilespmem:s0+$0x750]  }
0x91: {  	v47 =	vmul.f32 v63, v54;
	v45 =	vld [tilespmem:s0+$0x760]  }
0x92: {  	v18 =	vadd.f32 v21, v18;
	v23 =	vadd.f32 v23, v24;
	v46 =	vld [tilespmem:s0+$0x770];
	v20 =	vmul.f32 v20, v55  }
0x93: {  	v22 =	vmul.f32 v39, v56;
	v48 =	vld [tilespmem:s0+$0xC700]  }
0x94: {  	v49 =	vld [tilespmem:s0+$0xC710];
	v18 =	vadd.f32 v47, v18;
	v20 =	vadd.f32 v20, v23;
	v19 =	vmul.f32 v19, v57  }
0x95: {  	v50 =	vld [tilespmem:s0+$0xC720]  }
0x96: {  	v51 =	vld [tilespmem:s0+$0xC730];
	v18 =	vadd.f32 v22, v18;
	v19 =	vadd.f32 v19, v20  }
0x97: {  	v52 =	vld [tilespmem:s0+$0xC740]  }
0x98: {  	v53 =	vld [tilespmem:s0+$0xC760];
	v18 =	vadd.f32 v19, v18  }
0x99: {  	v20 =	vld [tilespmem:s0+$0xC750]  }
0x9a: {  	v19 =	vld [tilespmem:s0+$0xC770];
	[tilespmem:$0x18880] =	vst v18  }
0x9b: {  	v18 =	vld [tilespmem:s0+$0x780]  }
0x9c: {  	v54 =	vld [tilespmem:s0+$0x790]  }
0x9d: {  	v55 =	vld [tilespmem:s0+$0x7A0]  }
0x9e: {  	v56 =	vld [tilespmem:s0+$0x7B0]  }
0x9f: {  	v17 =	vmul.f32 v48, v17;
	v21 =	vmul.f32 v50, v41;
	v57 =	vld [tilespmem:s0+$0x7C0]  }
0xa0: {  	v24 =	vmul.f32 v49, v40;
	v23 =	vmul.f32 v51, v42;
	v58 =	vld [tilespmem:s0+$0x7D0]  }
0xa1: {  	v61 =	vmul.f32 v52, v43;
	v59 =	vld [tilespmem:s0+$0x7E0]  }
0xa2: {  	v17 =	vadd.f32 v21, v17;
	v23 =	vadd.f32 v23, v24;
	v60 =	vld [tilespmem:s0+$0x7F0];
	v20 =	vmul.f32 v20, v44  }
0xa3: {  	v22 =	vmul.f32 v53, v45;
	v62 =	vld [tilespmem:s0+$0xC780]  }
0xa4: {  	v63 =	vld [tilespmem:s0+$0xC790];
	v17 =	vadd.f32 v61, v17;
	v20 =	vadd.f32 v20, v23;
	v19 =	vmul.f32 v19, v46  }
0xa5: {  	v39 =	vld [tilespmem:s0+$0xC7A0]  }
0xa6: {  	v40 =	vld [tilespmem:s0+$0xC7B0];
	v17 =	vadd.f32 v22, v17;
	v19 =	vadd.f32 v19, v20  }
0xa7: {  	v41 =	vld [tilespmem:s0+$0xC7C0]  }
0xa8: {  	v42 =	vld [tilespmem:s0+$0xC7E0];
	v17 =	vadd.f32 v19, v17  }
0xa9: {  	v20 =	vld [tilespmem:s0+$0xC7D0]  }
0xaa: {  	v19 =	vld [tilespmem:s0+$0xC7F0];
	[tilespmem:$0x18900] =	vst v17  }
0xab: {  	v17 =	vld [tilespmem:s0+$0x800]  }
0xac: {  	v43 =	vld [tilespmem:s0+$0x810]  }
0xad: {  	v44 =	vld [tilespmem:s0+$0x820]  }
0xae: {  	v45 =	vld [tilespmem:s0+$0x830]  }
0xaf: {  	v18 =	vmul.f32 v62, v18;
	v21 =	vmul.f32 v39, v55;
	v46 =	vld [tilespmem:s0+$0x840]  }
0xb0: {  	v24 =	vmul.f32 v63, v54;
	v23 =	vmul.f32 v40, v56;
	v47 =	vld [tilespmem:s0+$0x850]  }
0xb1: {  	v50 =	vmul.f32 v41, v57;
	v48 =	vld [tilespmem:s0+$0x860]  }
0xb2: {  	v18 =	vadd.f32 v21, v18;
	v23 =	vadd.f32 v23, v24;
	v49 =	vld [tilespmem:s0+$0x870];
	v20 =	vmul.f32 v20, v58  }
0xb3: {  	v22 =	vmul.f32 v42, v59;
	v51 =	vld [tilespmem:s0+$0xC800]  }
0xb4: {  	v52 =	vld [tilespmem:s0+$0xC810];
	v18 =	vadd.f32 v50, v18;
	v20 =	vadd.f32 v20, v23;
	v19 =	vmul.f32 v19, v60  }
0xb5: {  	v53 =	vld [tilespmem:s0+$0xC820]  }
0xb6: {  	v54 =	vld [tilespmem:s0+$0xC830];
	v18 =	vadd.f32 v22, v18;
	v19 =	vadd.f32 v19, v20  }
0xb7: {  	v55 =	vld [tilespmem:s0+$0xC840]  }
0xb8: {  	v56 =	vld [tilespmem:s0+$0xC860];
	v18 =	vadd.f32 v19, v18  }
0xb9: {  	v20 =	vld [tilespmem:s0+$0xC850]  }
0xba: {  	v19 =	vld [tilespmem:s0+$0xC870];
	[tilespmem:$0x18980] =	vst v18  }
0xbb: {  	v18 =	vld [tilespmem:s0+$0x880]  }
0xbc: {  	v57 =	vld [tilespmem:s0+$0x890]  }
0xbd: {  	v58 =	vld [tilespmem:s0+$0x8A0]  }
0xbe: {  	v59 =	vld [tilespmem:s0+$0x8B0]  }
0xbf: {  	v17 =	vmul.f32 v51, v17;
	v21 =	vmul.f32 v53, v44;
	v60 =	vld [tilespmem:s0+$0x8C0]  }
0xc0: {  	v24 =	vmul.f32 v52, v43;
	v23 =	vmul.f32 v54, v45;
	v61 =	vld [tilespmem:s0+$0x8D0]  }
0xc1: {  	v33 =	vmul.f32 v55, v46;
	v62 =	vld [tilespmem:s0+$0x8E0]  }
0xc2: {  	v17 =	vadd.f32 v21, v17;
	v23 =	vadd.f32 v23, v24;
	v63 =	vld [tilespmem:s0+$0x8F0];
	v20 =	vmul.f32 v20, v47  }
0xc3: {  	v22 =	vmul.f32 v56, v48;
	v39 =	vld [tilespmem:s0+$0xC880]  }
0xc4: {  	v40 =	vld [tilespmem:s0+$0xC890];
	v17 =	vadd.f32 v33, v17;
	v20 =	vadd.f32 v20, v23;
	v19 =	vmul.f32 v19, v49  }
0xc5: {  	v41 =	vld [tilespmem:s0+$0xC8A0]  }
0xc6: {  	v42 =	vld [tilespmem:s0+$0xC8B0];
	v17 =	vadd.f32 v22, v17;
	v19 =	vadd.f32 v19, v20  }
0xc7: {  	v43 =	vld [tilespmem:s0+$0xC8C0]  }
0xc8: {  	v44 =	vld [tilespmem:s0+$0xC8E0];
	v17 =	vadd.f32 v19, v17  }
0xc9: {  	v20 =	vld [tilespmem:s0+$0xC8D0]  }
0xca: {  	v19 =	vld [tilespmem:s0+$0xC8F0];
	[tilespmem:$0x18A00] =	vst v17  }
0xcb: {  	v17 =	vld [tilespmem:s0+$0x900]  }
0xcc: {  	v45 =	vld [tilespmem:s0+$0x910]  }
0xcd: {  	v46 =	vld [tilespmem:s0+$0x920]  }
0xce: {  	v47 =	vld [tilespmem:s0+$0x930]  }
0xcf: {  	v18 =	vmul.f32 v39, v18;
	v21 =	vmul.f32 v41, v58;
	v48 =	vld [tilespmem:s0+$0x940]  }
0xd0: {  	v24 =	vmul.f32 v40, v57;
	v23 =	vmul.f32 v42, v59;
	v49 =	vld [tilespmem:s0+$0x950]  }
0xd1: {  	v52 =	vmul.f32 v43, v60;
	v50 =	vld [tilespmem:s0+$0x960]  }
0xd2: {  	v18 =	vadd.f32 v21, v18;
	v23 =	vadd.f32 v23, v24;
	v51 =	vld [tilespmem:s0+$0x970];
	v20 =	vmul.f32 v20, v61  }
0xd3: {  	v22 =	vmul.f32 v44, v62;
	v53 =	vld [tilespmem:s0+$0xC900]  }
0xd4: {  	v54 =	vld [tilespmem:s0+$0xC910];
	v18 =	vadd.f32 v52, v18;
	v20 =	vadd.f32 v20, v23;
	v19 =	vmul.f32 v19, v63  }
0xd5: {  	v55 =	vld [tilespmem:s0+$0xC920]  }
0xd6: {  	v56 =	vld [tilespmem:s0+$0xC930];
	v18 =	vadd.f32 v22, v18;
	v19 =	vadd.f32 v19, v20  }
0xd7: {  	v57 =	vld [tilespmem:s0+$0xC940]  }
0xd8: {  	v58 =	vld [tilespmem:s0+$0xC960];
	v18 =	vadd.f32 v19, v18  }
0xd9: {  	v20 =	vld [tilespmem:s0+$0xC950]  }
0xda: {  	v19 =	vld [tilespmem:s0+$0xC970];
	[tilespmem:$0x18A80] =	vst v18  }
0xdb: {  	v18 =	vld [tilespmem:s0+$0x980]  }
0xdc: {  	v59 =	vld [tilespmem:s0+$0x990]  }
0xdd: {  	v60 =	vld [tilespmem:s0+$0x9A0]  }
0xde: {  	v61 =	vld [tilespmem:s0+$0x9B0]  }
0xdf: {  	v17 =	vmul.f32 v53, v17;
	v21 =	vmul.f32 v55, v46;
	v62 =	vld [tilespmem:s0+$0x9C0]  }
0xe0: {  	v24 =	vmul.f32 v54, v45;
	v23 =	vmul.f32 v56, v47;
	v63 =	vld [tilespmem:s0+$0x9D0]  }
0xe1: {  	v41 =	vmul.f32 v57, v48;
	v39 =	vld [tilespmem:s0+$0x9E0]  }
0xe2: {  	v17 =	vadd.f32 v21, v17;
	v23 =	vadd.f32 v23, v24;
	v40 =	vld [tilespmem:s0+$0x9F0];
	v20 =	vmul.f32 v20, v49  }
0xe3: {  	v22 =	vmul.f32 v58, v50;
	v42 =	vld [tilespmem:s0+$0xC980]  }
0xe4: {  	v43 =	vld [tilespmem:s0+$0xC990];
	v17 =	vadd.f32 v41, v17;
	v20 =	vadd.f32 v20, v23;
	v19 =	vmul.f32 v19, v51  }
0xe5: {  	v44 =	vld [tilespmem:s0+$0xC9A0]  }
0xe6: {  	v45 =	vld [tilespmem:s0+$0xC9B0];
	v17 =	vadd.f32 v22, v17;
	v19 =	vadd.f32 v19, v20  }
0xe7: {  	v46 =	vld [tilespmem:s0+$0xC9C0]  }
0xe8: {  	v47 =	vld [tilespmem:s0+$0xC9E0];
	v17 =	vadd.f32 v19, v17  }
0xe9: {  	v20 =	vld [tilespmem:s0+$0xC9D0]  }
0xea: {  	v19 =	vld [tilespmem:s0+$0xC9F0];
	[tilespmem:$0x18B00] =	vst v17  }
0xeb: {  	v17 =	vld [tilespmem:s0+$0xA00]  }
0xec: {  	v48 =	vld [tilespmem:s0+$0xA10]  }
0xed: {  	v49 =	vld [tilespmem:s0+$0xA20]  }
0xee: {  	v50 =	vld [tilespmem:s0+$0xA30]  }
0xef: {  	v18 =	vmul.f32 v42, v18;
	v21 =	vmul.f32 v44, v60;
	v51 =	vld [tilespmem:s0+$0xA40]  }
0xf0: {  	v24 =	vmul.f32 v43, v59;
	v23 =	vmul.f32 v45, v61;
	v52 =	vld [tilespmem:s0+$0xA50]  }
0xf1: {  	v55 =	vmul.f32 v46, v62;
	v53 =	vld [tilespmem:s0+$0xA60]  }
0xf2: {  	v18 =	vadd.f32 v21, v18;
	v23 =	vadd.f32 v23, v24;
	v54 =	vld [tilespmem:s0+$0xA70];
	v20 =	vmul.f32 v20, v63  }
0xf3: {  	v22 =	vmul.f32 v47, v39;
	v56 =	vld [tilespmem:s0+$0xCA00]  }
0xf4: {  	v57 =	vld [tilespmem:s0+$0xCA10];
	v18 =	vadd.f32 v55, v18;
	v20 =	vadd.f32 v20, v23;
	v19 =	vmul.f32 v19, v40  }
0xf5: {  	v58 =	vld [tilespmem:s0+$0xCA20]  }
0xf6: {  	v59 =	vld [tilespmem:s0+$0xCA30];
	v18 =	vadd.f32 v22, v18;
	v19 =	vadd.f32 v19, v20  }
0xf7: {  	v60 =	vld [tilespmem:s0+$0xCA40]  }
0xf8: {  	v61 =	vld [tilespmem:s0+$0xCA60];
	v18 =	vadd.f32 v19, v18  }
0xf9: {  	v20 =	vld [tilespmem:s0+$0xCA50]  }
0xfa: {  	v19 =	vld [tilespmem:s0+$0xCA70];
	[tilespmem:$0x18B80] =	vst v18  }
0xfb: {  	v18 =	vld [tilespmem:s0+$0xA80]  }
0xfc: {  	v62 =	vld [tilespmem:s0+$0xA90]  }
0xfd: {  	v63 =	vld [tilespmem:s0+$0xAA0]  }
0xfe: {  	v40 =	vld [tilespmem:s0+$0xAB0]  }
0xff: {  	v17 =	vmul.f32 v56, v17;
	v21 =	vmul.f32 v58, v49;
	v41 =	vld [tilespmem:s0+$0xAC0]  }
0x100: {  	v24 =	vmul.f32 v57, v48;
	v23 =	vmul.f32 v59, v50;
	v42 =	vld [tilespmem:s0+$0xAD0]  }
0x101: {  	v45 =	vmul.f32 v60, v51;
	v43 =	vld [tilespmem:s0+$0xAE0]  }
0x102: {  	v17 =	vadd.f32 v21, v17;
	v23 =	vadd.f32 v23, v24;
	v44 =	vld [tilespmem:s0+$0xAF0];
	v20 =	vmul.f32 v20, v52  }
0x103: {  	v22 =	vmul.f32 v61, v53;
	v46 =	vld [tilespmem:s0+$0xCA80]  }
0x104: {  	v47 =	vld [tilespmem:s0+$0xCA90];
	v17 =	vadd.f32 v45, v17;
	v20 =	vadd.f32 v20, v23;
	v19 =	vmul.f32 v19, v54  }
0x105: {  	v48 =	vld [tilespmem:s0+$0xCAA0]  }
0x106: {  	v49 =	vld [tilespmem:s0+$0xCAB0];
	v17 =	vadd.f32 v22, v17;
	v19 =	vadd.f32 v19, v20  }
0x107: {  	v50 =	vld [tilespmem:s0+$0xCAC0]  }
0x108: {  	v51 =	vld [tilespmem:s0+$0xCAE0];
	v17 =	vadd.f32 v19, v17  }
0x109: {  	v20 =	vld [tilespmem:s0+$0xCAD0]  }
0x10a: {  	v19 =	vld [tilespmem:s0+$0xCAF0];
	[tilespmem:$0x18C00] =	vst v17  }
0x10b: {  	v17 =	vld [tilespmem:s0+$0xB00]  }
0x10c: {  	v52 =	vld [tilespmem:s0+$0xB10]  }
0x10d: {  	v31 =	vld [tilespmem:s0+$0xB20]  }
0x10e: {  	v53 =	vld [tilespmem:s0+$0xB30]  }
0x10f: {  	v18 =	vmul.f32 v46, v18;
	v21 =	vmul.f32 v48, v63;
	v54 =	vld [tilespmem:s0+$0xB40]  }
0x110: {  	v24 =	vmul.f32 v47, v62;
	v23 =	vmul.f32 v49, v40;
	v55 =	vld [tilespmem:s0+$0xB50]  }
0x111: {  	v56 =	vmul.f32 v50, v41;
	v29 =	vld [tilespmem:s0+$0xB60]  }
0x112: {  	v18 =	vadd.f32 v21, v18;
	v23 =	vadd.f32 v23, v24;
	v30 =	vld [tilespmem:s0+$0xB70];
	v20 =	vmul.f32 v20, v42  }
0x113: {  	v22 =	vmul.f32 v51, v43;
	v57 =	vld [tilespmem:s0+$0xCB00]  }
0x114: {  	v58 =	vld [tilespmem:s0+$0xCB10];
	v18 =	vadd.f32 v56, v18;
	v20 =	vadd.f32 v20, v23;
	v19 =	vmul.f32 v19, v44  }
0x115: {  	v59 =	vld [tilespmem:s0+$0xCB20]  }
0x116: {  	v60 =	vld [tilespmem:s0+$0xCB30];
	v18 =	vadd.f32 v22, v18;
	v19 =	vadd.f32 v19, v20  }
0x117: {  	v61 =	vld [tilespmem:s0+$0xCB40]  }
0x118: {  	v62 =	vld [tilespmem:s0+$0xCB60];
	v18 =	vadd.f32 v19, v18  }
0x119: {  	v20 =	vld [tilespmem:s0+$0xCB50]  }
0x11a: {  	v19 =	vld [tilespmem:s0+$0xCB70];
	[tilespmem:$0x18C80] =	vst v18  }
0x11b: {  	v18 =	vld [tilespmem:s0+$0xB80]  }
0x11c: {  	v63 =	vld [tilespmem:s0+$0xB90]  }
0x11d: {  	v48 =	vld [tilespmem:s0+$0xBA0]  }
0x11e: {  	v49 =	vld [tilespmem:s0+$0xBB0]  }
0x11f: {  	v50 =	vld [tilespmem:s0+$0xBC0]  }
0x120: {  	v51 =	vld [tilespmem:s0+$0xBD0]  }
0x121: {  	v39 =	vld [tilespmem:s0+$0xBE0]  }
0x122: {  	v40 =	vld [tilespmem:s0+$0xBF0]  }
0x123: {  	v41 =	vld [tilespmem:s0+$0xCB80]  }
0x124: {  	v42 =	vld [tilespmem:s0+$0xCB90]  }
0x125: {  	v43 =	vld [tilespmem:s0+$0xCBA0]  }
0x126: {  	v17 =	vmul.f32 v57, v17;
	v44 =	vld [tilespmem:s0+$0xCBB0]  }
0x127: {  	v24 =	vmul.f32 v58, v52;
	v21 =	vmul.f32 v59, v31;
	v45 =	vld [tilespmem:s0+$0xCBC0]  }
0x128: {  	v23 =	vmul.f32 v60, v53;
	v25 =	vmul.f32 v61, v54;
	v52 =	vld [tilespmem:s0+$0xCBD0]  }
0x129: {  	v22 =	vmul.f32 v62, v29;
	v53 =	vld [tilespmem:s0+$0xCBE0];
	v20 =	vmul.f32 v20, v55  }
0x12a: {  	v17 =	vadd.f32 v21, v17;
	v54 =	vld [tilespmem:s0+$0xCBF0];
	v18 =	vmul.f32 v41, v18;
	v55 =	vmul.f32 v43, v48  }
0x12b: {  	v56 =	vmul.f32 v42, v63;
	v57 =	vmul.f32 v44, v49  }
0x12c: {  	v23 =	vadd.f32 v23, v24;
	v17 =	vadd.f32 v25, v17;
	v58 =	vmul.f32 v45, v50  }
0x12d: {  	v60 =	vmul.f32 v52, v51;
	v18 =	vadd.f32 v55, v18;
	v59 =	vadd.f32 v57, v56  }
0x12e: {  	v20 =	vadd.f32 v20, v23;
	v19 =	vmul.f32 v19, v30;
	v62 =	vmul.f32 v53, v39  }
0x12f: {  	v63 =	vmul.f32 v54, v40;
	v18 =	vadd.f32 v58, v18;
	v61 =	vadd.f32 v60, v59  }
0x130: {  	v17 =	vadd.f32 v22, v17;
	v19 =	vadd.f32 v19, v20  }
0x131: {  	v18 =	vadd.f32 v62, v18;
	v20 =	vadd.f32 v63, v61  }
0x132: {  	s3 =	sshll.u32 s26, $0x7;
	v17 =	vadd.f32 v19, v17  }
0x133: {  	s30 =	sand.u32 $0x3FFFFF80, s3;
	v18 =	vadd.f32 v20, v18  }
0x134: {  	s3 =	sadd.s32 $0x18400, s30;
	[tilespmem:$0x18D00] =	vst v17  }
0x135: {  	s31 =	simm.s32 $0x0;
	s29 =	sor.u32 $0x400, s0;
	s28 =	sadd.s32 $0xC400, s0;
	v17 =	vmov s3;
	[tilespmem:$0x18D80] =	vst v18;
	v18 =	vmov s0  }
.LBB2_3:
0x136: {  	s0 =	sshll.u32 s31, $0x4  }
0x137: {  	s3 =	sand.u32 $0x10, s0  }
0x138: {  	v19 =	vmov s3  }
0x139: {  	v19 =	vshll.u32 v19, $0x7  }
0x13a: {  	v19 =	vor.u32 v0, v19  }
0x13b: {  	v20 =	vor.u32 $0x1, v19  }
0x13c: {  	v21 =	vor.u32 $0x2, v19  }
0x13d: {  	v22 =	vor.u32 $0x3, v19  }
0x13e: {  	v23 =	vor.u32 $0x4, v19  }
0x13f: {  	v25 =	vor.u32 $0x5, v19;
	v24 =	vld.idx.msk [tilespmem:v19+s22+$0x0], $0xffff  }
0x140: {  	v26 =	vor.u32 $0x6, v19;
	v20 =	vld.idx.msk [tilespmem:v20+s22+$0x0], $0xffff  }
0x141: {  	v27 =	vor.u32 $0x7, v19;
	v21 =	vld.idx.msk [tilespmem:v21+s22+$0x0], $0xffff  }
0x142: {  	v28 =	vor.u32 $0x8, v19;
	v22 =	vld.idx.msk [tilespmem:v22+s22+$0x0], $0xffff  }
0x143: {  	v29 =	vor.u32 $0x9, v19;
	v23 =	vld.idx.msk [tilespmem:v23+s22+$0x0], $0xffff  }
0x144: {  	v30 =	vor.u32 $0xA, v19;
	v25 =	vld.idx.msk [tilespmem:v25+s22+$0x0], $0xffff  }
0x145: {  	v31 =	vor.u32 $0xB, v19;
	v26 =	vld.idx.msk [tilespmem:v26+s22+$0x0], $0xffff  }
0x146: {  	v32 =	vor.u32 $0xC, v19;
	v27 =	vld.idx.msk [tilespmem:v27+s22+$0x0], $0xffff  }
0x147: {  	v45 =	vor.u32 $0xD, v19;
	v44 =	vld.idx.msk [tilespmem:v28+s22+$0x0], $0xffff;
	v21 =	vadd.f32 v21, v24;
	v20 =	vadd.f32 v22, v20  }
0x148: {  	v47 =	vor.u32 $0xE, v19;
	v46 =	vld.idx.msk [tilespmem:v29+s22+$0x0], $0xffff  }
0x149: {  	v19 =	vor.u32 $0xF, v19;
	v48 =	vld.idx.msk [tilespmem:v30+s22+$0x0], $0xffff;
	v21 =	vadd.f32 v23, v21;
	v20 =	vadd.f32 v25, v20  }
0x14a: {  	v49 =	vld.idx.msk [tilespmem:v31+s22+$0x0], $0xffff  }
0x14b: {  	v50 =	vld.idx.msk [tilespmem:v32+s22+$0x0], $0xffff;
	v21 =	vadd.f32 v26, v21;
	v20 =	vadd.f32 v27, v20  }
0x14c: {  	v24 =	vld.idx.msk [tilespmem:v45+s22+$0x0], $0xffff  }
0x14d: {  	v51 =	vld.idx.msk [tilespmem:v47+s22+$0x0], $0xffff;
	v21 =	vadd.f32 v44, v21;
	v20 =	vadd.f32 v46, v20  }
0x14e: {  	v19 =	vld.idx.msk [tilespmem:v19+s22+$0x0], $0xffff  }
0x14f: {  	v21 =	vadd.f32 v48, v21;
	v20 =	vadd.f32 v49, v20;
	_ =	sdelay $0x1  }
0x150: {  	v21 =	vadd.f32 v50, v21;
	v20 =	vadd.f32 v24, v20;
	_ =	sdelay $0x1  }
0x151: {  	v21 =	vadd.f32 v51, v21;
	v19 =	vadd.f32 v19, v20;
	_ =	sdelay $0x1  }
0x152: {  	v19 =	vadd.f32 v19, v21;
	_ =	sdelay $0x1  }
0x153: {  	v19 =	vsub.f32 $0.0e+00, v19;
	_ =	sdelay $0x1  }
0x154: {  	v19 =	vmul.f32 $1.442695020e+00, v19;
	_ =	sdelay $0x1  }
0x155: {  	(erf) = vpow2.f32 v19;
	_ =	sdelay $0x8  }
0x156: {  	v19 =	vpop (erf)  }
0x157: {  	v19 =	vadd.f32 $1.000000000e+00, v19;
	_ =	sdelay $0x1  }
0x158: {  	(erf) = vrcp.f32 v19;
	_ =	sdelay $0x8  }
0x159: {  	s31 =	sadd.s32 $0x1, s31;
	s0 =	sand.u32 $0x3FFFFFF0, s0;
	v19 =	vpop (erf)  }
0x15a: {  	[tilespmem:v17+s0+$0x0 ss:$0x1] =	vst.idx.msk $0xffff, v19;
	s0 =	sshll.u32 s31, $0xB  }
0x15b: {  	v19 =	vld.idx.msk [tilespmem:v18+s0+$0x400 ss:$0x1], $0xffff  }
0x15c: {  	v20 =	vld.idx.msk [tilespmem:v18+s0+$0x410 ss:$0x1], $0xffff  }
0x15d: {  	v52 =	vld.idx.msk [tilespmem:v18+s0+$0x420 ss:$0x1], $0xffff  }
0x15e: {  	v53 =	vld.idx.msk [tilespmem:v18+s0+$0x430 ss:$0x1], $0xffff  }
0x15f: {  	v54 =	vld.idx.msk [tilespmem:v18+s0+$0x440 ss:$0x1], $0xffff  }
0x160: {  	v55 =	vld.idx.msk [tilespmem:v18+s0+$0x450 ss:$0x1], $0xffff  }
0x161: {  	v56 =	vld.idx.msk [tilespmem:v18+s0+$0x460 ss:$0x1], $0xffff  }
0x162: {  	v57 =	vld.idx.msk [tilespmem:v18+s0+$0x470 ss:$0x1], $0xffff  }
0x163: {  	v58 =	vld.idx.msk [tilespmem:v18+s0+$0xC400 ss:$0x1], $0xffff  }
0x164: {  	v59 =	vld.idx.msk [tilespmem:v18+s0+$0xC410 ss:$0x1], $0xffff  }
0x165: {  	v60 =	vld.idx.msk [tilespmem:v18+s0+$0xC420 ss:$0x1], $0xffff  }
0x166: {  	v61 =	vld.idx.msk [tilespmem:v18+s0+$0xC430 ss:$0x1], $0xffff  }
0x167: {  	v62 =	vld.idx.msk [tilespmem:v18+s0+$0xC440 ss:$0x1], $0xffff  }
0x168: {  	v63 =	vld.idx.msk [tilespmem:v18+s0+$0xC450 ss:$0x1], $0xffff  }
0x169: {  	v33 =	vld.idx.msk [tilespmem:v18+s0+$0xC460 ss:$0x1], $0xffff  }
0x16a: {  	v34 =	vld.idx.msk [tilespmem:v18+s0+$0xC470 ss:$0x1], $0xffff  }
0x16b: {  	v35 =	vld.idx.msk [tilespmem:v18+s0+$0x480 ss:$0x1], $0xffff  }
0x16c: {  	v36 =	vld.idx.msk [tilespmem:v18+s0+$0x490 ss:$0x1], $0xffff  }
0x16d: {  	v37 =	vld.idx.msk [tilespmem:v18+s0+$0x4A0 ss:$0x1], $0xffff  }
0x16e: {  	v38 =	vld.idx.msk [tilespmem:v18+s0+$0x4B0 ss:$0x1], $0xffff  }
0x16f: {  	v39 =	vld.idx.msk [tilespmem:v18+s0+$0x4C0 ss:$0x1], $0xffff;
	v19 =	vmul.f32 v58, v19;
	v21 =	vmul.f32 v60, v52  }
0x170: {  	v40 =	vld.idx.msk [tilespmem:v18+s0+$0x4D0 ss:$0x1], $0xffff;
	v20 =	vmul.f32 v59, v20;
	v22 =	vmul.f32 v61, v53  }
0x171: {  	v42 =	vld.idx.msk [tilespmem:v18+s0+$0x4E0 ss:$0x1], $0xffff;
	v49 =	vmul.f32 v62, v54  }
0x172: {  	v43 =	vld.idx.msk [tilespmem:v18+s0+$0x4F0 ss:$0x1], $0xffff;
	v51 =	vmul.f32 v63, v55;
	v19 =	vadd.f32 v21, v19;
	v20 =	vadd.f32 v22, v20  }
0x173: {  	v50 =	vld.idx.msk [tilespmem:v18+s0+$0xC480 ss:$0x1], $0xffff;
	v54 =	vmul.f32 v33, v56  }
0x174: {  	v52 =	vld.idx.msk [tilespmem:v18+s0+$0xC490 ss:$0x1], $0xffff;
	v55 =	vmul.f32 v34, v57;
	v19 =	vadd.f32 v49, v19;
	v20 =	vadd.f32 v51, v20  }
0x175: {  	v53 =	vld.idx.msk [tilespmem:v18+s0+$0xC4A0 ss:$0x1], $0xffff  }
0x176: {  	v56 =	vld.idx.msk [tilespmem:v18+s0+$0xC4B0 ss:$0x1], $0xffff;
	v19 =	vadd.f32 v54, v19;
	v20 =	vadd.f32 v55, v20  }
0x177: {  	v57 =	vld.idx.msk [tilespmem:v18+s0+$0xC4C0 ss:$0x1], $0xffff  }
0x178: {  	v58 =	vld.idx.msk [tilespmem:v18+s0+$0xC4D0 ss:$0x1], $0xffff;
	v19 =	vadd.f32 v20, v19  }
0x179: {  	s3 =	sand.u32 $0x800, s0;
	v59 =	vld.idx.msk [tilespmem:v18+s0+$0xC4E0 ss:$0x1], $0xffff  }
0x17a: {  	v20 =	vld.idx.msk [tilespmem:v18+s0+$0xC4F0 ss:$0x1], $0xffff;
	[tilespmem:s3+$0x18600] =	vst v19  }
0x17b: {  	v19 =	vld.idx.msk [tilespmem:v18+s0+$0x500 ss:$0x1], $0xffff  }
0x17c: {  	v30 =	vld.idx.msk [tilespmem:v18+s0+$0x510 ss:$0x1], $0xffff  }
0x17d: {  	v60 =	vld.idx.msk [tilespmem:v18+s0+$0x520 ss:$0x1], $0xffff  }
0x17e: {  	v61 =	vld.idx.msk [tilespmem:v18+s0+$0x530 ss:$0x1], $0xffff  }
0x17f: {  	v23 =	vmul.f32 v50, v35;
	v21 =	vmul.f32 v53, v37;
	v62 =	vld.idx.msk [tilespmem:v18+s0+$0x540 ss:$0x1], $0xffff  }
0x180: {  	v24 =	vmul.f32 v52, v36;
	v26 =	vmul.f32 v56, v38;
	v63 =	vld.idx.msk [tilespmem:v18+s0+$0x550 ss:$0x1], $0xffff  }
0x181: {  	v44 =	vmul.f32 v57, v39;
	v35 =	vld.idx.msk [tilespmem:v18+s0+$0x560 ss:$0x1], $0xffff  }
0x182: {  	v22 =	vmul.f32 v58, v40;
	v21 =	vadd.f32 v21, v23;
	v24 =	vadd.f32 v26, v24;
	v36 =	vld.idx.msk [tilespmem:v18+s0+$0x570 ss:$0x1], $0xffff  }
0x183: {  	v48 =	vmul.f32 v59, v42;
	v45 =	vld.idx.msk [tilespmem:v18+s0+$0xC500 ss:$0x1], $0xffff  }
0x184: {  	v21 =	vadd.f32 v44, v21;
	v22 =	vadd.f32 v22, v24;
	v46 =	vld.idx.msk [tilespmem:v18+s0+$0xC510 ss:$0x1], $0xffff;
	v20 =	vmul.f32 v20, v43  }
0x185: {  	v47 =	vld.idx.msk [tilespmem:v18+s0+$0xC520 ss:$0x1], $0xffff  }
0x186: {  	v49 =	vld.idx.msk [tilespmem:v18+s0+$0xC530 ss:$0x1], $0xffff;
	v21 =	vadd.f32 v48, v21;
	v20 =	vadd.f32 v20, v22  }
0x187: {  	v50 =	vld.idx.msk [tilespmem:v18+s0+$0xC540 ss:$0x1], $0xffff  }
0x188: {  	v51 =	vld.idx.msk [tilespmem:v18+s0+$0xC550 ss:$0x1], $0xffff;
	v20 =	vadd.f32 v20, v21  }
0x189: {  	v52 =	vld.idx.msk [tilespmem:v18+s0+$0xC560 ss:$0x1], $0xffff  }
0x18a: {  	v53 =	vld.idx.msk [tilespmem:v18+s0+$0xC570 ss:$0x1], $0xffff;
	[tilespmem:s3+$0x18680] =	vst v20  }
0x18b: {  	v20 =	vld.idx.msk [tilespmem:v18+s0+$0x580 ss:$0x1], $0xffff  }
0x18c: {  	v54 =	vld.idx.msk [tilespmem:v18+s0+$0x590 ss:$0x1], $0xffff  }
0x18d: {  	v55 =	vld.idx.msk [tilespmem:v18+s0+$0x5A0 ss:$0x1], $0xffff  }
0x18e: {  	v56 =	vld.idx.msk [tilespmem:v18+s0+$0x5B0 ss:$0x1], $0xffff  }
0x18f: {  	v19 =	vmul.f32 v45, v19;
	v23 =	vmul.f32 v47, v60;
	v57 =	vld.idx.msk [tilespmem:v18+s0+$0x5C0 ss:$0x1], $0xffff  }
0x190: {  	v26 =	vmul.f32 v46, v30;
	v25 =	vmul.f32 v49, v61;
	v58 =	vld.idx.msk [tilespmem:v18+s0+$0x5D0 ss:$0x1], $0xffff  }
0x191: {  	v61 =	vmul.f32 v50, v62;
	v59 =	vld.idx.msk [tilespmem:v18+s0+$0x5E0 ss:$0x1], $0xffff  }
0x192: {  	v22 =	vmul.f32 v51, v63;
	v19 =	vadd.f32 v23, v19;
	v25 =	vadd.f32 v25, v26;
	v60 =	vld.idx.msk [tilespmem:v18+s0+$0x5F0 ss:$0x1], $0xffff  }
0x193: {  	v24 =	vmul.f32 v52, v35;
	v62 =	vld.idx.msk [tilespmem:v18+s0+$0xC580 ss:$0x1], $0xffff  }
0x194: {  	v21 =	vmul.f32 v53, v36;
	v63 =	vld.idx.msk [tilespmem:v18+s0+$0xC590 ss:$0x1], $0xffff;
	v19 =	vadd.f32 v61, v19;
	v22 =	vadd.f32 v22, v25  }
0x195: {  	v41 =	vld.idx.msk [tilespmem:v18+s0+$0xC5A0 ss:$0x1], $0xffff  }
0x196: {  	v42 =	vld.idx.msk [tilespmem:v18+s0+$0xC5B0 ss:$0x1], $0xffff;
	v19 =	vadd.f32 v24, v19;
	v21 =	vadd.f32 v21, v22  }
0x197: {  	v43 =	vld.idx.msk [tilespmem:v18+s0+$0xC5C0 ss:$0x1], $0xffff  }
0x198: {  	v44 =	vld.idx.msk [tilespmem:v18+s0+$0xC5D0 ss:$0x1], $0xffff;
	v19 =	vadd.f32 v21, v19  }
0x199: {  	v45 =	vld.idx.msk [tilespmem:v18+s0+$0xC5E0 ss:$0x1], $0xffff  }
0x19a: {  	v46 =	vld.idx.msk [tilespmem:v18+s0+$0xC5F0 ss:$0x1], $0xffff;
	[tilespmem:s3+$0x18700] =	vst v19  }
0x19b: {  	v19 =	vld.idx.msk [tilespmem:v18+s0+$0x600 ss:$0x1], $0xffff  }
0x19c: {  	v47 =	vld.idx.msk [tilespmem:v18+s0+$0x610 ss:$0x1], $0xffff  }
0x19d: {  	v48 =	vld.idx.msk [tilespmem:v18+s0+$0x620 ss:$0x1], $0xffff  }
0x19e: {  	v49 =	vld.idx.msk [tilespmem:v18+s0+$0x630 ss:$0x1], $0xffff  }
0x19f: {  	v20 =	vmul.f32 v62, v20;
	v23 =	vmul.f32 v41, v55;
	v50 =	vld.idx.msk [tilespmem:v18+s0+$0x640 ss:$0x1], $0xffff  }
0x1a0: {  	v26 =	vmul.f32 v63, v54;
	v25 =	vmul.f32 v42, v56;
	v51 =	vld.idx.msk [tilespmem:v18+s0+$0x650 ss:$0x1], $0xffff  }
0x1a1: {  	v53 =	vmul.f32 v43, v57;
	v27 =	vld.idx.msk [tilespmem:v18+s0+$0x660 ss:$0x1], $0xffff  }
0x1a2: {  	v22 =	vmul.f32 v44, v58;
	v52 =	vld.idx.msk [tilespmem:v18+s0+$0x670 ss:$0x1], $0xffff;
	v20 =	vadd.f32 v23, v20;
	v25 =	vadd.f32 v25, v26  }
0x1a3: {  	v24 =	vmul.f32 v45, v59;
	v54 =	vld.idx.msk [tilespmem:v18+s0+$0xC600 ss:$0x1], $0xffff  }
0x1a4: {  	v21 =	vmul.f32 v46, v60;
	v55 =	vld.idx.msk [tilespmem:v18+s0+$0xC610 ss:$0x1], $0xffff;
	v20 =	vadd.f32 v53, v20;
	v22 =	vadd.f32 v22, v25  }
0x1a5: {  	v56 =	vld.idx.msk [tilespmem:v18+s0+$0xC620 ss:$0x1], $0xffff  }
0x1a6: {  	v57 =	vld.idx.msk [tilespmem:v18+s0+$0xC630 ss:$0x1], $0xffff;
	v20 =	vadd.f32 v24, v20;
	v21 =	vadd.f32 v21, v22  }
0x1a7: {  	v58 =	vld.idx.msk [tilespmem:v18+s0+$0xC640 ss:$0x1], $0xffff  }
0x1a8: {  	v59 =	vld.idx.msk [tilespmem:v18+s0+$0xC650 ss:$0x1], $0xffff;
	v20 =	vadd.f32 v21, v20  }
0x1a9: {  	v60 =	vld.idx.msk [tilespmem:v18+s0+$0xC660 ss:$0x1], $0xffff  }
0x1aa: {  	v61 =	vld.idx.msk [tilespmem:v18+s0+$0xC670 ss:$0x1], $0xffff;
	[tilespmem:s3+$0x18780] =	vst v20  }
0x1ab: {  	v20 =	vld.idx.msk [tilespmem:v18+s0+$0x680 ss:$0x1], $0xffff  }
0x1ac: {  	v30 =	vld.idx.msk [tilespmem:v18+s0+$0x690 ss:$0x1], $0xffff  }
0x1ad: {  	v62 =	vld.idx.msk [tilespmem:v18+s0+$0x6A0 ss:$0x1], $0xffff  }
0x1ae: {  	v63 =	vld.idx.msk [tilespmem:v18+s0+$0x6B0 ss:$0x1], $0xffff  }
0x1af: {  	v19 =	vmul.f32 v54, v19;
	v23 =	vmul.f32 v56, v48;
	v44 =	vld.idx.msk [tilespmem:v18+s0+$0x6C0 ss:$0x1], $0xffff  }
0x1b0: {  	v26 =	vmul.f32 v55, v47;
	v25 =	vmul.f32 v57, v49;
	v45 =	vld.idx.msk [tilespmem:v18+s0+$0x6D0 ss:$0x1], $0xffff  }
0x1b1: {  	v48 =	vmul.f32 v58, v50;
	v46 =	vld.idx.msk [tilespmem:v18+s0+$0x6E0 ss:$0x1], $0xffff  }
0x1b2: {  	v22 =	vmul.f32 v59, v51;
	v19 =	vadd.f32 v23, v19;
	v25 =	vadd.f32 v25, v26;
	v47 =	vld.idx.msk [tilespmem:v18+s0+$0x6F0 ss:$0x1], $0xffff  }
0x1b3: {  	v24 =	vmul.f32 v60, v27;
	v49 =	vld.idx.msk [tilespmem:v18+s0+$0xC680 ss:$0x1], $0xffff  }
0x1b4: {  	v21 =	vmul.f32 v61, v52;
	v50 =	vld.idx.msk [tilespmem:v18+s0+$0xC690 ss:$0x1], $0xffff;
	v19 =	vadd.f32 v48, v19;
	v22 =	vadd.f32 v22, v25  }
0x1b5: {  	v51 =	vld.idx.msk [tilespmem:v18+s0+$0xC6A0 ss:$0x1], $0xffff  }
0x1b6: {  	v52 =	vld.idx.msk [tilespmem:v18+s0+$0xC6B0 ss:$0x1], $0xffff;
	v19 =	vadd.f32 v24, v19;
	v21 =	vadd.f32 v21, v22  }
0x1b7: {  	v53 =	vld.idx.msk [tilespmem:v18+s0+$0xC6C0 ss:$0x1], $0xffff  }
0x1b8: {  	v54 =	vld.idx.msk [tilespmem:v18+s0+$0xC6D0 ss:$0x1], $0xffff;
	v19 =	vadd.f32 v21, v19  }
0x1b9: {  	v55 =	vld.idx.msk [tilespmem:v18+s0+$0xC6E0 ss:$0x1], $0xffff  }
0x1ba: {  	v56 =	vld.idx.msk [tilespmem:v18+s0+$0xC6F0 ss:$0x1], $0xffff;
	[tilespmem:s3+$0x18800] =	vst v19  }
0x1bb: {  	v19 =	vld.idx.msk [tilespmem:v18+s0+$0x700 ss:$0x1], $0xffff  }
0x1bc: {  	v57 =	vld.idx.msk [tilespmem:v18+s0+$0x710 ss:$0x1], $0xffff  }
0x1bd: {  	v58 =	vld.idx.msk [tilespmem:v18+s0+$0x720 ss:$0x1], $0xffff  }
0x1be: {  	v59 =	vld.idx.msk [tilespmem:v18+s0+$0x730 ss:$0x1], $0xffff  }
0x1bf: {  	v20 =	vmul.f32 v49, v20;
	v23 =	vmul.f32 v51, v62;
	v60 =	vld.idx.msk [tilespmem:v18+s0+$0x740 ss:$0x1], $0xffff  }
0x1c0: {  	v26 =	vmul.f32 v50, v30;
	v25 =	vmul.f32 v52, v63;
	v61 =	vld.idx.msk [tilespmem:v18+s0+$0x750 ss:$0x1], $0xffff  }
0x1c1: {  	v62 =	vmul.f32 v53, v44;
	v29 =	vld.idx.msk [tilespmem:v18+s0+$0x760 ss:$0x1], $0xffff  }
0x1c2: {  	v22 =	vmul.f32 v54, v45;
	v30 =	vld.idx.msk [tilespmem:v18+s0+$0x770 ss:$0x1], $0xffff;
	v20 =	vadd.f32 v23, v20;
	v25 =	vadd.f32 v25, v26  }
0x1c3: {  	v24 =	vmul.f32 v55, v46;
	v63 =	vld.idx.msk [tilespmem:v18+s0+$0xC700 ss:$0x1], $0xffff  }
0x1c4: {  	v21 =	vmul.f32 v56, v47;
	v44 =	vld.idx.msk [tilespmem:v18+s0+$0xC710 ss:$0x1], $0xffff;
	v20 =	vadd.f32 v62, v20;
	v22 =	vadd.f32 v22, v25  }
0x1c5: {  	v45 =	vld.idx.msk [tilespmem:v18+s0+$0xC720 ss:$0x1], $0xffff  }
0x1c6: {  	v46 =	vld.idx.msk [tilespmem:v18+s0+$0xC730 ss:$0x1], $0xffff;
	v20 =	vadd.f32 v24, v20;
	v21 =	vadd.f32 v21, v22  }
0x1c7: {  	v47 =	vld.idx.msk [tilespmem:v18+s0+$0xC740 ss:$0x1], $0xffff  }
0x1c8: {  	v48 =	vld.idx.msk [tilespmem:v18+s0+$0xC750 ss:$0x1], $0xffff;
	v20 =	vadd.f32 v21, v20  }
0x1c9: {  	v49 =	vld.idx.msk [tilespmem:v18+s0+$0xC760 ss:$0x1], $0xffff  }
0x1ca: {  	v50 =	vld.idx.msk [tilespmem:v18+s0+$0xC770 ss:$0x1], $0xffff;
	[tilespmem:s3+$0x18880] =	vst v20  }
0x1cb: {  	v20 =	vld.idx.msk [tilespmem:v18+s0+$0x780 ss:$0x1], $0xffff  }
0x1cc: {  	v51 =	vld.idx.msk [tilespmem:v18+s0+$0x790 ss:$0x1], $0xffff  }
0x1cd: {  	v52 =	vld.idx.msk [tilespmem:v18+s0+$0x7A0 ss:$0x1], $0xffff  }
0x1ce: {  	v53 =	vld.idx.msk [tilespmem:v18+s0+$0x7B0 ss:$0x1], $0xffff  }
0x1cf: {  	v19 =	vmul.f32 v63, v19;
	v23 =	vmul.f32 v45, v58;
	v54 =	vld.idx.msk [tilespmem:v18+s0+$0x7C0 ss:$0x1], $0xffff  }
0x1d0: {  	v26 =	vmul.f32 v44, v57;
	v25 =	vmul.f32 v46, v59;
	v55 =	vld.idx.msk [tilespmem:v18+s0+$0x7D0 ss:$0x1], $0xffff  }
0x1d1: {  	v58 =	vmul.f32 v47, v60;
	v56 =	vld.idx.msk [tilespmem:v18+s0+$0x7E0 ss:$0x1], $0xffff  }
0x1d2: {  	v22 =	vmul.f32 v48, v61;
	v19 =	vadd.f32 v23, v19;
	v25 =	vadd.f32 v25, v26;
	v57 =	vld.idx.msk [tilespmem:v18+s0+$0x7F0 ss:$0x1], $0xffff  }
0x1d3: {  	v24 =	vmul.f32 v49, v29;
	v59 =	vld.idx.msk [tilespmem:v18+s0+$0xC780 ss:$0x1], $0xffff  }
0x1d4: {  	v21 =	vmul.f32 v50, v30;
	v60 =	vld.idx.msk [tilespmem:v18+s0+$0xC790 ss:$0x1], $0xffff;
	v19 =	vadd.f32 v58, v19;
	v22 =	vadd.f32 v22, v25  }
0x1d5: {  	v61 =	vld.idx.msk [tilespmem:v18+s0+$0xC7A0 ss:$0x1], $0xffff  }
0x1d6: {  	v62 =	vld.idx.msk [tilespmem:v18+s0+$0xC7B0 ss:$0x1], $0xffff;
	v19 =	vadd.f32 v24, v19;
	v21 =	vadd.f32 v21, v22  }
0x1d7: {  	v63 =	vld.idx.msk [tilespmem:v18+s0+$0xC7C0 ss:$0x1], $0xffff  }
0x1d8: {  	v41 =	vld.idx.msk [tilespmem:v18+s0+$0xC7D0 ss:$0x1], $0xffff;
	v19 =	vadd.f32 v21, v19  }
0x1d9: {  	v42 =	vld.idx.msk [tilespmem:v18+s0+$0xC7E0 ss:$0x1], $0xffff  }
0x1da: {  	v43 =	vld.idx.msk [tilespmem:v18+s0+$0xC7F0 ss:$0x1], $0xffff;
	[tilespmem:s3+$0x18900] =	vst v19  }
0x1db: {  	v19 =	vld.idx.msk [tilespmem:v18+s0+$0x800 ss:$0x1], $0xffff  }
0x1dc: {  	v30 =	vld.idx.msk [tilespmem:v18+s0+$0x810 ss:$0x1], $0xffff  }
0x1dd: {  	v44 =	vld.idx.msk [tilespmem:v18+s0+$0x820 ss:$0x1], $0xffff  }
0x1de: {  	v45 =	vld.idx.msk [tilespmem:v18+s0+$0x830 ss:$0x1], $0xffff  }
0x1df: {  	v20 =	vmul.f32 v59, v20;
	v23 =	vmul.f32 v61, v52;
	v46 =	vld.idx.msk [tilespmem:v18+s0+$0x840 ss:$0x1], $0xffff  }
0x1e0: {  	v26 =	vmul.f32 v60, v51;
	v25 =	vmul.f32 v62, v53;
	v47 =	vld.idx.msk [tilespmem:v18+s0+$0x850 ss:$0x1], $0xffff  }
0x1e1: {  	v50 =	vmul.f32 v63, v54;
	v48 =	vld.idx.msk [tilespmem:v18+s0+$0x860 ss:$0x1], $0xffff  }
0x1e2: {  	v22 =	vmul.f32 v41, v55;
	v49 =	vld.idx.msk [tilespmem:v18+s0+$0x870 ss:$0x1], $0xffff;
	v20 =	vadd.f32 v23, v20;
	v25 =	vadd.f32 v25, v26  }
0x1e3: {  	v24 =	vmul.f32 v42, v56;
	v51 =	vld.idx.msk [tilespmem:v18+s0+$0xC800 ss:$0x1], $0xffff  }
0x1e4: {  	v21 =	vmul.f32 v43, v57;
	v52 =	vld.idx.msk [tilespmem:v18+s0+$0xC810 ss:$0x1], $0xffff;
	v20 =	vadd.f32 v50, v20;
	v22 =	vadd.f32 v22, v25  }
0x1e5: {  	v53 =	vld.idx.msk [tilespmem:v18+s0+$0xC820 ss:$0x1], $0xffff  }
0x1e6: {  	v54 =	vld.idx.msk [tilespmem:v18+s0+$0xC830 ss:$0x1], $0xffff;
	v20 =	vadd.f32 v24, v20;
	v21 =	vadd.f32 v21, v22  }
0x1e7: {  	v55 =	vld.idx.msk [tilespmem:v18+s0+$0xC840 ss:$0x1], $0xffff  }
0x1e8: {  	v56 =	vld.idx.msk [tilespmem:v18+s0+$0xC850 ss:$0x1], $0xffff;
	v20 =	vadd.f32 v21, v20  }
0x1e9: {  	v57 =	vld.idx.msk [tilespmem:v18+s0+$0xC860 ss:$0x1], $0xffff  }
0x1ea: {  	v58 =	vld.idx.msk [tilespmem:v18+s0+$0xC870 ss:$0x1], $0xffff;
	[tilespmem:s3+$0x18980] =	vst v20  }
0x1eb: {  	v20 =	vld.idx.msk [tilespmem:v18+s0+$0x880 ss:$0x1], $0xffff  }
0x1ec: {  	v59 =	vld.idx.msk [tilespmem:v18+s0+$0x890 ss:$0x1], $0xffff  }
0x1ed: {  	v60 =	vld.idx.msk [tilespmem:v18+s0+$0x8A0 ss:$0x1], $0xffff  }
0x1ee: {  	v61 =	vld.idx.msk [tilespmem:v18+s0+$0x8B0 ss:$0x1], $0xffff  }
0x1ef: {  	v19 =	vmul.f32 v51, v19;
	v23 =	vmul.f32 v53, v44;
	v62 =	vld.idx.msk [tilespmem:v18+s0+$0x8C0 ss:$0x1], $0xffff  }
0x1f0: {  	v26 =	vmul.f32 v52, v30;
	v25 =	vmul.f32 v54, v45;
	v63 =	vld.idx.msk [tilespmem:v18+s0+$0x8D0 ss:$0x1], $0xffff  }
0x1f1: {  	v44 =	vmul.f32 v55, v46;
	v42 =	vld.idx.msk [tilespmem:v18+s0+$0x8E0 ss:$0x1], $0xffff  }
0x1f2: {  	v22 =	vmul.f32 v56, v47;
	v19 =	vadd.f32 v23, v19;
	v25 =	vadd.f32 v25, v26;
	v43 =	vld.idx.msk [tilespmem:v18+s0+$0x8F0 ss:$0x1], $0xffff  }
0x1f3: {  	v24 =	vmul.f32 v57, v48;
	v45 =	vld.idx.msk [tilespmem:v18+s0+$0xC880 ss:$0x1], $0xffff  }
0x1f4: {  	v21 =	vmul.f32 v58, v49;
	v46 =	vld.idx.msk [tilespmem:v18+s0+$0xC890 ss:$0x1], $0xffff;
	v19 =	vadd.f32 v44, v19;
	v22 =	vadd.f32 v22, v25  }
0x1f5: {  	v47 =	vld.idx.msk [tilespmem:v18+s0+$0xC8A0 ss:$0x1], $0xffff  }
0x1f6: {  	v48 =	vld.idx.msk [tilespmem:v18+s0+$0xC8B0 ss:$0x1], $0xffff;
	v19 =	vadd.f32 v24, v19;
	v21 =	vadd.f32 v21, v22  }
0x1f7: {  	v49 =	vld.idx.msk [tilespmem:v18+s0+$0xC8C0 ss:$0x1], $0xffff  }
0x1f8: {  	v50 =	vld.idx.msk [tilespmem:v18+s0+$0xC8D0 ss:$0x1], $0xffff;
	v19 =	vadd.f32 v21, v19  }
0x1f9: {  	v51 =	vld.idx.msk [tilespmem:v18+s0+$0xC8E0 ss:$0x1], $0xffff  }
0x1fa: {  	v52 =	vld.idx.msk [tilespmem:v18+s0+$0xC8F0 ss:$0x1], $0xffff;
	[tilespmem:s3+$0x18A00] =	vst v19  }
0x1fb: {  	v19 =	vld.idx.msk [tilespmem:v18+s0+$0x900 ss:$0x1], $0xffff  }
0x1fc: {  	v53 =	vld.idx.msk [tilespmem:v18+s0+$0x910 ss:$0x1], $0xffff  }
0x1fd: {  	v54 =	vld.idx.msk [tilespmem:v18+s0+$0x920 ss:$0x1], $0xffff  }
0x1fe: {  	v55 =	vld.idx.msk [tilespmem:v18+s0+$0x930 ss:$0x1], $0xffff  }
0x1ff: {  	v20 =	vmul.f32 v45, v20;
	v23 =	vmul.f32 v47, v60;
	v56 =	vld.idx.msk [tilespmem:v18+s0+$0x940 ss:$0x1], $0xffff  }
0x200: {  	v26 =	vmul.f32 v46, v59;
	v25 =	vmul.f32 v48, v61;
	v57 =	vld.idx.msk [tilespmem:v18+s0+$0x950 ss:$0x1], $0xffff  }
0x201: {  	v59 =	vmul.f32 v49, v62;
	v27 =	vld.idx.msk [tilespmem:v18+s0+$0x960 ss:$0x1], $0xffff  }
0x202: {  	v22 =	vmul.f32 v50, v63;
	v58 =	vld.idx.msk [tilespmem:v18+s0+$0x970 ss:$0x1], $0xffff;
	v20 =	vadd.f32 v23, v20;
	v25 =	vadd.f32 v25, v26  }
0x203: {  	v24 =	vmul.f32 v51, v42;
	v60 =	vld.idx.msk [tilespmem:v18+s0+$0xC900 ss:$0x1], $0xffff  }
0x204: {  	v21 =	vmul.f32 v52, v43;
	v61 =	vld.idx.msk [tilespmem:v18+s0+$0xC910 ss:$0x1], $0xffff;
	v20 =	vadd.f32 v59, v20;
	v22 =	vadd.f32 v22, v25  }
0x205: {  	v62 =	vld.idx.msk [tilespmem:v18+s0+$0xC920 ss:$0x1], $0xffff  }
0x206: {  	v63 =	vld.idx.msk [tilespmem:v18+s0+$0xC930 ss:$0x1], $0xffff;
	v20 =	vadd.f32 v24, v20;
	v21 =	vadd.f32 v21, v22  }
0x207: {  	v44 =	vld.idx.msk [tilespmem:v18+s0+$0xC940 ss:$0x1], $0xffff  }
0x208: {  	v45 =	vld.idx.msk [tilespmem:v18+s0+$0xC950 ss:$0x1], $0xffff;
	v20 =	vadd.f32 v21, v20  }
0x209: {  	v46 =	vld.idx.msk [tilespmem:v18+s0+$0xC960 ss:$0x1], $0xffff  }
0x20a: {  	v47 =	vld.idx.msk [tilespmem:v18+s0+$0xC970 ss:$0x1], $0xffff;
	[tilespmem:s3+$0x18A80] =	vst v20  }
0x20b: {  	v20 =	vld.idx.msk [tilespmem:v18+s0+$0x980 ss:$0x1], $0xffff  }
0x20c: {  	v48 =	vld.idx.msk [tilespmem:v18+s0+$0x990 ss:$0x1], $0xffff  }
0x20d: {  	v49 =	vld.idx.msk [tilespmem:v18+s0+$0x9A0 ss:$0x1], $0xffff  }
0x20e: {  	v50 =	vld.idx.msk [tilespmem:v18+s0+$0x9B0 ss:$0x1], $0xffff  }
0x20f: {  	v19 =	vmul.f32 v60, v19;
	v23 =	vmul.f32 v62, v54;
	v51 =	vld.idx.msk [tilespmem:v18+s0+$0x9C0 ss:$0x1], $0xffff  }
0x210: {  	v26 =	vmul.f32 v61, v53;
	v25 =	vmul.f32 v63, v55;
	v52 =	vld.idx.msk [tilespmem:v18+s0+$0x9D0 ss:$0x1], $0xffff  }
0x211: {  	v54 =	vmul.f32 v44, v56;
	v43 =	vld.idx.msk [tilespmem:v18+s0+$0x9E0 ss:$0x1], $0xffff  }
0x212: {  	v22 =	vmul.f32 v45, v57;
	v19 =	vadd.f32 v23, v19;
	v25 =	vadd.f32 v25, v26;
	v53 =	vld.idx.msk [tilespmem:v18+s0+$0x9F0 ss:$0x1], $0xffff  }
0x213: {  	v24 =	vmul.f32 v46, v27;
	v55 =	vld.idx.msk [tilespmem:v18+s0+$0xC980 ss:$0x1], $0xffff  }
0x214: {  	v21 =	vmul.f32 v47, v58;
	v56 =	vld.idx.msk [tilespmem:v18+s0+$0xC990 ss:$0x1], $0xffff;
	v19 =	vadd.f32 v54, v19;
	v22 =	vadd.f32 v22, v25  }
0x215: {  	v57 =	vld.idx.msk [tilespmem:v18+s0+$0xC9A0 ss:$0x1], $0xffff  }
0x216: {  	v58 =	vld.idx.msk [tilespmem:v18+s0+$0xC9B0 ss:$0x1], $0xffff;
	v19 =	vadd.f32 v24, v19;
	v21 =	vadd.f32 v21, v22  }
0x217: {  	v59 =	vld.idx.msk [tilespmem:v18+s0+$0xC9C0 ss:$0x1], $0xffff  }
0x218: {  	v60 =	vld.idx.msk [tilespmem:v18+s0+$0xC9D0 ss:$0x1], $0xffff;
	v19 =	vadd.f32 v21, v19  }
0x219: {  	v61 =	vld.idx.msk [tilespmem:v18+s0+$0xC9E0 ss:$0x1], $0xffff  }
0x21a: {  	v62 =	vld.idx.msk [tilespmem:v18+s0+$0xC9F0 ss:$0x1], $0xffff;
	[tilespmem:s3+$0x18B00] =	vst v19  }
0x21b: {  	v19 =	vld.idx.msk [tilespmem:v18+s0+$0xA00 ss:$0x1], $0xffff  }
0x21c: {  	v28 =	vld.idx.msk [tilespmem:v18+s0+$0xA10 ss:$0x1], $0xffff  }
0x21d: {  	v63 =	vld.idx.msk [tilespmem:v18+s0+$0xA20 ss:$0x1], $0xffff  }
0x21e: {  	v44 =	vld.idx.msk [tilespmem:v18+s0+$0xA30 ss:$0x1], $0xffff  }
0x21f: {  	v20 =	vmul.f32 v55, v20;
	v23 =	vmul.f32 v57, v49;
	v45 =	vld.idx.msk [tilespmem:v18+s0+$0xA40 ss:$0x1], $0xffff  }
0x220: {  	v26 =	vmul.f32 v56, v48;
	v25 =	vmul.f32 v58, v50;
	v46 =	vld.idx.msk [tilespmem:v18+s0+$0xA50 ss:$0x1], $0xffff  }
0x221: {  	v49 =	vmul.f32 v59, v51;
	v47 =	vld.idx.msk [tilespmem:v18+s0+$0xA60 ss:$0x1], $0xffff  }
0x222: {  	v22 =	vmul.f32 v60, v52;
	v48 =	vld.idx.msk [tilespmem:v18+s0+$0xA70 ss:$0x1], $0xffff;
	v20 =	vadd.f32 v23, v20;
	v25 =	vadd.f32 v25, v26  }
0x223: {  	v24 =	vmul.f32 v61, v43;
	v50 =	vld.idx.msk [tilespmem:v18+s0+$0xCA00 ss:$0x1], $0xffff  }
0x224: {  	v21 =	vmul.f32 v62, v53;
	v51 =	vld.idx.msk [tilespmem:v18+s0+$0xCA10 ss:$0x1], $0xffff;
	v20 =	vadd.f32 v49, v20;
	v22 =	vadd.f32 v22, v25  }
0x225: {  	v52 =	vld.idx.msk [tilespmem:v18+s0+$0xCA20 ss:$0x1], $0xffff  }
0x226: {  	v53 =	vld.idx.msk [tilespmem:v18+s0+$0xCA30 ss:$0x1], $0xffff;
	v20 =	vadd.f32 v24, v20;
	v21 =	vadd.f32 v21, v22  }
0x227: {  	v54 =	vld.idx.msk [tilespmem:v18+s0+$0xCA40 ss:$0x1], $0xffff  }
0x228: {  	v55 =	vld.idx.msk [tilespmem:v18+s0+$0xCA50 ss:$0x1], $0xffff;
	v20 =	vadd.f32 v21, v20  }
0x229: {  	v56 =	vld.idx.msk [tilespmem:v18+s0+$0xCA60 ss:$0x1], $0xffff  }
0x22a: {  	v57 =	vld.idx.msk [tilespmem:v18+s0+$0xCA70 ss:$0x1], $0xffff;
	[tilespmem:s3+$0x18B80] =	vst v20  }
0x22b: {  	v20 =	vld.idx.msk [tilespmem:v18+s0+$0xA80 ss:$0x1], $0xffff  }
0x22c: {  	v58 =	vld.idx.msk [tilespmem:v18+s0+$0xA90 ss:$0x1], $0xffff  }
0x22d: {  	v59 =	vld.idx.msk [tilespmem:v18+s0+$0xAA0 ss:$0x1], $0xffff  }
0x22e: {  	v60 =	vld.idx.msk [tilespmem:v18+s0+$0xAB0 ss:$0x1], $0xffff  }
0x22f: {  	v19 =	vmul.f32 v50, v19;
	v23 =	vmul.f32 v52, v63;
	v61 =	vld.idx.msk [tilespmem:v18+s0+$0xAC0 ss:$0x1], $0xffff  }
0x230: {  	v26 =	vmul.f32 v51, v28;
	v25 =	vmul.f32 v53, v44;
	v62 =	vld.idx.msk [tilespmem:v18+s0+$0xAD0 ss:$0x1], $0xffff  }
0x231: {  	v42 =	vmul.f32 v54, v45;
	v63 =	vld.idx.msk [tilespmem:v18+s0+$0xAE0 ss:$0x1], $0xffff  }
0x232: {  	v22 =	vmul.f32 v55, v46;
	v19 =	vadd.f32 v23, v19;
	v25 =	vadd.f32 v25, v26;
	v41 =	vld.idx.msk [tilespmem:v18+s0+$0xAF0 ss:$0x1], $0xffff  }
0x233: {  	v24 =	vmul.f32 v56, v47;
	v43 =	vld.idx.msk [tilespmem:v18+s0+$0xCA80 ss:$0x1], $0xffff  }
0x234: {  	v21 =	vmul.f32 v57, v48;
	v44 =	vld.idx.msk [tilespmem:v18+s0+$0xCA90 ss:$0x1], $0xffff;
	v19 =	vadd.f32 v42, v19;
	v22 =	vadd.f32 v22, v25  }
0x235: {  	v45 =	vld.idx.msk [tilespmem:v18+s0+$0xCAA0 ss:$0x1], $0xffff  }
0x236: {  	v46 =	vld.idx.msk [tilespmem:v18+s0+$0xCAB0 ss:$0x1], $0xffff;
	v19 =	vadd.f32 v24, v19;
	v21 =	vadd.f32 v21, v22  }
0x237: {  	v47 =	vld.idx.msk [tilespmem:v18+s0+$0xCAC0 ss:$0x1], $0xffff  }
0x238: {  	v48 =	vld.idx.msk [tilespmem:v18+s0+$0xCAD0 ss:$0x1], $0xffff;
	v19 =	vadd.f32 v21, v19  }
0x239: {  	v49 =	vld.idx.msk [tilespmem:v18+s0+$0xCAE0 ss:$0x1], $0xffff  }
0x23a: {  	v50 =	vld.idx.msk [tilespmem:v18+s0+$0xCAF0 ss:$0x1], $0xffff;
	[tilespmem:s3+$0x18C00] =	vst v19  }
0x23b: {  	v19 =	vld.idx.msk [tilespmem:v18+s0+$0xB00 ss:$0x1], $0xffff  }
0x23c: {  	v51 =	vld.idx.msk [tilespmem:v18+s0+$0xB10 ss:$0x1], $0xffff  }
0x23d: {  	v33 =	vld.idx.msk [tilespmem:v18+s0+$0xB20 ss:$0x1], $0xffff  }
0x23e: {  	v52 =	vld.idx.msk [tilespmem:v18+s0+$0xB30 ss:$0x1], $0xffff  }
0x23f: {  	v20 =	vmul.f32 v43, v20;
	v23 =	vmul.f32 v45, v59;
	v35 =	vld.idx.msk [tilespmem:v18+s0+$0xB40 ss:$0x1], $0xffff  }
0x240: {  	v26 =	vmul.f32 v44, v58;
	v25 =	vmul.f32 v46, v60;
	v36 =	vld.idx.msk [tilespmem:v18+s0+$0xB50 ss:$0x1], $0xffff  }
0x241: {  	v53 =	vmul.f32 v47, v61;
	v31 =	vld.idx.msk [tilespmem:v18+s0+$0xB60 ss:$0x1], $0xffff  }
0x242: {  	v22 =	vmul.f32 v48, v62;
	v32 =	vld.idx.msk [tilespmem:v18+s0+$0xB70 ss:$0x1], $0xffff;
	v20 =	vadd.f32 v23, v20;
	v25 =	vadd.f32 v25, v26  }
0x243: {  	v24 =	vmul.f32 v49, v63;
	v54 =	vld.idx.msk [tilespmem:v18+s0+$0xCB00 ss:$0x1], $0xffff  }
0x244: {  	v21 =	vmul.f32 v50, v41;
	v55 =	vld.idx.msk [tilespmem:v18+s0+$0xCB10 ss:$0x1], $0xffff;
	v20 =	vadd.f32 v53, v20;
	v22 =	vadd.f32 v22, v25  }
0x245: {  	v56 =	vld.idx.msk [tilespmem:v18+s0+$0xCB20 ss:$0x1], $0xffff  }
0x246: {  	v57 =	vld.idx.msk [tilespmem:v18+s0+$0xCB30 ss:$0x1], $0xffff;
	v20 =	vadd.f32 v24, v20;
	v21 =	vadd.f32 v21, v22  }
0x247: {  	v58 =	vld.idx.msk [tilespmem:v18+s0+$0xCB40 ss:$0x1], $0xffff  }
0x248: {  	v59 =	vld.idx.msk [tilespmem:v18+s0+$0xCB50 ss:$0x1], $0xffff;
	v20 =	vadd.f32 v21, v20  }
0x249: {  	v60 =	vld.idx.msk [tilespmem:v18+s0+$0xCB60 ss:$0x1], $0xffff  }
0x24a: {  	v61 =	vld.idx.msk [tilespmem:v18+s0+$0xCB70 ss:$0x1], $0xffff;
	[tilespmem:s3+$0x18C80] =	vst v20  }
0x24b: {  	v20 =	vld.idx.msk [tilespmem:v18+s0+$0xB80 ss:$0x1], $0xffff  }
0x24c: {  	v62 =	vld.idx.msk [tilespmem:v18+s0+$0xB90 ss:$0x1], $0xffff  }
0x24d: {  	v63 =	vld.idx.msk [tilespmem:v18+s0+$0xBA0 ss:$0x1], $0xffff  }
0x24e: {  	v48 =	vld.idx.msk [tilespmem:v18+s0+$0xBB0 ss:$0x1], $0xffff  }
0x24f: {  	v49 =	vld.idx.msk [tilespmem:v18+s0+$0xBC0 ss:$0x1], $0xffff  }
0x250: {  	v50 =	vld.idx.msk [tilespmem:v18+s0+$0xBD0 ss:$0x1], $0xffff  }
0x251: {  	v41 =	vld.idx.msk [tilespmem:v18+s0+$0xBE0 ss:$0x1], $0xffff  }
0x252: {  	v42 =	vld.idx.msk [tilespmem:v18+s0+$0xBF0 ss:$0x1], $0xffff  }
0x253: {  	v43 =	vld.idx.msk [tilespmem:v18+s0+$0xCB80 ss:$0x1], $0xffff  }
0x254: {  	v44 =	vld.idx.msk [tilespmem:v18+s0+$0xCB90 ss:$0x1], $0xffff  }
0x255: {  	v45 =	vld.idx.msk [tilespmem:v18+s0+$0xCBA0 ss:$0x1], $0xffff  }
0x256: {  	v19 =	vmul.f32 v54, v19;
	v26 =	vmul.f32 v55, v51;
	v46 =	vld.idx.msk [tilespmem:v18+s0+$0xCBB0 ss:$0x1], $0xffff  }
0x257: {  	v23 =	vmul.f32 v56, v33;
	v25 =	vmul.f32 v57, v52;
	v47 =	vld.idx.msk [tilespmem:v18+s0+$0xCBC0 ss:$0x1], $0xffff  }
0x258: {  	v27 =	vmul.f32 v58, v35;
	v22 =	vmul.f32 v59, v36;
	v51 =	vld.idx.msk [tilespmem:v18+s0+$0xCBD0 ss:$0x1], $0xffff  }
0x259: {  	v24 =	vmul.f32 v60, v31;
	v21 =	vmul.f32 v61, v32;
	v52 =	vld.idx.msk [tilespmem:v18+s0+$0xCBE0 ss:$0x1], $0xffff  }
0x25a: {  	v53 =	vld.idx.msk [tilespmem:v18+s0+$0xCBF0 ss:$0x1], $0xffff;
	v20 =	vmul.f32 v43, v20;
	v54 =	vmul.f32 v45, v63  }
0x25b: {  	v55 =	vmul.f32 v44, v62;
	v56 =	vmul.f32 v46, v48  }
0x25c: {  	v19 =	vadd.f32 v23, v19;
	v25 =	vadd.f32 v25, v26;
	v57 =	vmul.f32 v47, v49  }
0x25d: {  	v59 =	vmul.f32 v51, v50;
	v20 =	vadd.f32 v54, v20;
	v58 =	vadd.f32 v56, v55  }
0x25e: {  	v19 =	vadd.f32 v27, v19;
	v22 =	vadd.f32 v22, v25;
	v61 =	vmul.f32 v52, v41  }
0x25f: {  	v62 =	vmul.f32 v53, v42;
	v20 =	vadd.f32 v57, v20;
	v60 =	vadd.f32 v59, v58  }
0x260: {  	p0 =	sne.s32 s31, $0x7;
	v19 =	vadd.f32 v24, v19;
	v21 =	vadd.f32 v21, v22  }
.Ltmp0:
0x261: {  	v20 =	vadd.f32 v61, v20;
	v63 =	vadd.f32 v62, v60;
	(pc) =	sbr.rel @p0 .LBB2_3-.Ltmp0, $4  }
0x262: {  	v19 =	vadd.f32 v21, v19  }
0x263: {  	v20 =	vadd.f32 v63, v20  }
0x264: {  	[tilespmem:s3+$0x18D00] =	vst v19  }
0x265: {  	[tilespmem:s3+$0x18D80] =	vst v20  }
0x266: {  	_ =	sdelay $0x3  }
0x267: {  	v17 =	vld.idx.msk [tilespmem:v1+s22+$0x0], $0xffff  }
0x268: {  	v18 =	vld.idx.msk [tilespmem:v2+s22+$0x0], $0xffff  }
0x269: {  	v19 =	vld.idx.msk [tilespmem:v3+s22+$0x0], $0xffff  }
0x26a: {  	v20 =	vld.idx.msk [tilespmem:v4+s22+$0x0], $0xffff  }
0x26b: {  	v21 =	vld.idx.msk [tilespmem:v5+s22+$0x0], $0xffff  }
0x26c: {  	v22 =	vld.idx.msk [tilespmem:v6+s22+$0x0], $0xffff  }
0x26d: {  	v23 =	vld.idx.msk [tilespmem:v7+s22+$0x0], $0xffff  }
0x26e: {  	v24 =	vld.idx.msk [tilespmem:v8+s22+$0x0], $0xffff  }
0x26f: {  	v58 =	vld.idx.msk [tilespmem:v10+s22+$0x0], $0xffff;
	v17 =	vadd.f32 v19, v17;
	v18 =	vadd.f32 v20, v18  }
0x270: {  	v19 =	vld.idx.msk [tilespmem:v9+s22+$0x0], $0xffff  }
0x271: {  	v59 =	vld.idx.msk [tilespmem:v11+s22+$0x0], $0xffff;
	v17 =	vadd.f32 v21, v17;
	v18 =	vadd.f32 v22, v18  }
0x272: {  	v60 =	vld.idx.msk [tilespmem:v12+s22+$0x0], $0xffff  }
0x273: {  	v61 =	vld.idx.msk [tilespmem:v13+s22+$0x0], $0xffff;
	v17 =	vadd.f32 v23, v17;
	v18 =	vadd.f32 v24, v18  }
0x274: {  	v62 =	vld.idx.msk [tilespmem:v14+s22+$0x0], $0xffff  }
0x275: {  	v63 =	vld.idx.msk [tilespmem:v16+s22+$0x0], $0xffff;
	v17 =	vadd.f32 v19, v17;
	v18 =	vadd.f32 v58, v18  }
0x276: {  	v19 =	vld.idx.msk [tilespmem:v15+s22+$0x0], $0xffff  }
0x277: {  	v17 =	vadd.f32 v59, v17;
	v18 =	vadd.f32 v60, v18;
	_ =	sdelay $0x1  }
0x278: {  	v17 =	vadd.f32 v61, v17;
	v18 =	vadd.f32 v62, v18;
	_ =	sdelay $0x1  }
0x279: {  	v17 =	vadd.f32 v19, v17;
	v18 =	vadd.f32 v63, v18;
	_ =	sdelay $0x1  }
0x27a: {  	v17 =	vadd.f32 v18, v17;
	_ =	sdelay $0x1  }
0x27b: {  	v17 =	vsub.f32 $0.0e+00, v17;
	_ =	sdelay $0x1  }
0x27c: {  	v17 =	vmul.f32 $1.442695020e+00, v17;
	_ =	sdelay $0x1  }
0x27d: {  	(erf) = vpow2.f32 v17;
	_ =	sdelay $0x8  }
0x27e: {  	v17 =	vpop (erf)  }
0x27f: {  	v17 =	vadd.f32 $1.000000000e+00, v17;
	_ =	sdelay $0x1  }
0x280: {  	(erf) = vrcp.f32 v17;
	_ =	sdelay $0x8  }
0x281: {  	p0 =	sne.s32 s26, $0x0;
	v17 =	vpop (erf)  }
0x282: {  	s0 =	simm.s32 @!p0 $0x80;
	s3 =	simm.s32 @!p0 $0x180;
	[tilespmem:s30+$0x18470] =	vst v17  }
0x283: {  	[tilespmem:s29], [sflag:$0x1] =	stream.indirect.gather @!p0 [hbm4b:s1+s0], $0x80, s3, s0, $0xb8;
	[tilespmem:$0x19600] =	vst v63  }
0x284: {  	s26 =	sadd.s32 $0x1, s26;
	s3 =	simm.s32 @!p0 $0x380  }
0x285: {  	[tilespmem:s28], [sflag:$0x2] =	stream.indirect.gather @!p0 [hbm4b:s2+s0], $0x80, s3, s0, $0xb8;
	[tilespmem:$0x19600] =	vst v63  }
0x286: {  	p0 =	sne.s32 s26, $0x4  }
.Ltmp1:
0x287: {  	_ = 	snop;
	(pc) =	sbr.rel @p0 .LBB2_2-.Ltmp1, $1  }
0x288: {  	_ =	sdelay $0x3  }
0x289: {  	s25 =	sadd.s32 $0x1, s25  }
0x28a: {  	p0 =	sne.s32 s25, s8  }
.Ltmp2:
0x28b: {  	_ = 	snop;
	(pc) =	sbr.rel @p0 .LBB2_1-.Ltmp2, $4  }
0x28c: {  	[hbm4b:s7+s4] =	stream.linear.scatter [tilespmem:s23], [sflag:$0x3], $0x200, $0x38;
	[tilespmem:$0x19600] =	vst v63  }
0x28d: {  	_ =	swait.ge [sflag:s24], $0x200  }
0x28e: {  	[sflag:s24] =	ssyncset.done $0x0  }
0x28f: {  	[sflag:s24] =	ssyncadd.s32 $0xFFFFFE00  }
0x290: {  	_ =	sfence.sel $0x180000  }
0x291: {  	[bflag:$0x0] =	sbarrier.arrive $0xFFFF  }
0x292: {  	_ =	strace $0x90000047  }
0x293: {  	s0 =	stileid.u32;
	[bflag:$0x2] =	sbarrier.arrive $0xFFFF  }
0x294: {  	p0 =	sne.s32 s0, $0x0;
	s0 =	rddreg [dreg:$0x5]  }
0x295: {  	s0 =	sadd.s32 @!p0 $0x100000, s0  }
0x296: {  	[sflag:s0] =	ssyncadd.tile.s32 @!p0 $0x1;
	_ =	shalt  }
.Lfunc_end2:
_tile_overlayer_lowered:
.L_overlay_start_2:
0x297: {  	(tag) =	ssettag $0x2  }
0x298: {  	s0 =	rddreg [dreg:$0x0];
	s2 =	stileid.u32  }
0x299: {  	s1 =	rddreg [dreg:$0x1];
	p0 =	sne.s32 s2, $0x0  }
0x29a: {  	s3 =	rddreg [dreg:$0x2];
	[bflag:$0x3] =	sbarrier.arrive $0xFFFF;
	s2 =	simm.s32 @!p0 $0x1C03  }
0x29b: {  	[timem:s3], [sflag:s2] =	dma.local @!p0 [hbm:s0], s1  }
0x29c: {  	s0 =	simm.s32 @!p0 $0x3  }
0x29d: {  	_ =	swait.ge @!p0 [sflag:s0], s1  }
0x29e: {  	s1 =	ssub.s32 @!p0 $0x0, s1;
	[sflag:s0] =	ssyncset.done @!p0 $0x0  }
0x29f: {  	[sflag:s0] =	ssyncadd.s32 @!p0 s1  }
0x2a0: {  	[bflag:$0x3] =	sbarrier.arrive $0xFFFF  }
0x2a1: {  	_ =	shalt  }

</sc_bundles>
